<compile_context>
chip_gen: v7x
topology: tpu7x:2x2x1
jax: 0.10.2.dev20260603
libtpu: 0.0.44.dev20260713+nightly
codegen_flags: <defaults>
</compile_context>

<pallas_src>
import functools

import jax
import jax.numpy as jnp
from jax import lax
from jax.experimental import pallas as pl
from jax.experimental.pallas import tpu as pltpu
from jax.experimental.pallas import tpu_sc as plsc

_N_NODES = 50000
_E = 3200000
_NC = 2
_NS = 16
_NW = _NC * _NS
_EPW = _E // _NW
_CH = 4000
_NCHUNK = _EPW // _CH
_NB = 2
assert _CH % 80 == 0 and _NCHUNK >= 2 * _NB
_SLICE = 3136
_NPAD = _NS * _SLICE

_mesh = plsc.VectorSubcoreMesh(core_axis_name="c", subcore_axis_name="s")


def _unrolled(total, unroll, body16):
    assert total % unroll == 0
    def outer(kk, carry):
        for u in range(unroll):
            body16(kk * unroll + u)
        return carry
    lax.fori_loop(0, total // unroll, outer, 0)


@functools.partial(
    pl.kernel,
    mesh=_mesh,
    compiler_params=pltpu.CompilerParams(needs_layout_passes=False),
    out_type=jax.ShapeDtypeStruct((_NC * _NPAD,), jnp.float32),
    scratch_types=[
        pltpu.VMEM((_NPAD,), jnp.float32),
        [pltpu.VMEM((_CH,), jnp.int32) for _ in range(_NB)],
        [pltpu.VMEM((_CH,), jnp.float32) for _ in range(_NB)],
        [pltpu.VMEM((_SLICE,), jnp.float32) for _ in range(2)],
        pltpu.VMEM((_SLICE,), jnp.float32),
        pltpu.VMEM_SHARED((_NS * _NPAD,), jnp.float32),
        [pltpu.SemaphoreType.DMA for _ in range(_NB)],
        [pltpu.SemaphoreType.DMA for _ in range(2)],
    ],
)
def _hist_kernel(row_hbm, attr_hbm, out_hbm, hist, idxb, attrb, tmps, acc,
                 shared, lsems, rsems):
    c = lax.axis_index("c")
    s = lax.axis_index("s")
    base = (c * _NS + s) * _EPW

    def issue_load(j, p):
        off = base + j * _CH
        pltpu.make_async_copy(row_hbm.at[pl.ds(off, _CH)], idxb[p], lsems[p]).start()
        pltpu.make_async_copy(attr_hbm.at[pl.ds(off, _CH)], attrb[p], lsems[p]).start()

    def wait_load(p):
        pltpu.make_async_copy(row_hbm.at[pl.ds(0, _CH)], idxb[p], lsems[p]).wait()
        pltpu.make_async_copy(attr_hbm.at[pl.ds(0, _CH)], attrb[p], lsems[p]).wait()

    def compute(p):
        @plsc.parallel_loop(0, _CH // 16, unroll=5)
        def vec_body(k):
            i = idxb[p][pl.ds(k * 16, 16)]
            a = attrb[p][pl.ds(k * 16, 16)]
            plsc.addupdate_scatter(hist, [i], a)

    for p in range(_NB):
        issue_load(p, p)

    def zero_body(k):
        hist[pl.ds(k * 16, 16)] = jnp.zeros((16,), jnp.float32)
    _unrolled(_NPAD // 16, 8, zero_body)

    _M = (_NCHUNK - _NB) // _NB

    def round_body(jj, carry):
        for p in range(_NB):
            j = _NB * jj + p
            wait_load(p)
            compute(p)
            issue_load(j + _NB, p)
        return carry
    lax.fori_loop(0, _M, round_body, 0)

    for j in range(_NB * _M, _NCHUNK):
        p = j % _NB
        wait_load(p)
        compute(p)
        if j + _NB < _NCHUNK:
            issue_load(j + _NB, p)

    pltpu.sync_copy(hist, shared.at[pl.ds(s * _NPAD, _NPAD)])
    plsc.subcore_barrier()

    soff = s * _SLICE

    def issue_red(t, q):
        pltpu.make_async_copy(shared.at[pl.ds(t * _NPAD + soff, _SLICE)],
                              tmps[q], rsems[q]).start()

    def wait_red(q):
        pltpu.make_async_copy(shared.at[pl.ds(soff, _SLICE)],
                              tmps[q], rsems[q]).wait()

    issue_red(1, 1)
    pltpu.sync_copy(shared.at[pl.ds(soff, _SLICE)], acc)
    for t in range(1, _NS):
        q = t % 2
        wait_red(q)
        if t + 1 < _NS:
            issue_red(t + 1, (t + 1) % 2)

        def add_body(k, _q=q):
            acc[pl.ds(k * 16, 16)] = acc[pl.ds(k * 16, 16)] + tmps[_q][pl.ds(k * 16, 16)]
        _unrolled(_SLICE // 16, 4, add_body)

    pltpu.sync_copy(acc, out_hbm.at[pl.ds(c * _NPAD + soff, _SLICE)])


@functools.partial(
    pl.kernel,
    mesh=_mesh,
    compiler_params=pltpu.CompilerParams(needs_layout_passes=False),
    out_type=jax.ShapeDtypeStruct((_E,), jnp.float32),
    scratch_types=[
        pltpu.VMEM((_NPAD,), jnp.float32),
        [pltpu.VMEM((_CH,), jnp.int32) for _ in range(_NB)],
        [pltpu.VMEM((_CH,), jnp.float32) for _ in range(_NB)],
        [pltpu.VMEM((_CH,), jnp.float32) for _ in range(_NB)],
        [pltpu.VMEM((_SLICE,), jnp.float32) for _ in range(2)],
        pltpu.VMEM_SHARED((_NPAD,), jnp.float32),
        [pltpu.SemaphoreType.DMA for _ in range(_NB)],
        [pltpu.SemaphoreType.DMA for _ in range(_NB)],
    ],
)
def _norm_kernel(row_hbm, attr_hbm, partial_hbm, out_hbm, table,
                 idxb, attrb, outb, slc, table_sh, lsems, ssems):
    c = lax.axis_index("c")
    s = lax.axis_index("s")
    base = (c * _NS + s) * _EPW

    def issue_load(j, p):
        off = base + j * _CH
        pltpu.make_async_copy(row_hbm.at[pl.ds(off, _CH)], idxb[p], lsems[p]).start()
        pltpu.make_async_copy(attr_hbm.at[pl.ds(off, _CH)], attrb[p], lsems[p]).start()

    def wait_load(p):
        pltpu.make_async_copy(row_hbm.at[pl.ds(0, _CH)], idxb[p], lsems[p]).wait()
        pltpu.make_async_copy(attr_hbm.at[pl.ds(0, _CH)], attrb[p], lsems[p]).wait()

    def issue_store(j, p):
        off = base + j * _CH
        pltpu.make_async_copy(outb[p], out_hbm.at[pl.ds(off, _CH)], ssems[p]).start()

    def wait_store(p):
        pltpu.make_async_copy(outb[p], out_hbm.at[pl.ds(0, _CH)], ssems[p]).wait()

    def compute(p):
        @plsc.parallel_loop(0, _CH // 16, unroll=5)
        def vec_body(k):
            i = idxb[p][pl.ds(k * 16, 16)]
            a = attrb[p][pl.ds(k * 16, 16)]
            n = plsc.load_gather(table, [i])
            outb[p][pl.ds(k * 16, 16)] = a * n

    for p in range(_NB):
        issue_load(p, p)

    soff = s * _SLICE
    pltpu.sync_copy(partial_hbm.at[pl.ds(soff, _SLICE)], slc[0])
    pltpu.sync_copy(partial_hbm.at[pl.ds(_NPAD + soff, _SLICE)], slc[1])

    def inv_body(k):
        d = pl.ds(k * 16, 16)
        slc[0][d] = 1.0 / (slc[0][d] + slc[1][d])
    _unrolled(_SLICE // 16, 4, inv_body)

    pltpu.sync_copy(slc[0], table_sh.at[pl.ds(soff, _SLICE)])
    plsc.subcore_barrier()
    pltpu.sync_copy(table_sh, table)

    for p in range(_NB):
        wait_load(p)
        compute(p)
        issue_store(p, p)
        issue_load(p + _NB, p)

    _M = (_NCHUNK - _NB) // _NB

    def round_body(jj, carry):
        for p in range(_NB):
            j = _NB * jj + p
            wait_load(p)
            wait_store(p)
            compute(p)
            issue_store(j, p)
            issue_load(j + _NB, p)
        return carry
    lax.fori_loop(1, _M, round_body, 0)

    for j in range(_NB * _M, _NCHUNK):
        p = j % _NB
        wait_load(p)
        wait_store(p)
        compute(p)
        issue_store(j, p)
        if j + _NB < _NCHUNK:
            issue_load(j + _NB, p)

    for p in range(_NB):
        wait_store(p)


def kernel(edge_index, edge_attr, N):
    row = edge_index[0]
    partial = _hist_kernel(row, edge_attr)
    return _norm_kernel(row, edge_attr, partial)

# --- scband reference (transcript-rebuilt; emitter-appended) ---
"""Pipeline reference for scband-row-uniform-25744033972459 (READ-ONLY COPY).

The authoritative reference and input builder live on the scoring server;
editing this copy changes nothing except your own understanding.
"""

import jax, jax.numpy as jnp
import numpy as np

N_NODES = 50000
N_EDGES = 3200000

def setup_inputs(seed: int = 0) -> dict:
    key = jax.random.key(seed)
    k1, k2 = jax.random.split(key)
    edge_index = jax.random.randint(k1, (2, N_EDGES), 0, N_NODES, dtype=jnp.int32)
    edge_attr = jax.random.uniform(k2, (N_EDGES,), dtype=jnp.float32)
    return {"edge_index": edge_index, "edge_attr": edge_attr, "N": N_NODES}

def reference(edge_index, edge_attr, N):
    # spmm(edge_index, edge_attr, N, N, ones[N,1]) == per-row sum of edge values:
    # out[row] += edge_attr[e] * ones[col] -> segment_sum of edge_attr over edge_index[0]
    row = edge_index[0]
    rowsum = jax.ops.segment_sum(edge_attr, row, num_segments=N_NODES)
    rowsum = rowsum + 0.0 * jnp.asarray(N, dtype=rowsum.dtype)
    rownorm = 1.0 / rowsum
    edge_attr_t = rownorm[row] * edge_attr
    return edge_attr_t

if __name__ == "__main__":
    import jax
    _d = setup_inputs()
    print(jax.jit(kernel)(*tuple(_d.values())))

</pallas_src>

<mosaic_0001>
#map = affine_map<(d0, d1) -> (0)>
module attributes {stable_mosaic.version = 14 : i64} {
  func.func @_norm_kernel(%arg0: i32, %arg1: i32, %arg2: memref<3200000xi32, #tpu.memory_space<hbm>>, %arg3: memref<3200000xf32, #tpu.memory_space<hbm>>, %arg4: memref<100352xf32, #tpu.memory_space<hbm>>, %arg5: memref<3200000xf32, #tpu.memory_space<hbm>>, %arg6: memref<50176xf32, #tpu.memory_space<vmem>>, %arg7: memref<4000xi32, #tpu.memory_space<vmem>>, %arg8: memref<4000xi32, #tpu.memory_space<vmem>>, %arg9: memref<4000xf32, #tpu.memory_space<vmem>>, %arg10: memref<4000xf32, #tpu.memory_space<vmem>>, %arg11: memref<4000xf32, #tpu.memory_space<vmem>>, %arg12: memref<4000xf32, #tpu.memory_space<vmem>>, %arg13: memref<3136xf32, #tpu.memory_space<vmem>>, %arg14: memref<3136xf32, #tpu.memory_space<vmem>>, %arg15: memref<50176xf32, #tpu.memory_space<vmem_shared>>, %arg16: memref<!tpu.dma_semaphore, #tpu.memory_space<semaphore_mem>>, %arg17: memref<!tpu.dma_semaphore, #tpu.memory_space<semaphore_mem>>, %arg18: memref<!tpu.dma_semaphore, #tpu.memory_space<semaphore_mem>>, %arg19: memref<!tpu.dma_semaphore, #tpu.memory_space<semaphore_mem>>) attributes {dimension_semantics = [#tpu.dimension_semantics<core_parallel>, #tpu.dimension_semantics<subcore_parallel>], iteration_bounds = array<i64: 2, 16>, scalar_prefetch = 0 : i64, scratch_operands = 14 : i64, tpu.core_type = #tpu.core_type<sc_vector_subcore>, window_params = [{transform_indices = #map}, {transform_indices = #map}, {transform_indices = #map}, {transform_indices = #map}]} {
    %mul3A = arith.constant 16 : i32
    %mul3A_0 = arith.muli %arg0, %mul3A : i32
    %add3A = arith.addi %mul3A_0, %arg1 : i32
    %mul3A_1 = arith.constant 100000 : i32
    %mul3A_2 = arith.muli %add3A, %mul3A_1 : i32
    %add3A_3 = arith.constant 0 : i32
    %add3A_4 = arith.addi %mul3A_2, %add3A_3 : i32
    %dma_start3A = tpu.memref_slice %arg2[%add3A_4] : memref<3200000xi32, #tpu.memory_space<hbm>> -> memref<4000xi32, #tpu.memory_space<hbm>>
    %dma_start3A_5 = tpu.memref_slice %arg2[%add3A_4] : memref<3200000xi32, #tpu.memory_space<hbm>> -> memref<4000xi32, #tpu.memory_space<hbm>>
    tpu.enqueue_dma source(%dma_start3A_5 : memref<4000xi32, #tpu.memory_space<hbm>>) target(%arg7 : memref<4000xi32, #tpu.memory_space<vmem>>) target_semaphore(%arg16 : memref<!tpu.dma_semaphore, #tpu.memory_space<semaphore_mem>>)
    %dma_start3A_6 = tpu.memref_slice %arg3[%add3A_4] : memref<3200000xf32, #tpu.memory_space<hbm>> -> memref<4000xf32, #tpu.memory_space<hbm>>
    %dma_start3A_7 = tpu.memref_slice %arg3[%add3A_4] : memref<3200000xf32, #tpu.memory_space<hbm>> -> memref<4000xf32, #tpu.memory_space<hbm>>
    tpu.enqueue_dma source(%dma_start3A_7 : memref<4000xf32, #tpu.memory_space<hbm>>) target(%arg9 : memref<4000xf32, #tpu.memory_space<vmem>>) target_semaphore(%arg16 : memref<!tpu.dma_semaphore, #tpu.memory_space<semaphore_mem>>)
    %add3A_8 = arith.constant 4000 : i32
    %add3A_9 = arith.addi %mul3A_2, %add3A_8 : i32
    %dma_start3A_10 = tpu.memref_slice %arg2[%add3A_9] : memref<3200000xi32, #tpu.memory_space<hbm>> -> memref<4000xi32, #tpu.memory_space<hbm>>
    %dma_start3A_11 = tpu.memref_slice %arg2[%add3A_9] : memref<3200000xi32, #tpu.memory_space<hbm>> -> memref<4000xi32, #tpu.memory_space<hbm>>
    tpu.enqueue_dma source(%dma_start3A_11 : memref<4000xi32, #tpu.memory_space<hbm>>) target(%arg8 : memref<4000xi32, #tpu.memory_space<vmem>>) target_semaphore(%arg17 : memref<!tpu.dma_semaphore, #tpu.memory_space<semaphore_mem>>)
    %dma_start3A_12 = tpu.memref_slice %arg3[%add3A_9] : memref<3200000xf32, #tpu.memory_space<hbm>> -> memref<4000xf32, #tpu.memory_space<hbm>>
    %dma_start3A_13 = tpu.memref_slice %arg3[%add3A_9] : memref<3200000xf32, #tpu.memory_space<hbm>> -> memref<4000xf32, #tpu.memory_space<hbm>>
    tpu.enqueue_dma source(%dma_start3A_13 : memref<4000xf32, #tpu.memory_space<hbm>>) target(%arg10 : memref<4000xf32, #tpu.memory_space<vmem>>) target_semaphore(%arg17 : memref<!tpu.dma_semaphore, #tpu.memory_space<semaphore_mem>>)
    %mul3A_14 = arith.constant 3136 : i32
    %mul3A_15 = arith.muli %arg1, %mul3A_14 : i32
    "tpu.region"() ({
      %run_scoped3A = tpu.sem_alloc : memref<!tpu.dma_semaphore, #tpu.memory_space<semaphore_mem>>
      %dma_start3A_140 = tpu.memref_slice %arg4[%mul3A_15] : memref<100352xf32, #tpu.memory_space<hbm>> -> memref<3136xf32, #tpu.memory_space<hbm>>
      %dma_start3A_141 = tpu.memref_slice %arg4[%mul3A_15] : memref<100352xf32, #tpu.memory_space<hbm>> -> memref<3136xf32, #tpu.memory_space<hbm>>
      tpu.enqueue_dma source(%dma_start3A_141 : memref<3136xf32, #tpu.memory_space<hbm>>) target(%arg13 : memref<3136xf32, #tpu.memory_space<vmem>>) target_semaphore(%run_scoped3A : memref<!tpu.dma_semaphore, #tpu.memory_space<semaphore_mem>>)
      %dma_wait3A_142 = tpu.memref_slice %arg4[%mul3A_15] : memref<100352xf32, #tpu.memory_space<hbm>> -> memref<3136xf32, #tpu.memory_space<hbm>>
      %dma_wait3A_143 = tpu.memref_slice %arg4[%mul3A_15] : memref<100352xf32, #tpu.memory_space<hbm>> -> memref<3136xf32, #tpu.memory_space<hbm>>
      tpu.wait_dma2 semaphore(%run_scoped3A : memref<!tpu.dma_semaphore, #tpu.memory_space<semaphore_mem>>) src(%dma_wait3A_143 : memref<3136xf32, #tpu.memory_space<hbm>>) dst(%arg13 : memref<3136xf32, #tpu.memory_space<vmem>>)
      tpu.yield
    }) : () -> ()
    %add3A_16 = arith.constant 50176 : i32
    %add3A_17 = arith.addi %add3A_16, %mul3A_15 : i32
    "tpu.region"() ({
      %run_scoped3A = tpu.sem_alloc : memref<!tpu.dma_semaphore, #tpu.memory_space<semaphore_mem>>
      %dma_start3A_140 = tpu.memref_slice %arg4[%add3A_17] : memref<100352xf32, #tpu.memory_space<hbm>> -> memref<3136xf32, #tpu.memory_space<hbm>>
      %dma_start3A_141 = tpu.memref_slice %arg4[%add3A_17] : memref<100352xf32, #tpu.memory_space<hbm>> -> memref<3136xf32, #tpu.memory_space<hbm>>
      tpu.enqueue_dma source(%dma_start3A_141 : memref<3136xf32, #tpu.memory_space<hbm>>) target(%arg14 : memref<3136xf32, #tpu.memory_space<vmem>>) target_semaphore(%run_scoped3A : memref<!tpu.dma_semaphore, #tpu.memory_space<semaphore_mem>>)
      %dma_wait3A_142 = tpu.memref_slice %arg4[%add3A_17] : memref<100352xf32, #tpu.memory_space<hbm>> -> memref<3136xf32, #tpu.memory_space<hbm>>
      %dma_wait3A_143 = tpu.memref_slice %arg4[%add3A_17] : memref<100352xf32, #tpu.memory_space<hbm>> -> memref<3136xf32, #tpu.memory_space<hbm>>
      tpu.wait_dma2 semaphore(%run_scoped3A : memref<!tpu.dma_semaphore, #tpu.memory_space<semaphore_mem>>) src(%dma_wait3A_143 : memref<3136xf32, #tpu.memory_space<hbm>>) dst(%arg14 : memref<3136xf32, #tpu.memory_space<vmem>>)
      tpu.yield
    }) : () -> ()
    %scan3A = arith.constant 0 : i32
    %scan3A_18 = arith.constant 0 : i32
    %scan3A_19 = arith.constant 49 : i32
    %scan3A_20 = arith.addi %scan3A_18, %scan3A_19 : i32
    %scan3A_21 = arith.constant 1 : i32
    scf.for %scan3A_140 = %scan3A_18 to %scan3A_20 step %scan3A_21  : i32 {
      %mul3A_141 = arith.constant 4 : i32
      %mul3A_142 = arith.muli %scan3A_140, %mul3A_141 : i32
      %add3A_143 = arith.constant 0 : i32
      %add3A_144 = arith.addi %mul3A_142, %add3A_143 : i32
      %mul3A_145 = arith.constant 16 : i32
      %mul3A_146 = arith.muli %add3A_144, %mul3A_145 : i32
      %get3A = arith.index_cast %mul3A_146 : i32 to index
      %get3A_147 = tpu.vector_load %arg13[%get3A] {strides = array<i32>} : memref<3136xf32, #tpu.memory_space<vmem>>, vector<16xf32>,
      %get3A_148 = arith.index_cast %mul3A_146 : i32 to index
      %get3A_149 = tpu.vector_load %arg14[%get3A_148] {strides = array<i32>} : memref<3136xf32, #tpu.memory_space<vmem>>, vector<16xf32>,
      %add3A_150 = arith.addf %get3A_147, %get3A_149 : vector<16xf32>
      %div3A = arith.constant 1.000000e+00 : f32
      %div3A_151 = vector.broadcast %div3A : f32 to vector<16xf32>
      %div3A_152 = arith.divf %div3A_151, %add3A_150 : vector<16xf32>
      %swap3A = arith.index_cast %mul3A_146 : i32 to index
      %swap3A_153 = tpu.vector_load %arg13[%swap3A] {strides = array<i32>} : memref<3136xf32, #tpu.memory_space<vmem>>, vector<16xf32>,
      tpu.vector_store %arg13[%swap3A], %div3A_152 {strides = array<i32>} : memref<3136xf32, #tpu.memory_space<vmem>>, vector<16xf32>,
      %mul3A_154 = arith.constant 4 : i32
      %mul3A_155 = arith.muli %scan3A_140, %mul3A_154 : i32
      %add3A_156 = arith.constant 1 : i32
      %add3A_157 = arith.addi %mul3A_155, %add3A_156 : i32
      %mul3A_158 = arith.constant 16 : i32
      %mul3A_159 = arith.muli %add3A_157, %mul3A_158 : i32
      %get3A_160 = arith.index_cast %mul3A_159 : i32 to index
      %get3A_161 = tpu.vector_load %arg13[%get3A_160] {strides = array<i32>} : memref<3136xf32, #tpu.memory_space<vmem>>, vector<16xf32>,
      %get3A_162 = arith.index_cast %mul3A_159 : i32 to index
      %get3A_163 = tpu.vector_load %arg14[%get3A_162] {strides = array<i32>} : memref<3136xf32, #tpu.memory_space<vmem>>, vector<16xf32>,
      %add3A_164 = arith.addf %get3A_161, %get3A_163 : vector<16xf32>
      %div3A_165 = arith.constant 1.000000e+00 : f32
      %div3A_166 = vector.broadcast %div3A_165 : f32 to vector<16xf32>
      %div3A_167 = arith.divf %div3A_166, %add3A_164 : vector<16xf32>
      %swap3A_168 = arith.index_cast %mul3A_159 : i32 to index
      %swap3A_169 = tpu.vector_load %arg13[%swap3A_168] {strides = array<i32>} : memref<3136xf32, #tpu.memory_space<vmem>>, vector<16xf32>,
      tpu.vector_store %arg13[%swap3A_168], %div3A_167 {strides = array<i32>} : memref<3136xf32, #tpu.memory_space<vmem>>, vector<16xf32>,
      %mul3A_170 = arith.constant 4 : i32
      %mul3A_171 = arith.muli %scan3A_140, %mul3A_170 : i32
      %add3A_172 = arith.constant 2 : i32
      %add3A_173 = arith.addi %mul3A_171, %add3A_172 : i32
      %mul3A_174 = arith.constant 16 : i32
      %mul3A_175 = arith.muli %add3A_173, %mul3A_174 : i32
      %get3A_176 = arith.index_cast %mul3A_175 : i32 to index
      %get3A_177 = tpu.vector_load %arg13[%get3A_176] {strides = array<i32>} : memref<3136xf32, #tpu.memory_space<vmem>>, vector<16xf32>,
      %get3A_178 = arith.index_cast %mul3A_175 : i32 to index
      %get3A_179 = tpu.vector_load %arg14[%get3A_178] {strides = array<i32>} : memref<3136xf32, #tpu.memory_space<vmem>>, vector<16xf32>,
      %add3A_180 = arith.addf %get3A_177, %get3A_179 : vector<16xf32>
      %div3A_181 = arith.constant 1.000000e+00 : f32
      %div3A_182 = vector.broadcast %div3A_181 : f32 to vector<16xf32>
      %div3A_183 = arith.divf %div3A_182, %add3A_180 : vector<16xf32>
      %swap3A_184 = arith.index_cast %mul3A_175 : i32 to index
      %swap3A_185 = tpu.vector_load %arg13[%swap3A_184] {strides = array<i32>} : memref<3136xf32, #tpu.memory_space<vmem>>, vector<16xf32>,
      tpu.vector_store %arg13[%swap3A_184], %div3A_183 {strides = array<i32>} : memref<3136xf32, #tpu.memory_space<vmem>>, vector<16xf32>,
      %mul3A_186 = arith.constant 4 : i32
      %mul3A_187 = arith.muli %scan3A_140, %mul3A_186 : i32
      %add3A_188 = arith.constant 3 : i32
      %add3A_189 = arith.addi %mul3A_187, %add3A_188 : i32
      %mul3A_190 = arith.constant 16 : i32
      %mul3A_191 = arith.muli %add3A_189, %mul3A_190 : i32
      %get3A_192 = arith.index_cast %mul3A_191 : i32 to index
      %get3A_193 = tpu.vector_load %arg13[%get3A_192] {strides = array<i32>} : memref<3136xf32, #tpu.memory_space<vmem>>, vector<16xf32>,
      %get3A_194 = arith.index_cast %mul3A_191 : i32 to index
      %get3A_195 = tpu.vector_load %arg14[%get3A_194] {strides = array<i32>} : memref<3136xf32, #tpu.memory_space<vmem>>, vector<16xf32>,
      %add3A_196 = arith.addf %get3A_193, %get3A_195 : vector<16xf32>
      %div3A_197 = arith.constant 1.000000e+00 : f32
      %div3A_198 = vector.broadcast %div3A_197 : f32 to vector<16xf32>
      %div3A_199 = arith.divf %div3A_198, %add3A_196 : vector<16xf32>
      %swap3A_200 = arith.index_cast %mul3A_191 : i32 to index
      %swap3A_201 = tpu.vector_load %arg13[%swap3A_200] {strides = array<i32>} : memref<3136xf32, #tpu.memory_space<vmem>>, vector<16xf32>,
      tpu.vector_store %arg13[%swap3A_200], %div3A_199 {strides = array<i32>} : memref<3136xf32, #tpu.memory_space<vmem>>, vector<16xf32>,
    }
    %scan3A_22 = arith.constant 49 : i32
    "tpu.region"() ({
      %run_scoped3A = tpu.sem_alloc : memref<!tpu.dma_semaphore, #tpu.memory_space<semaphore_mem>>
      %dma_start3A_140 = tpu.memref_slice %arg15[%mul3A_15] : memref<50176xf32, #tpu.memory_space<vmem_shared>> -> memref<3136xf32, #tpu.memory_space<vmem_shared>>
      %dma_start3A_141 = tpu.memref_slice %arg15[%mul3A_15] : memref<50176xf32, #tpu.memory_space<vmem_shared>> -> memref<3136xf32, #tpu.memory_space<vmem_shared>>
      tpu.enqueue_dma source(%arg13 : memref<3136xf32, #tpu.memory_space<vmem>>) target(%dma_start3A_141 : memref<3136xf32, #tpu.memory_space<vmem_shared>>) target_semaphore(%run_scoped3A : memref<!tpu.dma_semaphore, #tpu.memory_space<semaphore_mem>>)
      %dma_wait3A_142 = tpu.memref_slice %arg15[%mul3A_15] : memref<50176xf32, #tpu.memory_space<vmem_shared>> -> memref<3136xf32, #tpu.memory_space<vmem_shared>>
      %dma_wait3A_143 = tpu.memref_slice %arg15[%mul3A_15] : memref<50176xf32, #tpu.memory_space<vmem_shared>> -> memref<3136xf32, #tpu.memory_space<vmem_shared>>
      tpu.wait_dma2 semaphore(%run_scoped3A : memref<!tpu.dma_semaphore, #tpu.memory_space<semaphore_mem>>) src(%arg13 : memref<3136xf32, #tpu.memory_space<vmem>>) dst(%dma_wait3A_143 : memref<3136xf32, #tpu.memory_space<vmem_shared>>)
      tpu.yield
    }) : () -> ()
    %barrier3A = arith.constant 0 : index
    tpu.barrier barrier_id(%barrier3A)
    "tpu.region"() ({
      %run_scoped3A = tpu.sem_alloc : memref<!tpu.dma_semaphore, #tpu.memory_space<semaphore_mem>>
      tpu.enqueue_dma source(%arg15 : memref<50176xf32, #tpu.memory_space<vmem_shared>>) target(%arg6 : memref<50176xf32, #tpu.memory_space<vmem>>) target_semaphore(%run_scoped3A : memref<!tpu.dma_semaphore, #tpu.memory_space<semaphore_mem>>)
      tpu.wait_dma2 semaphore(%run_scoped3A : memref<!tpu.dma_semaphore, #tpu.memory_space<semaphore_mem>>) src(%arg15 : memref<50176xf32, #tpu.memory_space<vmem_shared>>) dst(%arg6 : memref<50176xf32, #tpu.memory_space<vmem>>)
      tpu.yield
    }) : () -> ()
    %dma_wait3A = arith.constant 0 : i32
    %dma_wait3A_23 = tpu.memref_slice %arg2[%dma_wait3A] : memref<3200000xi32, #tpu.memory_space<hbm>> -> memref<4000xi32, #tpu.memory_space<hbm>>
    %dma_wait3A_24 = arith.constant 0 : i32
    %dma_wait3A_25 = tpu.memref_slice %arg2[%dma_wait3A_24] : memref<3200000xi32, #tpu.memory_space<hbm>> -> memref<4000xi32, #tpu.memory_space<hbm>>
    tpu.wait_dma2 semaphore(%arg16 : memref<!tpu.dma_semaphore, #tpu.memory_space<semaphore_mem>>) src(%dma_wait3A_25 : memref<4000xi32, #tpu.memory_space<hbm>>) dst(%arg7 : memref<4000xi32, #tpu.memory_space<vmem>>)
    %dma_wait3A_26 = arith.constant 0 : i32
    %dma_wait3A_27 = tpu.memref_slice %arg3[%dma_wait3A_26] : memref<3200000xf32, #tpu.memory_space<hbm>> -> memref<4000xf32, #tpu.memory_space<hbm>>
    %dma_wait3A_28 = arith.constant 0 : i32
    %dma_wait3A_29 = tpu.memref_slice %arg3[%dma_wait3A_28] : memref<3200000xf32, #tpu.memory_space<hbm>> -> memref<4000xf32, #tpu.memory_space<hbm>>
    tpu.wait_dma2 semaphore(%arg16 : memref<!tpu.dma_semaphore, #tpu.memory_space<semaphore_mem>>) src(%dma_wait3A_29 : memref<4000xf32, #tpu.memory_space<hbm>>) dst(%arg9 : memref<4000xf32, #tpu.memory_space<vmem>>)
    %parallel_loop3A = arith.constant 0 : i32
    %parallel_loop3A_30 = arith.constant 250 : i32
    %parallel_loop3A_31 = arith.constant 1 : i32
    scf.for %parallel_loop3A_140 = %parallel_loop3A to %parallel_loop3A_30 step %parallel_loop3A_31  : i32 {
      %parallel_loop3A_141 = arith.constant 16 : i32
      %parallel_loop3A_142 = arith.muli %parallel_loop3A_140, %parallel_loop3A_141 : i32
      %parallel_loop3A_143 = arith.index_cast %parallel_loop3A_142 : i32 to index
      %parallel_loop3A_144 = tpu.vector_load %arg7[%parallel_loop3A_143] {strides = array<i32>} : memref<4000xi32, #tpu.memory_space<vmem>>, vector<16xi32>,
      %parallel_loop3A_145 = arith.constant 16 : i32
      %parallel_loop3A_146 = arith.muli %parallel_loop3A_140, %parallel_loop3A_145 : i32
      %parallel_loop3A_147 = arith.index_cast %parallel_loop3A_146 : i32 to index
      %parallel_loop3A_148 = tpu.vector_load %arg9[%parallel_loop3A_147] {strides = array<i32>} : memref<4000xf32, #tpu.memory_space<vmem>>, vector<16xf32>,
      %parallel_loop3A_149 = tpu.vector_load_idx %arg6[%parallel_loop3A_144] : memref<50176xf32, #tpu.memory_space<vmem>>[vector<16xi32>], vector<16xf32>,
      %parallel_loop3A_150 = arith.mulf %parallel_loop3A_148, %parallel_loop3A_149 : vector<16xf32>
      %parallel_loop3A_151 = arith.constant 16 : i32
      %parallel_loop3A_152 = arith.muli %parallel_loop3A_140, %parallel_loop3A_151 : i32
      %parallel_loop3A_153 = arith.index_cast %parallel_loop3A_152 : i32 to index
      %parallel_loop3A_154 = tpu.vector_load %arg11[%parallel_loop3A_153] {strides = array<i32>} : memref<4000xf32, #tpu.memory_space<vmem>>, vector<16xf32>,
      tpu.vector_store %arg11[%parallel_loop3A_153], %parallel_loop3A_150 {strides = array<i32>} : memref<4000xf32, #tpu.memory_space<vmem>>, vector<16xf32>,
    } {sc.loop_unroll_factor = 5 : i64, sc.parallel_access}
    %add3A_32 = arith.constant 0 : i32
    %add3A_33 = arith.addi %mul3A_2, %add3A_32 : i32
    %dma_start3A_34 = tpu.memref_slice %arg5[%add3A_33] : memref<3200000xf32, #tpu.memory_space<hbm>> -> memref<4000xf32, #tpu.memory_space<hbm>>
    %dma_start3A_35 = tpu.memref_slice %arg5[%add3A_33] : memref<3200000xf32, #tpu.memory_space<hbm>> -> memref<4000xf32, #tpu.memory_space<hbm>>
    tpu.enqueue_dma source(%arg11 : memref<4000xf32, #tpu.memory_space<vmem>>) target(%dma_start3A_35 : memref<4000xf32, #tpu.memory_space<hbm>>) target_semaphore(%arg18 : memref<!tpu.dma_semaphore, #tpu.memory_space<semaphore_mem>>)
    %add3A_36 = arith.constant 8000 : i32
    %add3A_37 = arith.addi %mul3A_2, %add3A_36 : i32
    %dma_start3A_38 = tpu.memref_slice %arg2[%add3A_37] : memref<3200000xi32, #tpu.memory_space<hbm>> -> memref<4000xi32, #tpu.memory_space<hbm>>
    %dma_start3A_39 = tpu.memref_slice %arg2[%add3A_37] : memref<3200000xi32, #tpu.memory_space<hbm>> -> memref<4000xi32, #tpu.memory_space<hbm>>
    tpu.enqueue_dma source(%dma_start3A_39 : memref<4000xi32, #tpu.memory_space<hbm>>) target(%arg7 : memref<4000xi32, #tpu.memory_space<vmem>>) target_semaphore(%arg16 : memref<!tpu.dma_semaphore, #tpu.memory_space<semaphore_mem>>)
    %dma_start3A_40 = tpu.memref_slice %arg3[%add3A_37] : memref<3200000xf32, #tpu.memory_space<hbm>> -> memref<4000xf32, #tpu.memory_space<hbm>>
    %dma_start3A_41 = tpu.memref_slice %arg3[%add3A_37] : memref<3200000xf32, #tpu.memory_space<hbm>> -> memref<4000xf32, #tpu.memory_space<hbm>>
    tpu.enqueue_dma source(%dma_start3A_41 : memref<4000xf32, #tpu.memory_space<hbm>>) target(%arg9 : memref<4000xf32, #tpu.memory_space<vmem>>) target_semaphore(%arg16 : memref<!tpu.dma_semaphore, #tpu.memory_space<semaphore_mem>>)
    %dma_wait3A_42 = arith.constant 0 : i32
    %dma_wait3A_43 = tpu.memref_slice %arg2[%dma_wait3A_42] : memref<3200000xi32, #tpu.memory_space<hbm>> -> memref<4000xi32, #tpu.memory_space<hbm>>
    %dma_wait3A_44 = arith.constant 0 : i32
    %dma_wait3A_45 = tpu.memref_slice %arg2[%dma_wait3A_44] : memref<3200000xi32, #tpu.memory_space<hbm>> -> memref<4000xi32, #tpu.memory_space<hbm>>
    tpu.wait_dma2 semaphore(%arg17 : memref<!tpu.dma_semaphore, #tpu.memory_space<semaphore_mem>>) src(%dma_wait3A_45 : memref<4000xi32, #tpu.memory_space<hbm>>) dst(%arg8 : memref<4000xi32, #tpu.memory_space<vmem>>)
    %dma_wait3A_46 = arith.constant 0 : i32
    %dma_wait3A_47 = tpu.memref_slice %arg3[%dma_wait3A_46] : memref<3200000xf32, #tpu.memory_space<hbm>> -> memref<4000xf32, #tpu.memory_space<hbm>>
    %dma_wait3A_48 = arith.constant 0 : i32
    %dma_wait3A_49 = tpu.memref_slice %arg3[%dma_wait3A_48] : memref<3200000xf32, #tpu.memory_space<hbm>> -> memref<4000xf32, #tpu.memory_space<hbm>>
    tpu.wait_dma2 semaphore(%arg17 : memref<!tpu.dma_semaphore, #tpu.memory_space<semaphore_mem>>) src(%dma_wait3A_49 : memref<4000xf32, #tpu.memory_space<hbm>>) dst(%arg10 : memref<4000xf32, #tpu.memory_space<vmem>>)
    %parallel_loop3A_50 = arith.constant 0 : i32
    %parallel_loop3A_51 = arith.constant 250 : i32
    %parallel_loop3A_52 = arith.constant 1 : i32
    scf.for %parallel_loop3A_140 = %parallel_loop3A_50 to %parallel_loop3A_51 step %parallel_loop3A_52  : i32 {
      %parallel_loop3A_141 = arith.constant 16 : i32
      %parallel_loop3A_142 = arith.muli %parallel_loop3A_140, %parallel_loop3A_141 : i32
      %parallel_loop3A_143 = arith.index_cast %parallel_loop3A_142 : i32 to index
      %parallel_loop3A_144 = tpu.vector_load %arg8[%parallel_loop3A_143] {strides = array<i32>} : memref<4000xi32, #tpu.memory_space<vmem>>, vector<16xi32>,
      %parallel_loop3A_145 = arith.constant 16 : i32
      %parallel_loop3A_146 = arith.muli %parallel_loop3A_140, %parallel_loop3A_145 : i32
      %parallel_loop3A_147 = arith.index_cast %parallel_loop3A_146 : i32 to index
      %parallel_loop3A_148 = tpu.vector_load %arg10[%parallel_loop3A_147] {strides = array<i32>} : memref<4000xf32, #tpu.memory_space<vmem>>, vector<16xf32>,
      %parallel_loop3A_149 = tpu.vector_load_idx %arg6[%parallel_loop3A_144] : memref<50176xf32, #tpu.memory_space<vmem>>[vector<16xi32>], vector<16xf32>,
      %parallel_loop3A_150 = arith.mulf %parallel_loop3A_148, %parallel_loop3A_149 : vector<16xf32>
      %parallel_loop3A_151 = arith.constant 16 : i32
      %parallel_loop3A_152 = arith.muli %parallel_loop3A_140, %parallel_loop3A_151 : i32
      %parallel_loop3A_153 = arith.index_cast %parallel_loop3A_152 : i32 to index
      %parallel_loop3A_154 = tpu.vector_load %arg12[%parallel_loop3A_153] {strides = array<i32>} : memref<4000xf32, #tpu.memory_space<vmem>>, vector<16xf32>,
      tpu.vector_store %arg12[%parallel_loop3A_153], %parallel_loop3A_150 {strides = array<i32>} : memref<4000xf32, #tpu.memory_space<vmem>>, vector<16xf32>,
    } {sc.loop_unroll_factor = 5 : i64, sc.parallel_access}
    %add3A_53 = arith.constant 4000 : i32
    %add3A_54 = arith.addi %mul3A_2, %add3A_53 : i32
    %dma_start3A_55 = tpu.memref_slice %arg5[%add3A_54] : memref<3200000xf32, #tpu.memory_space<hbm>> -> memref<4000xf32, #tpu.memory_space<hbm>>
    %dma_start3A_56 = tpu.memref_slice %arg5[%add3A_54] : memref<3200000xf32, #tpu.memory_space<hbm>> -> memref<4000xf32, #tpu.memory_space<hbm>>
    tpu.enqueue_dma source(%arg12 : memref<4000xf32, #tpu.memory_space<vmem>>) target(%dma_start3A_56 : memref<4000xf32, #tpu.memory_space<hbm>>) target_semaphore(%arg19 : memref<!tpu.dma_semaphore, #tpu.memory_space<semaphore_mem>>)
    %add3A_57 = arith.constant 12000 : i32
    %add3A_58 = arith.addi %mul3A_2, %add3A_57 : i32
    %dma_start3A_59 = tpu.memref_slice %arg2[%add3A_58] : memref<3200000xi32, #tpu.memory_space<hbm>> -> memref<4000xi32, #tpu.memory_space<hbm>>
    %dma_start3A_60 = tpu.memref_slice %arg2[%add3A_58] : memref<3200000xi32, #tpu.memory_space<hbm>> -> memref<4000xi32, #tpu.memory_space<hbm>>
    tpu.enqueue_dma source(%dma_start3A_60 : memref<4000xi32, #tpu.memory_space<hbm>>) target(%arg8 : memref<4000xi32, #tpu.memory_space<vmem>>) target_semaphore(%arg17 : memref<!tpu.dma_semaphore, #tpu.memory_space<semaphore_mem>>)
    %dma_start3A_61 = tpu.memref_slice %arg3[%add3A_58] : memref<3200000xf32, #tpu.memory_space<hbm>> -> memref<4000xf32, #tpu.memory_space<hbm>>
    %dma_start3A_62 = tpu.memref_slice %arg3[%add3A_58] : memref<3200000xf32, #tpu.memory_space<hbm>> -> memref<4000xf32, #tpu.memory_space<hbm>>
    tpu.enqueue_dma source(%dma_start3A_62 : memref<4000xf32, #tpu.memory_space<hbm>>) target(%arg10 : memref<4000xf32, #tpu.memory_space<vmem>>) target_semaphore(%arg17 : memref<!tpu.dma_semaphore, #tpu.memory_space<semaphore_mem>>)
    %scan3A_63 = arith.constant 0 : i32
    %scan3A_64 = arith.constant 1 : i32
    %scan3A_65 = arith.constant 10 : i32
    %scan3A_66 = arith.addi %scan3A_64, %scan3A_65 : i32
    %scan3A_67 = arith.constant 1 : i32
    scf.for %scan3A_140 = %scan3A_64 to %scan3A_66 step %scan3A_67  : i32 {
      %mul3A_141 = arith.constant 2 : i32
      %mul3A_142 = arith.muli %mul3A_141, %scan3A_140 : i32
      %add3A_143 = arith.constant 0 : i32
      %add3A_144 = arith.addi %mul3A_142, %add3A_143 : i32
      %dma_wait3A_145 = arith.constant 0 : i32
      %dma_wait3A_146 = tpu.memref_slice %arg2[%dma_wait3A_145] : memref<3200000xi32, #tpu.memory_space<hbm>> -> memref<4000xi32, #tpu.memory_space<hbm>>
      %dma_wait3A_147 = arith.constant 0 : i32
      %dma_wait3A_148 = tpu.memref_slice %arg2[%dma_wait3A_147] : memref<3200000xi32, #tpu.memory_space<hbm>> -> memref<4000xi32, #tpu.memory_space<hbm>>
      tpu.wait_dma2 semaphore(%arg16 : memref<!tpu.dma_semaphore, #tpu.memory_space<semaphore_mem>>) src(%dma_wait3A_148 : memref<4000xi32, #tpu.memory_space<hbm>>) dst(%arg7 : memref<4000xi32, #tpu.memory_space<vmem>>)
      %dma_wait3A_149 = arith.constant 0 : i32
      %dma_wait3A_150 = tpu.memref_slice %arg3[%dma_wait3A_149] : memref<3200000xf32, #tpu.memory_space<hbm>> -> memref<4000xf32, #tpu.memory_space<hbm>>
      %dma_wait3A_151 = arith.constant 0 : i32
      %dma_wait3A_152 = tpu.memref_slice %arg3[%dma_wait3A_151] : memref<3200000xf32, #tpu.memory_space<hbm>> -> memref<4000xf32, #tpu.memory_space<hbm>>
      tpu.wait_dma2 semaphore(%arg16 : memref<!tpu.dma_semaphore, #tpu.memory_space<semaphore_mem>>) src(%dma_wait3A_152 : memref<4000xf32, #tpu.memory_space<hbm>>) dst(%arg9 : memref<4000xf32, #tpu.memory_space<vmem>>)
      %dma_wait3A_153 = arith.constant 0 : i32
      %dma_wait3A_154 = tpu.memref_slice %arg5[%dma_wait3A_153] : memref<3200000xf32, #tpu.memory_space<hbm>> -> memref<4000xf32, #tpu.memory_space<hbm>>
      %dma_wait3A_155 = arith.constant 0 : i32
      %dma_wait3A_156 = tpu.memref_slice %arg5[%dma_wait3A_155] : memref<3200000xf32, #tpu.memory_space<hbm>> -> memref<4000xf32, #tpu.memory_space<hbm>>
      tpu.wait_dma2 semaphore(%arg18 : memref<!tpu.dma_semaphore, #tpu.memory_space<semaphore_mem>>) src(%arg11 : memref<4000xf32, #tpu.memory_space<vmem>>) dst(%dma_wait3A_156 : memref<4000xf32, #tpu.memory_space<hbm>>)
      %parallel_loop3A_157 = arith.constant 0 : i32
      %parallel_loop3A_158 = arith.constant 250 : i32
      %parallel_loop3A_159 = arith.constant 1 : i32
      scf.for %parallel_loop3A_207 = %parallel_loop3A_157 to %parallel_loop3A_158 step %parallel_loop3A_159  : i32 {
        %parallel_loop3A_208 = arith.constant 16 : i32
        %parallel_loop3A_209 = arith.muli %parallel_loop3A_207, %parallel_loop3A_208 : i32
        %parallel_loop3A_210 = arith.index_cast %parallel_loop3A_209 : i32 to index
        %parallel_loop3A_211 = tpu.vector_load %arg7[%parallel_loop3A_210] {strides = array<i32>} : memref<4000xi32, #tpu.memory_space<vmem>>, vector<16xi32>,
        %parallel_loop3A_212 = arith.constant 16 : i32
        %parallel_loop3A_213 = arith.muli %parallel_loop3A_207, %parallel_loop3A_212 : i32
        %parallel_loop3A_214 = arith.index_cast %parallel_loop3A_213 : i32 to index
        %parallel_loop3A_215 = tpu.vector_load %arg9[%parallel_loop3A_214] {strides = array<i32>} : memref<4000xf32, #tpu.memory_space<vmem>>, vector<16xf32>,
        %parallel_loop3A_216 = tpu.vector_load_idx %arg6[%parallel_loop3A_211] : memref<50176xf32, #tpu.memory_space<vmem>>[vector<16xi32>], vector<16xf32>,
        %parallel_loop3A_217 = arith.mulf %parallel_loop3A_215, %parallel_loop3A_216 : vector<16xf32>
        %parallel_loop3A_218 = arith.constant 16 : i32
        %parallel_loop3A_219 = arith.muli %parallel_loop3A_207, %parallel_loop3A_218 : i32
        %parallel_loop3A_220 = arith.index_cast %parallel_loop3A_219 : i32 to index
        %parallel_loop3A_221 = tpu.vector_load %arg11[%parallel_loop3A_220] {strides = array<i32>} : memref<4000xf32, #tpu.memory_space<vmem>>, vector<16xf32>,
        tpu.vector_store %arg11[%parallel_loop3A_220], %parallel_loop3A_217 {strides = array<i32>} : memref<4000xf32, #tpu.memory_space<vmem>>, vector<16xf32>,
      } {sc.loop_unroll_factor = 5 : i64, sc.parallel_access}
      %mul3A_160 = arith.constant 4000 : i32
      %mul3A_161 = arith.muli %add3A_144, %mul3A_160 : i32
      %add3A_162 = arith.addi %mul3A_2, %mul3A_161 : i32
      %dma_start3A_163 = tpu.memref_slice %arg5[%add3A_162] : memref<3200000xf32, #tpu.memory_space<hbm>> -> memref<4000xf32, #tpu.memory_space<hbm>>
      %dma_start3A_164 = tpu.memref_slice %arg5[%add3A_162] : memref<3200000xf32, #tpu.memory_space<hbm>> -> memref<4000xf32, #tpu.memory_space<hbm>>
      tpu.enqueue_dma source(%arg11 : memref<4000xf32, #tpu.memory_space<vmem>>) target(%dma_start3A_164 : memref<4000xf32, #tpu.memory_space<hbm>>) target_semaphore(%arg18 : memref<!tpu.dma_semaphore, #tpu.memory_space<semaphore_mem>>)
      %add3A_165 = arith.constant 2 : i32
      %add3A_166 = arith.addi %add3A_144, %add3A_165 : i32
      %mul3A_167 = arith.constant 4000 : i32
      %mul3A_168 = arith.muli %add3A_166, %mul3A_167 : i32
      %add3A_169 = arith.addi %mul3A_2, %mul3A_168 : i32
      %dma_start3A_170 = tpu.memref_slice %arg2[%add3A_169] : memref<3200000xi32, #tpu.memory_space<hbm>> -> memref<4000xi32, #tpu.memory_space<hbm>>
      %dma_start3A_171 = tpu.memref_slice %arg2[%add3A_169] : memref<3200000xi32, #tpu.memory_space<hbm>> -> memref<4000xi32, #tpu.memory_space<hbm>>
      tpu.enqueue_dma source(%dma_start3A_171 : memref<4000xi32, #tpu.memory_space<hbm>>) target(%arg7 : memref<4000xi32, #tpu.memory_space<vmem>>) target_semaphore(%arg16 : memref<!tpu.dma_semaphore, #tpu.memory_space<semaphore_mem>>)
      %dma_start3A_172 = tpu.memref_slice %arg3[%add3A_169] : memref<3200000xf32, #tpu.memory_space<hbm>> -> memref<4000xf32, #tpu.memory_space<hbm>>
      %dma_start3A_173 = tpu.memref_slice %arg3[%add3A_169] : memref<3200000xf32, #tpu.memory_space<hbm>> -> memref<4000xf32, #tpu.memory_space<hbm>>
      tpu.enqueue_dma source(%dma_start3A_173 : memref<4000xf32, #tpu.memory_space<hbm>>) target(%arg9 : memref<4000xf32, #tpu.memory_space<vmem>>) target_semaphore(%arg16 : memref<!tpu.dma_semaphore, #tpu.memory_space<semaphore_mem>>)
      %mul3A_174 = arith.constant 2 : i32
      %mul3A_175 = arith.muli %mul3A_174, %scan3A_140 : i32
      %add3A_176 = arith.constant 1 : i32
      %add3A_177 = arith.addi %mul3A_175, %add3A_176 : i32
      %dma_wait3A_178 = arith.constant 0 : i32
      %dma_wait3A_179 = tpu.memref_slice %arg2[%dma_wait3A_178] : memref<3200000xi32, #tpu.memory_space<hbm>> -> memref<4000xi32, #tpu.memory_space<hbm>>
      %dma_wait3A_180 = arith.constant 0 : i32
      %dma_wait3A_181 = tpu.memref_slice %arg2[%dma_wait3A_180] : memref<3200000xi32, #tpu.memory_space<hbm>> -> memref<4000xi32, #tpu.memory_space<hbm>>
      tpu.wait_dma2 semaphore(%arg17 : memref<!tpu.dma_semaphore, #tpu.memory_space<semaphore_mem>>) src(%dma_wait3A_181 : memref<4000xi32, #tpu.memory_space<hbm>>) dst(%arg8 : memref<4000xi32, #tpu.memory_space<vmem>>)
      %dma_wait3A_182 = arith.constant 0 : i32
      %dma_wait3A_183 = tpu.memref_slice %arg3[%dma_wait3A_182] : memref<3200000xf32, #tpu.memory_space<hbm>> -> memref<4000xf32, #tpu.memory_space<hbm>>
      %dma_wait3A_184 = arith.constant 0 : i32
      %dma_wait3A_185 = tpu.memref_slice %arg3[%dma_wait3A_184] : memref<3200000xf32, #tpu.memory_space<hbm>> -> memref<4000xf32, #tpu.memory_space<hbm>>
      tpu.wait_dma2 semaphore(%arg17 : memref<!tpu.dma_semaphore, #tpu.memory_space<semaphore_mem>>) src(%dma_wait3A_185 : memref<4000xf32, #tpu.memory_space<hbm>>) dst(%arg10 : memref<4000xf32, #tpu.memory_space<vmem>>)
      %dma_wait3A_186 = arith.constant 0 : i32
      %dma_wait3A_187 = tpu.memref_slice %arg5[%dma_wait3A_186] : memref<3200000xf32, #tpu.memory_space<hbm>> -> memref<4000xf32, #tpu.memory_space<hbm>>
      %dma_wait3A_188 = arith.constant 0 : i32
      %dma_wait3A_189 = tpu.memref_slice %arg5[%dma_wait3A_188] : memref<3200000xf32, #tpu.memory_space<hbm>> -> memref<4000xf32, #tpu.memory_space<hbm>>
      tpu.wait_dma2 semaphore(%arg19 : memref<!tpu.dma_semaphore, #tpu.memory_space<semaphore_mem>>) src(%arg12 : memref<4000xf32, #tpu.memory_space<vmem>>) dst(%dma_wait3A_189 : memref<4000xf32, #tpu.memory_space<hbm>>)
      %parallel_loop3A_190 = arith.constant 0 : i32
      %parallel_loop3A_191 = arith.constant 250 : i32
      %parallel_loop3A_192 = arith.constant 1 : i32
      scf.for %parallel_loop3A_207 = %parallel_loop3A_190 to %parallel_loop3A_191 step %parallel_loop3A_192  : i32 {
        %parallel_loop3A_208 = arith.constant 16 : i32
        %parallel_loop3A_209 = arith.muli %parallel_loop3A_207, %parallel_loop3A_208 : i32
        %parallel_loop3A_210 = arith.index_cast %parallel_loop3A_209 : i32 to index
        %parallel_loop3A_211 = tpu.vector_load %arg8[%parallel_loop3A_210] {strides = array<i32>} : memref<4000xi32, #tpu.memory_space<vmem>>, vector<16xi32>,
        %parallel_loop3A_212 = arith.constant 16 : i32
        %parallel_loop3A_213 = arith.muli %parallel_loop3A_207, %parallel_loop3A_212 : i32
        %parallel_loop3A_214 = arith.index_cast %parallel_loop3A_213 : i32 to index
        %parallel_loop3A_215 = tpu.vector_load %arg10[%parallel_loop3A_214] {strides = array<i32>} : memref<4000xf32, #tpu.memory_space<vmem>>, vector<16xf32>,
        %parallel_loop3A_216 = tpu.vector_load_idx %arg6[%parallel_loop3A_211] : memref<50176xf32, #tpu.memory_space<vmem>>[vector<16xi32>], vector<16xf32>,
        %parallel_loop3A_217 = arith.mulf %parallel_loop3A_215, %parallel_loop3A_216 : vector<16xf32>
        %parallel_loop3A_218 = arith.constant 16 : i32
        %parallel_loop3A_219 = arith.muli %parallel_loop3A_207, %parallel_loop3A_218 : i32
        %parallel_loop3A_220 = arith.index_cast %parallel_loop3A_219 : i32 to index
        %parallel_loop3A_221 = tpu.vector_load %arg12[%parallel_loop3A_220] {strides = array<i32>} : memref<4000xf32, #tpu.memory_space<vmem>>, vector<16xf32>,
        tpu.vector_store %arg12[%parallel_loop3A_220], %parallel_loop3A_217 {strides = array<i32>} : memref<4000xf32, #tpu.memory_space<vmem>>, vector<16xf32>,
      } {sc.loop_unroll_factor = 5 : i64, sc.parallel_access}
      %mul3A_193 = arith.constant 4000 : i32
      %mul3A_194 = arith.muli %add3A_177, %mul3A_193 : i32
      %add3A_195 = arith.addi %mul3A_2, %mul3A_194 : i32
      %dma_start3A_196 = tpu.memref_slice %arg5[%add3A_195] : memref<3200000xf32, #tpu.memory_space<hbm>> -> memref<4000xf32, #tpu.memory_space<hbm>>
      %dma_start3A_197 = tpu.memref_slice %arg5[%add3A_195] : memref<3200000xf32, #tpu.memory_space<hbm>> -> memref<4000xf32, #tpu.memory_space<hbm>>
      tpu.enqueue_dma source(%arg12 : memref<4000xf32, #tpu.memory_space<vmem>>) target(%dma_start3A_197 : memref<4000xf32, #tpu.memory_space<hbm>>) target_semaphore(%arg19 : memref<!tpu.dma_semaphore, #tpu.memory_space<semaphore_mem>>)
      %add3A_198 = arith.constant 2 : i32
      %add3A_199 = arith.addi %add3A_177, %add3A_198 : i32
      %mul3A_200 = arith.constant 4000 : i32
      %mul3A_201 = arith.muli %add3A_199, %mul3A_200 : i32
      %add3A_202 = arith.addi %mul3A_2, %mul3A_201 : i32
      %dma_start3A_203 = tpu.memref_slice %arg2[%add3A_202] : memref<3200000xi32, #tpu.memory_space<hbm>> -> memref<4000xi32, #tpu.memory_space<hbm>>
      %dma_start3A_204 = tpu.memref_slice %arg2[%add3A_202] : memref<3200000xi32, #tpu.memory_space<hbm>> -> memref<4000xi32, #tpu.memory_space<hbm>>
      tpu.enqueue_dma source(%dma_start3A_204 : memref<4000xi32, #tpu.memory_space<hbm>>) target(%arg8 : memref<4000xi32, #tpu.memory_space<vmem>>) target_semaphore(%arg17 : memref<!tpu.dma_semaphore, #tpu.memory_space<semaphore_mem>>)
      %dma_start3A_205 = tpu.memref_slice %arg3[%add3A_202] : memref<3200000xf32, #tpu.memory_space<hbm>> -> memref<4000xf32, #tpu.memory_space<hbm>>
      %dma_start3A_206 = tpu.memref_slice %arg3[%add3A_202] : memref<3200000xf32, #tpu.memory_space<hbm>> -> memref<4000xf32, #tpu.memory_space<hbm>>
      tpu.enqueue_dma source(%dma_start3A_206 : memref<4000xf32, #tpu.memory_space<hbm>>) target(%arg10 : memref<4000xf32, #tpu.memory_space<vmem>>) target_semaphore(%arg17 : memref<!tpu.dma_semaphore, #tpu.memory_space<semaphore_mem>>)
    }
    %scan3A_68 = arith.constant 10 : i32
    %dma_wait3A_69 = arith.constant 0 : i32
    %dma_wait3A_70 = tpu.memref_slice %arg2[%dma_wait3A_69] : memref<3200000xi32, #tpu.memory_space<hbm>> -> memref<4000xi32, #tpu.memory_space<hbm>>
    %dma_wait3A_71 = arith.constant 0 : i32
    %dma_wait3A_72 = tpu.memref_slice %arg2[%dma_wait3A_71] : memref<3200000xi32, #tpu.memory_space<hbm>> -> memref<4000xi32, #tpu.memory_space<hbm>>
    tpu.wait_dma2 semaphore(%arg16 : memref<!tpu.dma_semaphore, #tpu.memory_space<semaphore_mem>>) src(%dma_wait3A_72 : memref<4000xi32, #tpu.memory_space<hbm>>) dst(%arg7 : memref<4000xi32, #tpu.memory_space<vmem>>)
    %dma_wait3A_73 = arith.constant 0 : i32
    %dma_wait3A_74 = tpu.memref_slice %arg3[%dma_wait3A_73] : memref<3200000xf32, #tpu.memory_space<hbm>> -> memref<4000xf32, #tpu.memory_space<hbm>>
    %dma_wait3A_75 = arith.constant 0 : i32
    %dma_wait3A_76 = tpu.memref_slice %arg3[%dma_wait3A_75] : memref<3200000xf32, #tpu.memory_space<hbm>> -> memref<4000xf32, #tpu.memory_space<hbm>>
    tpu.wait_dma2 semaphore(%arg16 : memref<!tpu.dma_semaphore, #tpu.memory_space<semaphore_mem>>) src(%dma_wait3A_76 : memref<4000xf32, #tpu.memory_space<hbm>>) dst(%arg9 : memref<4000xf32, #tpu.memory_space<vmem>>)
    %dma_wait3A_77 = arith.constant 0 : i32
    %dma_wait3A_78 = tpu.memref_slice %arg5[%dma_wait3A_77] : memref<3200000xf32, #tpu.memory_space<hbm>> -> memref<4000xf32, #tpu.memory_space<hbm>>
    %dma_wait3A_79 = arith.constant 0 : i32
    %dma_wait3A_80 = tpu.memref_slice %arg5[%dma_wait3A_79] : memref<3200000xf32, #tpu.memory_space<hbm>> -> memref<4000xf32, #tpu.memory_space<hbm>>
    tpu.wait_dma2 semaphore(%arg18 : memref<!tpu.dma_semaphore, #tpu.memory_space<semaphore_mem>>) src(%arg11 : memref<4000xf32, #tpu.memory_space<vmem>>) dst(%dma_wait3A_80 : memref<4000xf32, #tpu.memory_space<hbm>>)
    %parallel_loop3A_81 = arith.constant 0 : i32
    %parallel_loop3A_82 = arith.constant 250 : i32
    %parallel_loop3A_83 = arith.constant 1 : i32
    scf.for %parallel_loop3A_140 = %parallel_loop3A_81 to %parallel_loop3A_82 step %parallel_loop3A_83  : i32 {
      %parallel_loop3A_141 = arith.constant 16 : i32
      %parallel_loop3A_142 = arith.muli %parallel_loop3A_140, %parallel_loop3A_141 : i32
      %parallel_loop3A_143 = arith.index_cast %parallel_loop3A_142 : i32 to index
      %parallel_loop3A_144 = tpu.vector_load %arg7[%parallel_loop3A_143] {strides = array<i32>} : memref<4000xi32, #tpu.memory_space<vmem>>, vector<16xi32>,
      %parallel_loop3A_145 = arith.constant 16 : i32
      %parallel_loop3A_146 = arith.muli %parallel_loop3A_140, %parallel_loop3A_145 : i32
      %parallel_loop3A_147 = arith.index_cast %parallel_loop3A_146 : i32 to index
      %parallel_loop3A_148 = tpu.vector_load %arg9[%parallel_loop3A_147] {strides = array<i32>} : memref<4000xf32, #tpu.memory_space<vmem>>, vector<16xf32>,
      %parallel_loop3A_149 = tpu.vector_load_idx %arg6[%parallel_loop3A_144] : memref<50176xf32, #tpu.memory_space<vmem>>[vector<16xi32>], vector<16xf32>,
      %parallel_loop3A_150 = arith.mulf %parallel_loop3A_148, %parallel_loop3A_149 : vector<16xf32>
      %parallel_loop3A_151 = arith.constant 16 : i32
      %parallel_loop3A_152 = arith.muli %parallel_loop3A_140, %parallel_loop3A_151 : i32
      %parallel_loop3A_153 = arith.index_cast %parallel_loop3A_152 : i32 to index
      %parallel_loop3A_154 = tpu.vector_load %arg11[%parallel_loop3A_153] {strides = array<i32>} : memref<4000xf32, #tpu.memory_space<vmem>>, vector<16xf32>,
      tpu.vector_store %arg11[%parallel_loop3A_153], %parallel_loop3A_150 {strides = array<i32>} : memref<4000xf32, #tpu.memory_space<vmem>>, vector<16xf32>,
    } {sc.loop_unroll_factor = 5 : i64, sc.parallel_access}
    %add3A_84 = arith.constant 88000 : i32
    %add3A_85 = arith.addi %mul3A_2, %add3A_84 : i32
    %dma_start3A_86 = tpu.memref_slice %arg5[%add3A_85] : memref<3200000xf32, #tpu.memory_space<hbm>> -> memref<4000xf32, #tpu.memory_space<hbm>>
    %dma_start3A_87 = tpu.memref_slice %arg5[%add3A_85] : memref<3200000xf32, #tpu.memory_space<hbm>> -> memref<4000xf32, #tpu.memory_space<hbm>>
    tpu.enqueue_dma source(%arg11 : memref<4000xf32, #tpu.memory_space<vmem>>) target(%dma_start3A_87 : memref<4000xf32, #tpu.memory_space<hbm>>) target_semaphore(%arg18 : memref<!tpu.dma_semaphore, #tpu.memory_space<semaphore_mem>>)
    %add3A_88 = arith.constant 96000 : i32
    %add3A_89 = arith.addi %mul3A_2, %add3A_88 : i32
    %dma_start3A_90 = tpu.memref_slice %arg2[%add3A_89] : memref<3200000xi32, #tpu.memory_space<hbm>> -> memref<4000xi32, #tpu.memory_space<hbm>>
    %dma_start3A_91 = tpu.memref_slice %arg2[%add3A_89] : memref<3200000xi32, #tpu.memory_space<hbm>> -> memref<4000xi32, #tpu.memory_space<hbm>>
    tpu.enqueue_dma source(%dma_start3A_91 : memref<4000xi32, #tpu.memory_space<hbm>>) target(%arg7 : memref<4000xi32, #tpu.memory_space<vmem>>) target_semaphore(%arg16 : memref<!tpu.dma_semaphore, #tpu.memory_space<semaphore_mem>>)
    %dma_start3A_92 = tpu.memref_slice %arg3[%add3A_89] : memref<3200000xf32, #tpu.memory_space<hbm>> -> memref<4000xf32, #tpu.memory_space<hbm>>
    %dma_start3A_93 = tpu.memref_slice %arg3[%add3A_89] : memref<3200000xf32, #tpu.memory_space<hbm>> -> memref<4000xf32, #tpu.memory_space<hbm>>
    tpu.enqueue_dma source(%dma_start3A_93 : memref<4000xf32, #tpu.memory_space<hbm>>) target(%arg9 : memref<4000xf32, #tpu.memory_space<vmem>>) target_semaphore(%arg16 : memref<!tpu.dma_semaphore, #tpu.memory_space<semaphore_mem>>)
    %dma_wait3A_94 = arith.constant 0 : i32
    %dma_wait3A_95 = tpu.memref_slice %arg2[%dma_wait3A_94] : memref<3200000xi32, #tpu.memory_space<hbm>> -> memref<4000xi32, #tpu.memory_space<hbm>>
    %dma_wait3A_96 = arith.constant 0 : i32
    %dma_wait3A_97 = tpu.memref_slice %arg2[%dma_wait3A_96] : memref<3200000xi32, #tpu.memory_space<hbm>> -> memref<4000xi32, #tpu.memory_space<hbm>>
    tpu.wait_dma2 semaphore(%arg17 : memref<!tpu.dma_semaphore, #tpu.memory_space<semaphore_mem>>) src(%dma_wait3A_97 : memref<4000xi32, #tpu.memory_space<hbm>>) dst(%arg8 : memref<4000xi32, #tpu.memory_space<vmem>>)
    %dma_wait3A_98 = arith.constant 0 : i32
    %dma_wait3A_99 = tpu.memref_slice %arg3[%dma_wait3A_98] : memref<3200000xf32, #tpu.memory_space<hbm>> -> memref<4000xf32, #tpu.memory_space<hbm>>
    %dma_wait3A_100 = arith.constant 0 : i32
    %dma_wait3A_101 = tpu.memref_slice %arg3[%dma_wait3A_100] : memref<3200000xf32, #tpu.memory_space<hbm>> -> memref<4000xf32, #tpu.memory_space<hbm>>
    tpu.wait_dma2 semaphore(%arg17 : memref<!tpu.dma_semaphore, #tpu.memory_space<semaphore_mem>>) src(%dma_wait3A_101 : memref<4000xf32, #tpu.memory_space<hbm>>) dst(%arg10 : memref<4000xf32, #tpu.memory_space<vmem>>)
    %dma_wait3A_102 = arith.constant 0 : i32
    %dma_wait3A_103 = tpu.memref_slice %arg5[%dma_wait3A_102] : memref<3200000xf32, #tpu.memory_space<hbm>> -> memref<4000xf32, #tpu.memory_space<hbm>>
    %dma_wait3A_104 = arith.constant 0 : i32
    %dma_wait3A_105 = tpu.memref_slice %arg5[%dma_wait3A_104] : memref<3200000xf32, #tpu.memory_space<hbm>> -> memref<4000xf32, #tpu.memory_space<hbm>>
    tpu.wait_dma2 semaphore(%arg19 : memref<!tpu.dma_semaphore, #tpu.memory_space<semaphore_mem>>) src(%arg12 : memref<4000xf32, #tpu.memory_space<vmem>>) dst(%dma_wait3A_105 : memref<4000xf32, #tpu.memory_space<hbm>>)
    %parallel_loop3A_106 = arith.constant 0 : i32
    %parallel_loop3A_107 = arith.constant 250 : i32
    %parallel_loop3A_108 = arith.constant 1 : i32
    scf.for %parallel_loop3A_140 = %parallel_loop3A_106 to %parallel_loop3A_107 step %parallel_loop3A_108  : i32 {
      %parallel_loop3A_141 = arith.constant 16 : i32
      %parallel_loop3A_142 = arith.muli %parallel_loop3A_140, %parallel_loop3A_141 : i32
      %parallel_loop3A_143 = arith.index_cast %parallel_loop3A_142 : i32 to index
      %parallel_loop3A_144 = tpu.vector_load %arg8[%parallel_loop3A_143] {strides = array<i32>} : memref<4000xi32, #tpu.memory_space<vmem>>, vector<16xi32>,
      %parallel_loop3A_145 = arith.constant 16 : i32
      %parallel_loop3A_146 = arith.muli %parallel_loop3A_140, %parallel_loop3A_145 : i32
      %parallel_loop3A_147 = arith.index_cast %parallel_loop3A_146 : i32 to index
      %parallel_loop3A_148 = tpu.vector_load %arg10[%parallel_loop3A_147] {strides = array<i32>} : memref<4000xf32, #tpu.memory_space<vmem>>, vector<16xf32>,
      %parallel_loop3A_149 = tpu.vector_load_idx %arg6[%parallel_loop3A_144] : memref<50176xf32, #tpu.memory_space<vmem>>[vector<16xi32>], vector<16xf32>,
      %parallel_loop3A_150 = arith.mulf %parallel_loop3A_148, %parallel_loop3A_149 : vector<16xf32>
      %parallel_loop3A_151 = arith.constant 16 : i32
      %parallel_loop3A_152 = arith.muli %parallel_loop3A_140, %parallel_loop3A_151 : i32
      %parallel_loop3A_153 = arith.index_cast %parallel_loop3A_152 : i32 to index
      %parallel_loop3A_154 = tpu.vector_load %arg12[%parallel_loop3A_153] {strides = array<i32>} : memref<4000xf32, #tpu.memory_space<vmem>>, vector<16xf32>,
      tpu.vector_store %arg12[%parallel_loop3A_153], %parallel_loop3A_150 {strides = array<i32>} : memref<4000xf32, #tpu.memory_space<vmem>>, vector<16xf32>,
    } {sc.loop_unroll_factor = 5 : i64, sc.parallel_access}
    %add3A_109 = arith.constant 92000 : i32
    %add3A_110 = arith.addi %mul3A_2, %add3A_109 : i32
    %dma_start3A_111 = tpu.memref_slice %arg5[%add3A_110] : memref<3200000xf32, #tpu.memory_space<hbm>> -> memref<4000xf32, #tpu.memory_space<hbm>>
    %dma_start3A_112 = tpu.memref_slice %arg5[%add3A_110] : memref<3200000xf32, #tpu.memory_space<hbm>> -> memref<4000xf32, #tpu.memory_space<hbm>>
    tpu.enqueue_dma source(%arg12 : memref<4000xf32, #tpu.memory_space<vmem>>) target(%dma_start3A_112 : memref<4000xf32, #tpu.memory_space<hbm>>) target_semaphore(%arg19 : memref<!tpu.dma_semaphore, #tpu.memory_space<semaphore_mem>>)
    %dma_wait3A_113 = arith.constant 0 : i32
    %dma_wait3A_114 = tpu.memref_slice %arg2[%dma_wait3A_113] : memref<3200000xi32, #tpu.memory_space<hbm>> -> memref<4000xi32, #tpu.memory_space<hbm>>
    %dma_wait3A_115 = arith.constant 0 : i32
    %dma_wait3A_116 = tpu.memref_slice %arg2[%dma_wait3A_115] : memref<3200000xi32, #tpu.memory_space<hbm>> -> memref<4000xi32, #tpu.memory_space<hbm>>
    tpu.wait_dma2 semaphore(%arg16 : memref<!tpu.dma_semaphore, #tpu.memory_space<semaphore_mem>>) src(%dma_wait3A_116 : memref<4000xi32, #tpu.memory_space<hbm>>) dst(%arg7 : memref<4000xi32, #tpu.memory_space<vmem>>)
    %dma_wait3A_117 = arith.constant 0 : i32
    %dma_wait3A_118 = tpu.memref_slice %arg3[%dma_wait3A_117] : memref<3200000xf32, #tpu.memory_space<hbm>> -> memref<4000xf32, #tpu.memory_space<hbm>>
    %dma_wait3A_119 = arith.constant 0 : i32
    %dma_wait3A_120 = tpu.memref_slice %arg3[%dma_wait3A_119] : memref<3200000xf32, #tpu.memory_space<hbm>> -> memref<4000xf32, #tpu.memory_space<hbm>>
    tpu.wait_dma2 semaphore(%arg16 : memref<!tpu.dma_semaphore, #tpu.memory_space<semaphore_mem>>) src(%dma_wait3A_120 : memref<4000xf32, #tpu.memory_space<hbm>>) dst(%arg9 : memref<4000xf32, #tpu.memory_space<vmem>>)
    %dma_wait3A_121 = arith.constant 0 : i32
    %dma_wait3A_122 = tpu.memref_slice %arg5[%dma_wait3A_121] : memref<3200000xf32, #tpu.memory_space<hbm>> -> memref<4000xf32, #tpu.memory_space<hbm>>
    %dma_wait3A_123 = arith.constant 0 : i32
    %dma_wait3A_124 = tpu.memref_slice %arg5[%dma_wait3A_123] : memref<3200000xf32, #tpu.memory_space<hbm>> -> memref<4000xf32, #tpu.memory_space<hbm>>
    tpu.wait_dma2 semaphore(%arg18 : memref<!tpu.dma_semaphore, #tpu.memory_space<semaphore_mem>>) src(%arg11 : memref<4000xf32, #tpu.memory_space<vmem>>) dst(%dma_wait3A_124 : memref<4000xf32, #tpu.memory_space<hbm>>)
    %parallel_loop3A_125 = arith.constant 0 : i32
    %parallel_loop3A_126 = arith.constant 250 : i32
    %parallel_loop3A_127 = arith.constant 1 : i32
    scf.for %parallel_loop3A_140 = %parallel_loop3A_125 to %parallel_loop3A_126 step %parallel_loop3A_127  : i32 {
      %parallel_loop3A_141 = arith.constant 16 : i32
      %parallel_loop3A_142 = arith.muli %parallel_loop3A_140, %parallel_loop3A_141 : i32
      %parallel_loop3A_143 = arith.index_cast %parallel_loop3A_142 : i32 to index
      %parallel_loop3A_144 = tpu.vector_load %arg7[%parallel_loop3A_143] {strides = array<i32>} : memref<4000xi32, #tpu.memory_space<vmem>>, vector<16xi32>,
      %parallel_loop3A_145 = arith.constant 16 : i32
      %parallel_loop3A_146 = arith.muli %parallel_loop3A_140, %parallel_loop3A_145 : i32
      %parallel_loop3A_147 = arith.index_cast %parallel_loop3A_146 : i32 to index
      %parallel_loop3A_148 = tpu.vector_load %arg9[%parallel_loop3A_147] {strides = array<i32>} : memref<4000xf32, #tpu.memory_space<vmem>>, vector<16xf32>,
      %parallel_loop3A_149 = tpu.vector_load_idx %arg6[%parallel_loop3A_144] : memref<50176xf32, #tpu.memory_space<vmem>>[vector<16xi32>], vector<16xf32>,
      %parallel_loop3A_150 = arith.mulf %parallel_loop3A_148, %parallel_loop3A_149 : vector<16xf32>
      %parallel_loop3A_151 = arith.constant 16 : i32
      %parallel_loop3A_152 = arith.muli %parallel_loop3A_140, %parallel_loop3A_151 : i32
      %parallel_loop3A_153 = arith.index_cast %parallel_loop3A_152 : i32 to index
      %parallel_loop3A_154 = tpu.vector_load %arg11[%parallel_loop3A_153] {strides = array<i32>} : memref<4000xf32, #tpu.memory_space<vmem>>, vector<16xf32>,
      tpu.vector_store %arg11[%parallel_loop3A_153], %parallel_loop3A_150 {strides = array<i32>} : memref<4000xf32, #tpu.memory_space<vmem>>, vector<16xf32>,
    } {sc.loop_unroll_factor = 5 : i64, sc.parallel_access}
    %add3A_128 = arith.constant 96000 : i32
    %add3A_129 = arith.addi %mul3A_2, %add3A_128 : i32
    %dma_start3A_130 = tpu.memref_slice %arg5[%add3A_129] : memref<3200000xf32, #tpu.memory_space<hbm>> -> memref<4000xf32, #tpu.memory_space<hbm>>
    %dma_start3A_131 = tpu.memref_slice %arg5[%add3A_129] : memref<3200000xf32, #tpu.memory_space<hbm>> -> memref<4000xf32, #tpu.memory_space<hbm>>
    tpu.enqueue_dma source(%arg11 : memref<4000xf32, #tpu.memory_space<vmem>>) target(%dma_start3A_131 : memref<4000xf32, #tpu.memory_space<hbm>>) target_semaphore(%arg18 : memref<!tpu.dma_semaphore, #tpu.memory_space<semaphore_mem>>)
    %dma_wait3A_132 = arith.constant 0 : i32
    %dma_wait3A_133 = tpu.memref_slice %arg5[%dma_wait3A_132] : memref<3200000xf32, #tpu.memory_space<hbm>> -> memref<4000xf32, #tpu.memory_space<hbm>>
    %dma_wait3A_134 = arith.constant 0 : i32
    %dma_wait3A_135 = tpu.memref_slice %arg5[%dma_wait3A_134] : memref<3200000xf32, #tpu.memory_space<hbm>> -> memref<4000xf32, #tpu.memory_space<hbm>>
    tpu.wait_dma2 semaphore(%arg18 : memref<!tpu.dma_semaphore, #tpu.memory_space<semaphore_mem>>) src(%arg11 : memref<4000xf32, #tpu.memory_space<vmem>>) dst(%dma_wait3A_135 : memref<4000xf32, #tpu.memory_space<hbm>>)
    %dma_wait3A_136 = arith.constant 0 : i32
    %dma_wait3A_137 = tpu.memref_slice %arg5[%dma_wait3A_136] : memref<3200000xf32, #tpu.memory_space<hbm>> -> memref<4000xf32, #tpu.memory_space<hbm>>
    %dma_wait3A_138 = arith.constant 0 : i32
    %dma_wait3A_139 = tpu.memref_slice %arg5[%dma_wait3A_138] : memref<3200000xf32, #tpu.memory_space<hbm>> -> memref<4000xf32, #tpu.memory_space<hbm>>
    tpu.wait_dma2 semaphore(%arg19 : memref<!tpu.dma_semaphore, #tpu.memory_space<semaphore_mem>>) src(%arg12 : memref<4000xf32, #tpu.memory_space<vmem>>) dst(%dma_wait3A_139 : memref<4000xf32, #tpu.memory_space<hbm>>)
    return
  }
}

#map = affine_map<(d0, d1) -> (0)>
module attributes {stable_mosaic.version = 14 : i64} {
  func.func @_hist_kernel(%arg0: i32, %arg1: i32, %arg2: memref<3200000xi32, #tpu.memory_space<hbm>>, %arg3: memref<3200000xf32, #tpu.memory_space<hbm>>, %arg4: memref<100352xf32, #tpu.memory_space<hbm>>, %arg5: memref<50176xf32, #tpu.memory_space<vmem>>, %arg6: memref<4000xi32, #tpu.memory_space<vmem>>, %arg7: memref<4000xi32, #tpu.memory_space<vmem>>, %arg8: memref<4000xf32, #tpu.memory_space<vmem>>, %arg9: memref<4000xf32, #tpu.memory_space<vmem>>, %arg10: memref<3136xf32, #tpu.memory_space<vmem>>, %arg11: memref<3136xf32, #tpu.memory_space<vmem>>, %arg12: memref<3136xf32, #tpu.memory_space<vmem>>, %arg13: memref<802816xf32, #tpu.memory_space<vmem_shared>>, %arg14: memref<!tpu.dma_semaphore, #tpu.memory_space<semaphore_mem>>, %arg15: memref<!tpu.dma_semaphore, #tpu.memory_space<semaphore_mem>>, %arg16: memref<!tpu.dma_semaphore, #tpu.memory_space<semaphore_mem>>, %arg17: memref<!tpu.dma_semaphore, #tpu.memory_space<semaphore_mem>>) attributes {dimension_semantics = [#tpu.dimension_semantics<core_parallel>, #tpu.dimension_semantics<subcore_parallel>], iteration_bounds = array<i64: 2, 16>, scalar_prefetch = 0 : i64, scratch_operands = 13 : i64, tpu.core_type = #tpu.core_type<sc_vector_subcore>, window_params = [{transform_indices = #map}, {transform_indices = #map}, {transform_indices = #map}]} {
    %mul3A = arith.constant 16 : i32
    %mul3A_0 = arith.muli %arg0, %mul3A : i32
    %add3A = arith.addi %mul3A_0, %arg1 : i32
    %mul3A_1 = arith.constant 100000 : i32
    %mul3A_2 = arith.muli %add3A, %mul3A_1 : i32
    %add3A_3 = arith.constant 0 : i32
    %add3A_4 = arith.addi %mul3A_2, %add3A_3 : i32
    %dma_start3A = tpu.memref_slice %arg2[%add3A_4] : memref<3200000xi32, #tpu.memory_space<hbm>> -> memref<4000xi32, #tpu.memory_space<hbm>>
    %dma_start3A_5 = tpu.memref_slice %arg2[%add3A_4] : memref<3200000xi32, #tpu.memory_space<hbm>> -> memref<4000xi32, #tpu.memory_space<hbm>>
    tpu.enqueue_dma source(%dma_start3A_5 : memref<4000xi32, #tpu.memory_space<hbm>>) target(%arg6 : memref<4000xi32, #tpu.memory_space<vmem>>) target_semaphore(%arg14 : memref<!tpu.dma_semaphore, #tpu.memory_space<semaphore_mem>>)
    %dma_start3A_6 = tpu.memref_slice %arg3[%add3A_4] : memref<3200000xf32, #tpu.memory_space<hbm>> -> memref<4000xf32, #tpu.memory_space<hbm>>
    %dma_start3A_7 = tpu.memref_slice %arg3[%add3A_4] : memref<3200000xf32, #tpu.memory_space<hbm>> -> memref<4000xf32, #tpu.memory_space<hbm>>
    tpu.enqueue_dma source(%dma_start3A_7 : memref<4000xf32, #tpu.memory_space<hbm>>) target(%arg8 : memref<4000xf32, #tpu.memory_space<vmem>>) target_semaphore(%arg14 : memref<!tpu.dma_semaphore, #tpu.memory_space<semaphore_mem>>)
    %add3A_8 = arith.constant 4000 : i32
    %add3A_9 = arith.addi %mul3A_2, %add3A_8 : i32
    %dma_start3A_10 = tpu.memref_slice %arg2[%add3A_9] : memref<3200000xi32, #tpu.memory_space<hbm>> -> memref<4000xi32, #tpu.memory_space<hbm>>
    %dma_start3A_11 = tpu.memref_slice %arg2[%add3A_9] : memref<3200000xi32, #tpu.memory_space<hbm>> -> memref<4000xi32, #tpu.memory_space<hbm>>
    tpu.enqueue_dma source(%dma_start3A_11 : memref<4000xi32, #tpu.memory_space<hbm>>) target(%arg7 : memref<4000xi32, #tpu.memory_space<vmem>>) target_semaphore(%arg15 : memref<!tpu.dma_semaphore, #tpu.memory_space<semaphore_mem>>)
    %dma_start3A_12 = tpu.memref_slice %arg3[%add3A_9] : memref<3200000xf32, #tpu.memory_space<hbm>> -> memref<4000xf32, #tpu.memory_space<hbm>>
    %dma_start3A_13 = tpu.memref_slice %arg3[%add3A_9] : memref<3200000xf32, #tpu.memory_space<hbm>> -> memref<4000xf32, #tpu.memory_space<hbm>>
    tpu.enqueue_dma source(%dma_start3A_13 : memref<4000xf32, #tpu.memory_space<hbm>>) target(%arg9 : memref<4000xf32, #tpu.memory_space<vmem>>) target_semaphore(%arg15 : memref<!tpu.dma_semaphore, #tpu.memory_space<semaphore_mem>>)
    %scan3A = arith.constant 0 : i32
    %scan3A_14 = arith.constant 0 : i32
    %scan3A_15 = arith.constant 392 : i32
    %scan3A_16 = arith.addi %scan3A_14, %scan3A_15 : i32
    %scan3A_17 = arith.constant 1 : i32
    scf.for %scan3A_249 = %scan3A_14 to %scan3A_16 step %scan3A_17  : i32 {
      %mul3A_250 = arith.constant 8 : i32
      %mul3A_251 = arith.muli %scan3A_249, %mul3A_250 : i32
      %add3A_252 = arith.constant 0 : i32
      %add3A_253 = arith.addi %mul3A_251, %add3A_252 : i32
      %broadcast_in_dim3A = arith.constant 0.000000e+00 : f32
      %broadcast_in_dim3A_254 = vector.broadcast %broadcast_in_dim3A : f32 to vector<16xf32>
      %mul3A_255 = arith.constant 16 : i32
      %mul3A_256 = arith.muli %add3A_253, %mul3A_255 : i32
      %swap3A = arith.index_cast %mul3A_256 : i32 to index
      %swap3A_257 = tpu.vector_load %arg5[%swap3A] {strides = array<i32>} : memref<50176xf32, #tpu.memory_space<vmem>>, vector<16xf32>,
      tpu.vector_store %arg5[%swap3A], %broadcast_in_dim3A_254 {strides = array<i32>} : memref<50176xf32, #tpu.memory_space<vmem>>, vector<16xf32>,
      %mul3A_258 = arith.constant 8 : i32
      %mul3A_259 = arith.muli %scan3A_249, %mul3A_258 : i32
      %add3A_260 = arith.constant 1 : i32
      %add3A_261 = arith.addi %mul3A_259, %add3A_260 : i32
      %broadcast_in_dim3A_262 = arith.constant 0.000000e+00 : f32
      %broadcast_in_dim3A_263 = vector.broadcast %broadcast_in_dim3A_262 : f32 to vector<16xf32>
      %mul3A_264 = arith.constant 16 : i32
      %mul3A_265 = arith.muli %add3A_261, %mul3A_264 : i32
      %swap3A_266 = arith.index_cast %mul3A_265 : i32 to index
      %swap3A_267 = tpu.vector_load %arg5[%swap3A_266] {strides = array<i32>} : memref<50176xf32, #tpu.memory_space<vmem>>, vector<16xf32>,
      tpu.vector_store %arg5[%swap3A_266], %broadcast_in_dim3A_263 {strides = array<i32>} : memref<50176xf32, #tpu.memory_space<vmem>>, vector<16xf32>,
      %mul3A_268 = arith.constant 8 : i32
      %mul3A_269 = arith.muli %scan3A_249, %mul3A_268 : i32
      %add3A_270 = arith.constant 2 : i32
      %add3A_271 = arith.addi %mul3A_269, %add3A_270 : i32
      %broadcast_in_dim3A_272 = arith.constant 0.000000e+00 : f32
      %broadcast_in_dim3A_273 = vector.broadcast %broadcast_in_dim3A_272 : f32 to vector<16xf32>
      %mul3A_274 = arith.constant 16 : i32
      %mul3A_275 = arith.muli %add3A_271, %mul3A_274 : i32
      %swap3A_276 = arith.index_cast %mul3A_275 : i32 to index
      %swap3A_277 = tpu.vector_load %arg5[%swap3A_276] {strides = array<i32>} : memref<50176xf32, #tpu.memory_space<vmem>>, vector<16xf32>,
      tpu.vector_store %arg5[%swap3A_276], %broadcast_in_dim3A_273 {strides = array<i32>} : memref<50176xf32, #tpu.memory_space<vmem>>, vector<16xf32>,
      %mul3A_278 = arith.constant 8 : i32
      %mul3A_279 = arith.muli %scan3A_249, %mul3A_278 : i32
      %add3A_280 = arith.constant 3 : i32
      %add3A_281 = arith.addi %mul3A_279, %add3A_280 : i32
      %broadcast_in_dim3A_282 = arith.constant 0.000000e+00 : f32
      %broadcast_in_dim3A_283 = vector.broadcast %broadcast_in_dim3A_282 : f32 to vector<16xf32>
      %mul3A_284 = arith.constant 16 : i32
      %mul3A_285 = arith.muli %add3A_281, %mul3A_284 : i32
      %swap3A_286 = arith.index_cast %mul3A_285 : i32 to index
      %swap3A_287 = tpu.vector_load %arg5[%swap3A_286] {strides = array<i32>} : memref<50176xf32, #tpu.memory_space<vmem>>, vector<16xf32>,
      tpu.vector_store %arg5[%swap3A_286], %broadcast_in_dim3A_283 {strides = array<i32>} : memref<50176xf32, #tpu.memory_space<vmem>>, vector<16xf32>,
      %mul3A_288 = arith.constant 8 : i32
      %mul3A_289 = arith.muli %scan3A_249, %mul3A_288 : i32
      %add3A_290 = arith.constant 4 : i32
      %add3A_291 = arith.addi %mul3A_289, %add3A_290 : i32
      %broadcast_in_dim3A_292 = arith.constant 0.000000e+00 : f32
      %broadcast_in_dim3A_293 = vector.broadcast %broadcast_in_dim3A_292 : f32 to vector<16xf32>
      %mul3A_294 = arith.constant 16 : i32
      %mul3A_295 = arith.muli %add3A_291, %mul3A_294 : i32
      %swap3A_296 = arith.index_cast %mul3A_295 : i32 to index
      %swap3A_297 = tpu.vector_load %arg5[%swap3A_296] {strides = array<i32>} : memref<50176xf32, #tpu.memory_space<vmem>>, vector<16xf32>,
      tpu.vector_store %arg5[%swap3A_296], %broadcast_in_dim3A_293 {strides = array<i32>} : memref<50176xf32, #tpu.memory_space<vmem>>, vector<16xf32>,
      %mul3A_298 = arith.constant 8 : i32
      %mul3A_299 = arith.muli %scan3A_249, %mul3A_298 : i32
      %add3A_300 = arith.constant 5 : i32
      %add3A_301 = arith.addi %mul3A_299, %add3A_300 : i32
      %broadcast_in_dim3A_302 = arith.constant 0.000000e+00 : f32
      %broadcast_in_dim3A_303 = vector.broadcast %broadcast_in_dim3A_302 : f32 to vector<16xf32>
      %mul3A_304 = arith.constant 16 : i32
      %mul3A_305 = arith.muli %add3A_301, %mul3A_304 : i32
      %swap3A_306 = arith.index_cast %mul3A_305 : i32 to index
      %swap3A_307 = tpu.vector_load %arg5[%swap3A_306] {strides = array<i32>} : memref<50176xf32, #tpu.memory_space<vmem>>, vector<16xf32>,
      tpu.vector_store %arg5[%swap3A_306], %broadcast_in_dim3A_303 {strides = array<i32>} : memref<50176xf32, #tpu.memory_space<vmem>>, vector<16xf32>,
      %mul3A_308 = arith.constant 8 : i32
      %mul3A_309 = arith.muli %scan3A_249, %mul3A_308 : i32
      %add3A_310 = arith.constant 6 : i32
      %add3A_311 = arith.addi %mul3A_309, %add3A_310 : i32
      %broadcast_in_dim3A_312 = arith.constant 0.000000e+00 : f32
      %broadcast_in_dim3A_313 = vector.broadcast %broadcast_in_dim3A_312 : f32 to vector<16xf32>
      %mul3A_314 = arith.constant 16 : i32
      %mul3A_315 = arith.muli %add3A_311, %mul3A_314 : i32
      %swap3A_316 = arith.index_cast %mul3A_315 : i32 to index
      %swap3A_317 = tpu.vector_load %arg5[%swap3A_316] {strides = array<i32>} : memref<50176xf32, #tpu.memory_space<vmem>>, vector<16xf32>,
      tpu.vector_store %arg5[%swap3A_316], %broadcast_in_dim3A_313 {strides = array<i32>} : memref<50176xf32, #tpu.memory_space<vmem>>, vector<16xf32>,
      %mul3A_318 = arith.constant 8 : i32
      %mul3A_319 = arith.muli %scan3A_249, %mul3A_318 : i32
      %add3A_320 = arith.constant 7 : i32
      %add3A_321 = arith.addi %mul3A_319, %add3A_320 : i32
      %broadcast_in_dim3A_322 = arith.constant 0.000000e+00 : f32
      %broadcast_in_dim3A_323 = vector.broadcast %broadcast_in_dim3A_322 : f32 to vector<16xf32>
      %mul3A_324 = arith.constant 16 : i32
      %mul3A_325 = arith.muli %add3A_321, %mul3A_324 : i32
      %swap3A_326 = arith.index_cast %mul3A_325 : i32 to index
      %swap3A_327 = tpu.vector_load %arg5[%swap3A_326] {strides = array<i32>} : memref<50176xf32, #tpu.memory_space<vmem>>, vector<16xf32>,
      tpu.vector_store %arg5[%swap3A_326], %broadcast_in_dim3A_323 {strides = array<i32>} : memref<50176xf32, #tpu.memory_space<vmem>>, vector<16xf32>,
    }
    %scan3A_18 = arith.constant 392 : i32
    %scan3A_19 = arith.constant 0 : i32
    %scan3A_20 = arith.constant 0 : i32
    %scan3A_21 = arith.constant 11 : i32
    %scan3A_22 = arith.addi %scan3A_20, %scan3A_21 : i32
    %scan3A_23 = arith.constant 1 : i32
    scf.for %scan3A_249 = %scan3A_20 to %scan3A_22 step %scan3A_23  : i32 {
      %mul3A_250 = arith.constant 2 : i32
      %mul3A_251 = arith.muli %mul3A_250, %scan3A_249 : i32
      %add3A_252 = arith.constant 0 : i32
      %add3A_253 = arith.addi %mul3A_251, %add3A_252 : i32
      %dma_wait3A_254 = arith.constant 0 : i32
      %dma_wait3A_255 = tpu.memref_slice %arg2[%dma_wait3A_254] : memref<3200000xi32, #tpu.memory_space<hbm>> -> memref<4000xi32, #tpu.memory_space<hbm>>
      %dma_wait3A_256 = arith.constant 0 : i32
      %dma_wait3A_257 = tpu.memref_slice %arg2[%dma_wait3A_256] : memref<3200000xi32, #tpu.memory_space<hbm>> -> memref<4000xi32, #tpu.memory_space<hbm>>
      tpu.wait_dma2 semaphore(%arg14 : memref<!tpu.dma_semaphore, #tpu.memory_space<semaphore_mem>>) src(%dma_wait3A_257 : memref<4000xi32, #tpu.memory_space<hbm>>) dst(%arg6 : memref<4000xi32, #tpu.memory_space<vmem>>)
      %dma_wait3A_258 = arith.constant 0 : i32
      %dma_wait3A_259 = tpu.memref_slice %arg3[%dma_wait3A_258] : memref<3200000xf32, #tpu.memory_space<hbm>> -> memref<4000xf32, #tpu.memory_space<hbm>>
      %dma_wait3A_260 = arith.constant 0 : i32
      %dma_wait3A_261 = tpu.memref_slice %arg3[%dma_wait3A_260] : memref<3200000xf32, #tpu.memory_space<hbm>> -> memref<4000xf32, #tpu.memory_space<hbm>>
      tpu.wait_dma2 semaphore(%arg14 : memref<!tpu.dma_semaphore, #tpu.memory_space<semaphore_mem>>) src(%dma_wait3A_261 : memref<4000xf32, #tpu.memory_space<hbm>>) dst(%arg8 : memref<4000xf32, #tpu.memory_space<vmem>>)
      %parallel_loop3A_262 = arith.constant 0 : i32
      %parallel_loop3A_263 = arith.constant 250 : i32
      %parallel_loop3A_264 = arith.constant 1 : i32
      scf.for %parallel_loop3A_298 = %parallel_loop3A_262 to %parallel_loop3A_263 step %parallel_loop3A_264  : i32 {
        %parallel_loop3A_299 = arith.constant 16 : i32
        %parallel_loop3A_300 = arith.muli %parallel_loop3A_298, %parallel_loop3A_299 : i32
        %parallel_loop3A_301 = arith.index_cast %parallel_loop3A_300 : i32 to index
        %parallel_loop3A_302 = tpu.vector_load %arg6[%parallel_loop3A_301] {strides = array<i32>} : memref<4000xi32, #tpu.memory_space<vmem>>, vector<16xi32>,
        %parallel_loop3A_303 = arith.constant 16 : i32
        %parallel_loop3A_304 = arith.muli %parallel_loop3A_298, %parallel_loop3A_303 : i32
        %parallel_loop3A_305 = arith.index_cast %parallel_loop3A_304 : i32 to index
        %parallel_loop3A_306 = tpu.vector_load %arg8[%parallel_loop3A_305] {strides = array<i32>} : memref<4000xf32, #tpu.memory_space<vmem>>, vector<16xf32>,
        tpu.vector_store_idx %arg5[%parallel_loop3A_302], %parallel_loop3A_306 {add = true} : memref<50176xf32, #tpu.memory_space<vmem>>[vector<16xi32>], vector<16xf32>,
      } {sc.loop_unroll_factor = 5 : i64, sc.parallel_access}
      %add3A_265 = arith.constant 2 : i32
      %add3A_266 = arith.addi %add3A_253, %add3A_265 : i32
      %mul3A_267 = arith.constant 4000 : i32
      %mul3A_268 = arith.muli %add3A_266, %mul3A_267 : i32
      %add3A_269 = arith.addi %mul3A_2, %mul3A_268 : i32
      %dma_start3A_270 = tpu.memref_slice %arg2[%add3A_269] : memref<3200000xi32, #tpu.memory_space<hbm>> -> memref<4000xi32, #tpu.memory_space<hbm>>
      %dma_start3A_271 = tpu.memref_slice %arg2[%add3A_269] : memref<3200000xi32, #tpu.memory_space<hbm>> -> memref<4000xi32, #tpu.memory_space<hbm>>
      tpu.enqueue_dma source(%dma_start3A_271 : memref<4000xi32, #tpu.memory_space<hbm>>) target(%arg6 : memref<4000xi32, #tpu.memory_space<vmem>>) target_semaphore(%arg14 : memref<!tpu.dma_semaphore, #tpu.memory_space<semaphore_mem>>)
      %dma_start3A_272 = tpu.memref_slice %arg3[%add3A_269] : memref<3200000xf32, #tpu.memory_space<hbm>> -> memref<4000xf32, #tpu.memory_space<hbm>>
      %dma_start3A_273 = tpu.memref_slice %arg3[%add3A_269] : memref<3200000xf32, #tpu.memory_space<hbm>> -> memref<4000xf32, #tpu.memory_space<hbm>>
      tpu.enqueue_dma source(%dma_start3A_273 : memref<4000xf32, #tpu.memory_space<hbm>>) target(%arg8 : memref<4000xf32, #tpu.memory_space<vmem>>) target_semaphore(%arg14 : memref<!tpu.dma_semaphore, #tpu.memory_space<semaphore_mem>>)
      %mul3A_274 = arith.constant 2 : i32
      %mul3A_275 = arith.muli %mul3A_274, %scan3A_249 : i32
      %add3A_276 = arith.constant 1 : i32
      %add3A_277 = arith.addi %mul3A_275, %add3A_276 : i32
      %dma_wait3A_278 = arith.constant 0 : i32
      %dma_wait3A_279 = tpu.memref_slice %arg2[%dma_wait3A_278] : memref<3200000xi32, #tpu.memory_space<hbm>> -> memref<4000xi32, #tpu.memory_space<hbm>>
      %dma_wait3A_280 = arith.constant 0 : i32
      %dma_wait3A_281 = tpu.memref_slice %arg2[%dma_wait3A_280] : memref<3200000xi32, #tpu.memory_space<hbm>> -> memref<4000xi32, #tpu.memory_space<hbm>>
      tpu.wait_dma2 semaphore(%arg15 : memref<!tpu.dma_semaphore, #tpu.memory_space<semaphore_mem>>) src(%dma_wait3A_281 : memref<4000xi32, #tpu.memory_space<hbm>>) dst(%arg7 : memref<4000xi32, #tpu.memory_space<vmem>>)
      %dma_wait3A_282 = arith.constant 0 : i32
      %dma_wait3A_283 = tpu.memref_slice %arg3[%dma_wait3A_282] : memref<3200000xf32, #tpu.memory_space<hbm>> -> memref<4000xf32, #tpu.memory_space<hbm>>
      %dma_wait3A_284 = arith.constant 0 : i32
      %dma_wait3A_285 = tpu.memref_slice %arg3[%dma_wait3A_284] : memref<3200000xf32, #tpu.memory_space<hbm>> -> memref<4000xf32, #tpu.memory_space<hbm>>
      tpu.wait_dma2 semaphore(%arg15 : memref<!tpu.dma_semaphore, #tpu.memory_space<semaphore_mem>>) src(%dma_wait3A_285 : memref<4000xf32, #tpu.memory_space<hbm>>) dst(%arg9 : memref<4000xf32, #tpu.memory_space<vmem>>)
      %parallel_loop3A_286 = arith.constant 0 : i32
      %parallel_loop3A_287 = arith.constant 250 : i32
      %parallel_loop3A_288 = arith.constant 1 : i32
      scf.for %parallel_loop3A_298 = %parallel_loop3A_286 to %parallel_loop3A_287 step %parallel_loop3A_288  : i32 {
        %parallel_loop3A_299 = arith.constant 16 : i32
        %parallel_loop3A_300 = arith.muli %parallel_loop3A_298, %parallel_loop3A_299 : i32
        %parallel_loop3A_301 = arith.index_cast %parallel_loop3A_300 : i32 to index
        %parallel_loop3A_302 = tpu.vector_load %arg7[%parallel_loop3A_301] {strides = array<i32>} : memref<4000xi32, #tpu.memory_space<vmem>>, vector<16xi32>,
        %parallel_loop3A_303 = arith.constant 16 : i32
        %parallel_loop3A_304 = arith.muli %parallel_loop3A_298, %parallel_loop3A_303 : i32
        %parallel_loop3A_305 = arith.index_cast %parallel_loop3A_304 : i32 to index
        %parallel_loop3A_306 = tpu.vector_load %arg9[%parallel_loop3A_305] {strides = array<i32>} : memref<4000xf32, #tpu.memory_space<vmem>>, vector<16xf32>,
        tpu.vector_store_idx %arg5[%parallel_loop3A_302], %parallel_loop3A_306 {add = true} : memref<50176xf32, #tpu.memory_space<vmem>>[vector<16xi32>], vector<16xf32>,
      } {sc.loop_unroll_factor = 5 : i64, sc.parallel_access}
      %add3A_289 = arith.constant 2 : i32
      %add3A_290 = arith.addi %add3A_277, %add3A_289 : i32
      %mul3A_291 = arith.constant 4000 : i32
      %mul3A_292 = arith.muli %add3A_290, %mul3A_291 : i32
      %add3A_293 = arith.addi %mul3A_2, %mul3A_292 : i32
      %dma_start3A_294 = tpu.memref_slice %arg2[%add3A_293] : memref<3200000xi32, #tpu.memory_space<hbm>> -> memref<4000xi32, #tpu.memory_space<hbm>>
      %dma_start3A_295 = tpu.memref_slice %arg2[%add3A_293] : memref<3200000xi32, #tpu.memory_space<hbm>> -> memref<4000xi32, #tpu.memory_space<hbm>>
      tpu.enqueue_dma source(%dma_start3A_295 : memref<4000xi32, #tpu.memory_space<hbm>>) target(%arg7 : memref<4000xi32, #tpu.memory_space<vmem>>) target_semaphore(%arg15 : memref<!tpu.dma_semaphore, #tpu.memory_space<semaphore_mem>>)
      %dma_start3A_296 = tpu.memref_slice %arg3[%add3A_293] : memref<3200000xf32, #tpu.memory_space<hbm>> -> memref<4000xf32, #tpu.memory_space<hbm>>
      %dma_start3A_297 = tpu.memref_slice %arg3[%add3A_293] : memref<3200000xf32, #tpu.memory_space<hbm>> -> memref<4000xf32, #tpu.memory_space<hbm>>
      tpu.enqueue_dma source(%dma_start3A_297 : memref<4000xf32, #tpu.memory_space<hbm>>) target(%arg9 : memref<4000xf32, #tpu.memory_space<vmem>>) target_semaphore(%arg15 : memref<!tpu.dma_semaphore, #tpu.memory_space<semaphore_mem>>)
    }
    %scan3A_24 = arith.constant 11 : i32
    %dma_wait3A = arith.constant 0 : i32
    %dma_wait3A_25 = tpu.memref_slice %arg2[%dma_wait3A] : memref<3200000xi32, #tpu.memory_space<hbm>> -> memref<4000xi32, #tpu.memory_space<hbm>>
    %dma_wait3A_26 = arith.constant 0 : i32
    %dma_wait3A_27 = tpu.memref_slice %arg2[%dma_wait3A_26] : memref<3200000xi32, #tpu.memory_space<hbm>> -> memref<4000xi32, #tpu.memory_space<hbm>>
    tpu.wait_dma2 semaphore(%arg14 : memref<!tpu.dma_semaphore, #tpu.memory_space<semaphore_mem>>) src(%dma_wait3A_27 : memref<4000xi32, #tpu.memory_space<hbm>>) dst(%arg6 : memref<4000xi32, #tpu.memory_space<vmem>>)
    %dma_wait3A_28 = arith.constant 0 : i32
    %dma_wait3A_29 = tpu.memref_slice %arg3[%dma_wait3A_28] : memref<3200000xf32, #tpu.memory_space<hbm>> -> memref<4000xf32, #tpu.memory_space<hbm>>
    %dma_wait3A_30 = arith.constant 0 : i32
    %dma_wait3A_31 = tpu.memref_slice %arg3[%dma_wait3A_30] : memref<3200000xf32, #tpu.memory_space<hbm>> -> memref<4000xf32, #tpu.memory_space<hbm>>
    tpu.wait_dma2 semaphore(%arg14 : memref<!tpu.dma_semaphore, #tpu.memory_space<semaphore_mem>>) src(%dma_wait3A_31 : memref<4000xf32, #tpu.memory_space<hbm>>) dst(%arg8 : memref<4000xf32, #tpu.memory_space<vmem>>)
    %parallel_loop3A = arith.constant 0 : i32
    %parallel_loop3A_32 = arith.constant 250 : i32
    %parallel_loop3A_33 = arith.constant 1 : i32
    scf.for %parallel_loop3A_249 = %parallel_loop3A to %parallel_loop3A_32 step %parallel_loop3A_33  : i32 {
      %parallel_loop3A_250 = arith.constant 16 : i32
      %parallel_loop3A_251 = arith.muli %parallel_loop3A_249, %parallel_loop3A_250 : i32
      %parallel_loop3A_252 = arith.index_cast %parallel_loop3A_251 : i32 to index
      %parallel_loop3A_253 = tpu.vector_load %arg6[%parallel_loop3A_252] {strides = array<i32>} : memref<4000xi32, #tpu.memory_space<vmem>>, vector<16xi32>,
      %parallel_loop3A_254 = arith.constant 16 : i32
      %parallel_loop3A_255 = arith.muli %parallel_loop3A_249, %parallel_loop3A_254 : i32
      %parallel_loop3A_256 = arith.index_cast %parallel_loop3A_255 : i32 to index
      %parallel_loop3A_257 = tpu.vector_load %arg8[%parallel_loop3A_256] {strides = array<i32>} : memref<4000xf32, #tpu.memory_space<vmem>>, vector<16xf32>,
      tpu.vector_store_idx %arg5[%parallel_loop3A_253], %parallel_loop3A_257 {add = true} : memref<50176xf32, #tpu.memory_space<vmem>>[vector<16xi32>], vector<16xf32>,
    } {sc.loop_unroll_factor = 5 : i64, sc.parallel_access}
    %add3A_34 = arith.constant 96000 : i32
    %add3A_35 = arith.addi %mul3A_2, %add3A_34 : i32
    %dma_start3A_36 = tpu.memref_slice %arg2[%add3A_35] : memref<3200000xi32, #tpu.memory_space<hbm>> -> memref<4000xi32, #tpu.memory_space<hbm>>
    %dma_start3A_37 = tpu.memref_slice %arg2[%add3A_35] : memref<3200000xi32, #tpu.memory_space<hbm>> -> memref<4000xi32, #tpu.memory_space<hbm>>
    tpu.enqueue_dma source(%dma_start3A_37 : memref<4000xi32, #tpu.memory_space<hbm>>) target(%arg6 : memref<4000xi32, #tpu.memory_space<vmem>>) target_semaphore(%arg14 : memref<!tpu.dma_semaphore, #tpu.memory_space<semaphore_mem>>)
    %dma_start3A_38 = tpu.memref_slice %arg3[%add3A_35] : memref<3200000xf32, #tpu.memory_space<hbm>> -> memref<4000xf32, #tpu.memory_space<hbm>>
    %dma_start3A_39 = tpu.memref_slice %arg3[%add3A_35] : memref<3200000xf32, #tpu.memory_space<hbm>> -> memref<4000xf32, #tpu.memory_space<hbm>>
    tpu.enqueue_dma source(%dma_start3A_39 : memref<4000xf32, #tpu.memory_space<hbm>>) target(%arg8 : memref<4000xf32, #tpu.memory_space<vmem>>) target_semaphore(%arg14 : memref<!tpu.dma_semaphore, #tpu.memory_space<semaphore_mem>>)
    %dma_wait3A_40 = arith.constant 0 : i32
    %dma_wait3A_41 = tpu.memref_slice %arg2[%dma_wait3A_40] : memref<3200000xi32, #tpu.memory_space<hbm>> -> memref<4000xi32, #tpu.memory_space<hbm>>
    %dma_wait3A_42 = arith.constant 0 : i32
    %dma_wait3A_43 = tpu.memref_slice %arg2[%dma_wait3A_42] : memref<3200000xi32, #tpu.memory_space<hbm>> -> memref<4000xi32, #tpu.memory_space<hbm>>
    tpu.wait_dma2 semaphore(%arg15 : memref<!tpu.dma_semaphore, #tpu.memory_space<semaphore_mem>>) src(%dma_wait3A_43 : memref<4000xi32, #tpu.memory_space<hbm>>) dst(%arg7 : memref<4000xi32, #tpu.memory_space<vmem>>)
    %dma_wait3A_44 = arith.constant 0 : i32
    %dma_wait3A_45 = tpu.memref_slice %arg3[%dma_wait3A_44] : memref<3200000xf32, #tpu.memory_space<hbm>> -> memref<4000xf32, #tpu.memory_space<hbm>>
    %dma_wait3A_46 = arith.constant 0 : i32
    %dma_wait3A_47 = tpu.memref_slice %arg3[%dma_wait3A_46] : memref<3200000xf32, #tpu.memory_space<hbm>> -> memref<4000xf32, #tpu.memory_space<hbm>>
    tpu.wait_dma2 semaphore(%arg15 : memref<!tpu.dma_semaphore, #tpu.memory_space<semaphore_mem>>) src(%dma_wait3A_47 : memref<4000xf32, #tpu.memory_space<hbm>>) dst(%arg9 : memref<4000xf32, #tpu.memory_space<vmem>>)
    %parallel_loop3A_48 = arith.constant 0 : i32
    %parallel_loop3A_49 = arith.constant 250 : i32
    %parallel_loop3A_50 = arith.constant 1 : i32
    scf.for %parallel_loop3A_249 = %parallel_loop3A_48 to %parallel_loop3A_49 step %parallel_loop3A_50  : i32 {
      %parallel_loop3A_250 = arith.constant 16 : i32
      %parallel_loop3A_251 = arith.muli %parallel_loop3A_249, %parallel_loop3A_250 : i32
      %parallel_loop3A_252 = arith.index_cast %parallel_loop3A_251 : i32 to index
      %parallel_loop3A_253 = tpu.vector_load %arg7[%parallel_loop3A_252] {strides = array<i32>} : memref<4000xi32, #tpu.memory_space<vmem>>, vector<16xi32>,
      %parallel_loop3A_254 = arith.constant 16 : i32
      %parallel_loop3A_255 = arith.muli %parallel_loop3A_249, %parallel_loop3A_254 : i32
      %parallel_loop3A_256 = arith.index_cast %parallel_loop3A_255 : i32 to index
      %parallel_loop3A_257 = tpu.vector_load %arg9[%parallel_loop3A_256] {strides = array<i32>} : memref<4000xf32, #tpu.memory_space<vmem>>, vector<16xf32>,
      tpu.vector_store_idx %arg5[%parallel_loop3A_253], %parallel_loop3A_257 {add = true} : memref<50176xf32, #tpu.memory_space<vmem>>[vector<16xi32>], vector<16xf32>,
    } {sc.loop_unroll_factor = 5 : i64, sc.parallel_access}
    %dma_wait3A_51 = arith.constant 0 : i32
    %dma_wait3A_52 = tpu.memref_slice %arg2[%dma_wait3A_51] : memref<3200000xi32, #tpu.memory_space<hbm>> -> memref<4000xi32, #tpu.memory_space<hbm>>
    %dma_wait3A_53 = arith.constant 0 : i32
    %dma_wait3A_54 = tpu.memref_slice %arg2[%dma_wait3A_53] : memref<3200000xi32, #tpu.memory_space<hbm>> -> memref<4000xi32, #tpu.memory_space<hbm>>
    tpu.wait_dma2 semaphore(%arg14 : memref<!tpu.dma_semaphore, #tpu.memory_space<semaphore_mem>>) src(%dma_wait3A_54 : memref<4000xi32, #tpu.memory_space<hbm>>) dst(%arg6 : memref<4000xi32, #tpu.memory_space<vmem>>)
    %dma_wait3A_55 = arith.constant 0 : i32
    %dma_wait3A_56 = tpu.memref_slice %arg3[%dma_wait3A_55] : memref<3200000xf32, #tpu.memory_space<hbm>> -> memref<4000xf32, #tpu.memory_space<hbm>>
    %dma_wait3A_57 = arith.constant 0 : i32
    %dma_wait3A_58 = tpu.memref_slice %arg3[%dma_wait3A_57] : memref<3200000xf32, #tpu.memory_space<hbm>> -> memref<4000xf32, #tpu.memory_space<hbm>>
    tpu.wait_dma2 semaphore(%arg14 : memref<!tpu.dma_semaphore, #tpu.memory_space<semaphore_mem>>) src(%dma_wait3A_58 : memref<4000xf32, #tpu.memory_space<hbm>>) dst(%arg8 : memref<4000xf32, #tpu.memory_space<vmem>>)
    %parallel_loop3A_59 = arith.constant 0 : i32
    %parallel_loop3A_60 = arith.constant 250 : i32
    %parallel_loop3A_61 = arith.constant 1 : i32
    scf.for %parallel_loop3A_249 = %parallel_loop3A_59 to %parallel_loop3A_60 step %parallel_loop3A_61  : i32 {
      %parallel_loop3A_250 = arith.constant 16 : i32
      %parallel_loop3A_251 = arith.muli %parallel_loop3A_249, %parallel_loop3A_250 : i32
      %parallel_loop3A_252 = arith.index_cast %parallel_loop3A_251 : i32 to index
      %parallel_loop3A_253 = tpu.vector_load %arg6[%parallel_loop3A_252] {strides = array<i32>} : memref<4000xi32, #tpu.memory_space<vmem>>, vector<16xi32>,
      %parallel_loop3A_254 = arith.constant 16 : i32
      %parallel_loop3A_255 = arith.muli %parallel_loop3A_249, %parallel_loop3A_254 : i32
      %parallel_loop3A_256 = arith.index_cast %parallel_loop3A_255 : i32 to index
      %parallel_loop3A_257 = tpu.vector_load %arg8[%parallel_loop3A_256] {strides = array<i32>} : memref<4000xf32, #tpu.memory_space<vmem>>, vector<16xf32>,
      tpu.vector_store_idx %arg5[%parallel_loop3A_253], %parallel_loop3A_257 {add = true} : memref<50176xf32, #tpu.memory_space<vmem>>[vector<16xi32>], vector<16xf32>,
    } {sc.loop_unroll_factor = 5 : i64, sc.parallel_access}
    %mul3A_62 = arith.constant 50176 : i32
    %mul3A_63 = arith.muli %arg1, %mul3A_62 : i32
    "tpu.region"() ({
      %run_scoped3A = tpu.sem_alloc : memref<!tpu.dma_semaphore, #tpu.memory_space<semaphore_mem>>
      %dma_start3A_249 = tpu.memref_slice %arg13[%mul3A_63] : memref<802816xf32, #tpu.memory_space<vmem_shared>> -> memref<50176xf32, #tpu.memory_space<vmem_shared>>
      %dma_start3A_250 = tpu.memref_slice %arg13[%mul3A_63] : memref<802816xf32, #tpu.memory_space<vmem_shared>> -> memref<50176xf32, #tpu.memory_space<vmem_shared>>
      tpu.enqueue_dma source(%arg5 : memref<50176xf32, #tpu.memory_space<vmem>>) target(%dma_start3A_250 : memref<50176xf32, #tpu.memory_space<vmem_shared>>) target_semaphore(%run_scoped3A : memref<!tpu.dma_semaphore, #tpu.memory_space<semaphore_mem>>)
      %dma_wait3A_251 = tpu.memref_slice %arg13[%mul3A_63] : memref<802816xf32, #tpu.memory_space<vmem_shared>> -> memref<50176xf32, #tpu.memory_space<vmem_shared>>
      %dma_wait3A_252 = tpu.memref_slice %arg13[%mul3A_63] : memref<802816xf32, #tpu.memory_space<vmem_shared>> -> memref<50176xf32, #tpu.memory_space<vmem_shared>>
      tpu.wait_dma2 semaphore(%run_scoped3A : memref<!tpu.dma_semaphore, #tpu.memory_space<semaphore_mem>>) src(%arg5 : memref<50176xf32, #tpu.memory_space<vmem>>) dst(%dma_wait3A_252 : memref<50176xf32, #tpu.memory_space<vmem_shared>>)
      tpu.yield
    }) : () -> ()
    %barrier3A = arith.constant 0 : index
    tpu.barrier barrier_id(%barrier3A)
    %mul3A_64 = arith.constant 3136 : i32
    %mul3A_65 = arith.muli %arg1, %mul3A_64 : i32
    %add3A_66 = arith.constant 50176 : i32
    %add3A_67 = arith.addi %add3A_66, %mul3A_65 : i32
    %dma_start3A_68 = tpu.memref_slice %arg13[%add3A_67] : memref<802816xf32, #tpu.memory_space<vmem_shared>> -> memref<3136xf32, #tpu.memory_space<vmem_shared>>
    %dma_start3A_69 = tpu.memref_slice %arg13[%add3A_67] : memref<802816xf32, #tpu.memory_space<vmem_shared>> -> memref<3136xf32, #tpu.memory_space<vmem_shared>>
    tpu.enqueue_dma source(%dma_start3A_69 : memref<3136xf32, #tpu.memory_space<vmem_shared>>) target(%arg11 : memref<3136xf32, #tpu.memory_space<vmem>>) target_semaphore(%arg17 : memref<!tpu.dma_semaphore, #tpu.memory_space<semaphore_mem>>)
    "tpu.region"() ({
      %run_scoped3A = tpu.sem_alloc : memref<!tpu.dma_semaphore, #tpu.memory_space<semaphore_mem>>
      %dma_start3A_249 = tpu.memref_slice %arg13[%mul3A_65] : memref<802816xf32, #tpu.memory_space<vmem_shared>> -> memref<3136xf32, #tpu.memory_space<vmem_shared>>
      %dma_start3A_250 = tpu.memref_slice %arg13[%mul3A_65] : memref<802816xf32, #tpu.memory_space<vmem_shared>> -> memref<3136xf32, #tpu.memory_space<vmem_shared>>
      tpu.enqueue_dma source(%dma_start3A_250 : memref<3136xf32, #tpu.memory_space<vmem_shared>>) target(%arg12 : memref<3136xf32, #tpu.memory_space<vmem>>) target_semaphore(%run_scoped3A : memref<!tpu.dma_semaphore, #tpu.memory_space<semaphore_mem>>)
      %dma_wait3A_251 = tpu.memref_slice %arg13[%mul3A_65] : memref<802816xf32, #tpu.memory_space<vmem_shared>> -> memref<3136xf32, #tpu.memory_space<vmem_shared>>
      %dma_wait3A_252 = tpu.memref_slice %arg13[%mul3A_65] : memref<802816xf32, #tpu.memory_space<vmem_shared>> -> memref<3136xf32, #tpu.memory_space<vmem_shared>>
      tpu.wait_dma2 semaphore(%run_scoped3A : memref<!tpu.dma_semaphore, #tpu.memory_space<semaphore_mem>>) src(%dma_wait3A_252 : memref<3136xf32, #tpu.memory_space<vmem_shared>>) dst(%arg12 : memref<3136xf32, #tpu.memory_space<vmem>>)
      tpu.yield
    }) : () -> ()
    %dma_wait3A_70 = tpu.memref_slice %arg13[%mul3A_65] : memref<802816xf32, #tpu.memory_space<vmem_shared>> -> memref<3136xf32, #tpu.memory_space<vmem_shared>>
    %dma_wait3A_71 = tpu.memref_slice %arg13[%mul3A_65] : memref<802816xf32, #tpu.memory_space<vmem_shared>> -> memref<3136xf32, #tpu.memory_space<vmem_shared>>
    tpu.wait_dma2 semaphore(%arg17 : memref<!tpu.dma_semaphore, #tpu.memory_space<semaphore_mem>>) src(%dma_wait3A_71 : memref<3136xf32, #tpu.memory_space<vmem_shared>>) dst(%arg11 : memref<3136xf32, #tpu.memory_space<vmem>>)
    %add3A_72 = arith.constant 100352 : i32
    %add3A_73 = arith.addi %add3A_72, %mul3A_65 : i32
    %dma_start3A_74 = tpu.memref_slice %arg13[%add3A_73] : memref<802816xf32, #tpu.memory_space<vmem_shared>> -> memref<3136xf32, #tpu.memory_space<vmem_shared>>
    %dma_start3A_75 = tpu.memref_slice %arg13[%add3A_73] : memref<802816xf32, #tpu.memory_space<vmem_shared>> -> memref<3136xf32, #tpu.memory_space<vmem_shared>>
    tpu.enqueue_dma source(%dma_start3A_75 : memref<3136xf32, #tpu.memory_space<vmem_shared>>) target(%arg10 : memref<3136xf32, #tpu.memory_space<vmem>>) target_semaphore(%arg16 : memref<!tpu.dma_semaphore, #tpu.memory_space<semaphore_mem>>)
    %scan3A_76 = arith.constant 0 : i32
    %scan3A_77 = arith.constant 0 : i32
    %scan3A_78 = arith.constant 49 : i32
    %scan3A_79 = arith.addi %scan3A_77, %scan3A_78 : i32
    %scan3A_80 = arith.constant 1 : i32
    scf.for %scan3A_249 = %scan3A_77 to %scan3A_79 step %scan3A_80  : i32 {
      %mul3A_250 = arith.constant 4 : i32
      %mul3A_251 = arith.muli %scan3A_249, %mul3A_250 : i32
      %add3A_252 = arith.constant 0 : i32
      %add3A_253 = arith.addi %mul3A_251, %add3A_252 : i32
      %mul3A_254 = arith.constant 16 : i32
      %mul3A_255 = arith.muli %add3A_253, %mul3A_254 : i32
      %get3A = arith.index_cast %mul3A_255 : i32 to index
      %get3A_256 = tpu.vector_load %arg12[%get3A] {strides = array<i32>} : memref<3136xf32, #tpu.memory_space<vmem>>, vector<16xf32>,
      %mul3A_257 = arith.constant 16 : i32
      %mul3A_258 = arith.muli %add3A_253, %mul3A_257 : i32
      %get3A_259 = arith.index_cast %mul3A_258 : i32 to index
      %get3A_260 = tpu.vector_load %arg11[%get3A_259] {strides = array<i32>} : memref<3136xf32, #tpu.memory_space<vmem>>, vector<16xf32>,
      %add3A_261 = arith.addf %get3A_256, %get3A_260 : vector<16xf32>
      %mul3A_262 = arith.constant 16 : i32
      %mul3A_263 = arith.muli %add3A_253, %mul3A_262 : i32
      %swap3A = arith.index_cast %mul3A_263 : i32 to index
      %swap3A_264 = tpu.vector_load %arg12[%swap3A] {strides = array<i32>} : memref<3136xf32, #tpu.memory_space<vmem>>, vector<16xf32>,
      tpu.vector_store %arg12[%swap3A], %add3A_261 {strides = array<i32>} : memref<3136xf32, #tpu.memory_space<vmem>>, vector<16xf32>,
      %mul3A_265 = arith.constant 4 : i32
      %mul3A_266 = arith.muli %scan3A_249, %mul3A_265 : i32
      %add3A_267 = arith.constant 1 : i32
      %add3A_268 = arith.addi %mul3A_266, %add3A_267 : i32
      %mul3A_269 = arith.constant 16 : i32
      %mul3A_270 = arith.muli %add3A_268, %mul3A_269 : i32
      %get3A_271 = arith.index_cast %mul3A_270 : i32 to index
      %get3A_272 = tpu.vector_load %arg12[%get3A_271] {strides = array<i32>} : memref<3136xf32, #tpu.memory_space<vmem>>, vector<16xf32>,
      %mul3A_273 = arith.constant 16 : i32
      %mul3A_274 = arith.muli %add3A_268, %mul3A_273 : i32
      %get3A_275 = arith.index_cast %mul3A_274 : i32 to index
      %get3A_276 = tpu.vector_load %arg11[%get3A_275] {strides = array<i32>} : memref<3136xf32, #tpu.memory_space<vmem>>, vector<16xf32>,
      %add3A_277 = arith.addf %get3A_272, %get3A_276 : vector<16xf32>
      %mul3A_278 = arith.constant 16 : i32
      %mul3A_279 = arith.muli %add3A_268, %mul3A_278 : i32
      %swap3A_280 = arith.index_cast %mul3A_279 : i32 to index
      %swap3A_281 = tpu.vector_load %arg12[%swap3A_280] {strides = array<i32>} : memref<3136xf32, #tpu.memory_space<vmem>>, vector<16xf32>,
      tpu.vector_store %arg12[%swap3A_280], %add3A_277 {strides = array<i32>} : memref<3136xf32, #tpu.memory_space<vmem>>, vector<16xf32>,
      %mul3A_282 = arith.constant 4 : i32
      %mul3A_283 = arith.muli %scan3A_249, %mul3A_282 : i32
      %add3A_284 = arith.constant 2 : i32
      %add3A_285 = arith.addi %mul3A_283, %add3A_284 : i32
      %mul3A_286 = arith.constant 16 : i32
      %mul3A_287 = arith.muli %add3A_285, %mul3A_286 : i32
      %get3A_288 = arith.index_cast %mul3A_287 : i32 to index
      %get3A_289 = tpu.vector_load %arg12[%get3A_288] {strides = array<i32>} : memref<3136xf32, #tpu.memory_space<vmem>>, vector<16xf32>,
      %mul3A_290 = arith.constant 16 : i32
      %mul3A_291 = arith.muli %add3A_285, %mul3A_290 : i32
      %get3A_292 = arith.index_cast %mul3A_291 : i32 to index
      %get3A_293 = tpu.vector_load %arg11[%get3A_292] {strides = array<i32>} : memref<3136xf32, #tpu.memory_space<vmem>>, vector<16xf32>,
      %add3A_294 = arith.addf %get3A_289, %get3A_293 : vector<16xf32>
      %mul3A_295 = arith.constant 16 : i32
      %mul3A_296 = arith.muli %add3A_285, %mul3A_295 : i32
      %swap3A_297 = arith.index_cast %mul3A_296 : i32 to index
      %swap3A_298 = tpu.vector_load %arg12[%swap3A_297] {strides = array<i32>} : memref<3136xf32, #tpu.memory_space<vmem>>, vector<16xf32>,
      tpu.vector_store %arg12[%swap3A_297], %add3A_294 {strides = array<i32>} : memref<3136xf32, #tpu.memory_space<vmem>>, vector<16xf32>,
      %mul3A_299 = arith.constant 4 : i32
      %mul3A_300 = arith.muli %scan3A_249, %mul3A_299 : i32
      %add3A_301 = arith.constant 3 : i32
      %add3A_302 = arith.addi %mul3A_300, %add3A_301 : i32
      %mul3A_303 = arith.constant 16 : i32
      %mul3A_304 = arith.muli %add3A_302, %mul3A_303 : i32
      %get3A_305 = arith.index_cast %mul3A_304 : i32 to index
      %get3A_306 = tpu.vector_load %arg12[%get3A_305] {strides = array<i32>} : memref<3136xf32, #tpu.memory_space<vmem>>, vector<16xf32>,
      %mul3A_307 = arith.constant 16 : i32
      %mul3A_308 = arith.muli %add3A_302, %mul3A_307 : i32
      %get3A_309 = arith.index_cast %mul3A_308 : i32 to index
      %get3A_310 = tpu.vector_load %arg11[%get3A_309] {strides = array<i32>} : memref<3136xf32, #tpu.memory_space<vmem>>, vector<16xf32>,
      %add3A_311 = arith.addf %get3A_306, %get3A_310 : vector<16xf32>
      %mul3A_312 = arith.constant 16 : i32
      %mul3A_313 = arith.muli %add3A_302, %mul3A_312 : i32
      %swap3A_314 = arith.index_cast %mul3A_313 : i32 to index
      %swap3A_315 = tpu.vector_load %arg12[%swap3A_314] {strides = array<i32>} : memref<3136xf32, #tpu.memory_space<vmem>>, vector<16xf32>,
      tpu.vector_store %arg12[%swap3A_314], %add3A_311 {strides = array<i32>} : memref<3136xf32, #tpu.memory_space<vmem>>, vector<16xf32>,
    }
    %scan3A_81 = arith.constant 49 : i32
    %dma_wait3A_82 = tpu.memref_slice %arg13[%mul3A_65] : memref<802816xf32, #tpu.memory_space<vmem_shared>> -> memref<3136xf32, #tpu.memory_space<vmem_shared>>
    %dma_wait3A_83 = tpu.memref_slice %arg13[%mul3A_65] : memref<802816xf32, #tpu.memory_space<vmem_shared>> -> memref<3136xf32, #tpu.memory_space<vmem_shared>>
    tpu.wait_dma2 semaphore(%arg16 : memref<!tpu.dma_semaphore, #tpu.memory_space<semaphore_mem>>) src(%dma_wait3A_83 : memref<3136xf32, #tpu.memory_space<vmem_shared>>) dst(%arg10 : memref<3136xf32, #tpu.memory_space<vmem>>)
    %add3A_84 = arith.constant 150528 : i32
    %add3A_85 = arith.addi %add3A_84, %mul3A_65 : i32
    %dma_start3A_86 = tpu.memref_slice %arg13[%add3A_85] : memref<802816xf32, #tpu.memory_space<vmem_shared>> -> memref<3136xf32, #tpu.memory_space<vmem_shared>>
    %dma_start3A_87 = tpu.memref_slice %arg13[%add3A_85] : memref<802816xf32, #tpu.memory_space<vmem_shared>> -> memref<3136xf32, #tpu.memory_space<vmem_shared>>
    tpu.enqueue_dma source(%dma_start3A_87 : memref<3136xf32, #tpu.memory_space<vmem_shared>>) target(%arg11 : memref<3136xf32, #tpu.memory_space<vmem>>) target_semaphore(%arg17 : memref<!tpu.dma_semaphore, #tpu.memory_space<semaphore_mem>>)
    %scan3A_88 = arith.constant 0 : i32
    %scan3A_89 = arith.constant 0 : i32
    %scan3A_90 = arith.constant 49 : i32
    %scan3A_91 = arith.addi %scan3A_89, %scan3A_90 : i32
    %scan3A_92 = arith.constant 1 : i32
    scf.for %scan3A_249 = %scan3A_89 to %scan3A_91 step %scan3A_92  : i32 {
      %mul3A_250 = arith.constant 4 : i32
      %mul3A_251 = arith.muli %scan3A_249, %mul3A_250 : i32
      %add3A_252 = arith.constant 0 : i32
      %add3A_253 = arith.addi %mul3A_251, %add3A_252 : i32
      %mul3A_254 = arith.constant 16 : i32
      %mul3A_255 = arith.muli %add3A_253, %mul3A_254 : i32
      %get3A = arith.index_cast %mul3A_255 : i32 to index
      %get3A_256 = tpu.vector_load %arg12[%get3A] {strides = array<i32>} : memref<3136xf32, #tpu.memory_space<vmem>>, vector<16xf32>,
      %mul3A_257 = arith.constant 16 : i32
      %mul3A_258 = arith.muli %add3A_253, %mul3A_257 : i32
      %get3A_259 = arith.index_cast %mul3A_258 : i32 to index
      %get3A_260 = tpu.vector_load %arg10[%get3A_259] {strides = array<i32>} : memref<3136xf32, #tpu.memory_space<vmem>>, vector<16xf32>,
      %add3A_261 = arith.addf %get3A_256, %get3A_260 : vector<16xf32>
      %mul3A_262 = arith.constant 16 : i32
      %mul3A_263 = arith.muli %add3A_253, %mul3A_262 : i32
      %swap3A = arith.index_cast %mul3A_263 : i32 to index
      %swap3A_264 = tpu.vector_load %arg12[%swap3A] {strides = array<i32>} : memref<3136xf32, #tpu.memory_space<vmem>>, vector<16xf32>,
      tpu.vector_store %arg12[%swap3A], %add3A_261 {strides = array<i32>} : memref<3136xf32, #tpu.memory_space<vmem>>, vector<16xf32>,
      %mul3A_265 = arith.constant 4 : i32
      %mul3A_266 = arith.muli %scan3A_249, %mul3A_265 : i32
      %add3A_267 = arith.constant 1 : i32
      %add3A_268 = arith.addi %mul3A_266, %add3A_267 : i32
      %mul3A_269 = arith.constant 16 : i32
      %mul3A_270 = arith.muli %add3A_268, %mul3A_269 : i32
      %get3A_271 = arith.index_cast %mul3A_270 : i32 to index
      %get3A_272 = tpu.vector_load %arg12[%get3A_271] {strides = array<i32>} : memref<3136xf32, #tpu.memory_space<vmem>>, vector<16xf32>,
      %mul3A_273 = arith.constant 16 : i32
      %mul3A_274 = arith.muli %add3A_268, %mul3A_273 : i32
      %get3A_275 = arith.index_cast %mul3A_274 : i32 to index
      %get3A_276 = tpu.vector_load %arg10[%get3A_275] {strides = array<i32>} : memref<3136xf32, #tpu.memory_space<vmem>>, vector<16xf32>,
      %add3A_277 = arith.addf %get3A_272, %get3A_276 : vector<16xf32>
      %mul3A_278 = arith.constant 16 : i32
      %mul3A_279 = arith.muli %add3A_268, %mul3A_278 : i32
      %swap3A_280 = arith.index_cast %mul3A_279 : i32 to index
      %swap3A_281 = tpu.vector_load %arg12[%swap3A_280] {strides = array<i32>} : memref<3136xf32, #tpu.memory_space<vmem>>, vector<16xf32>,
      tpu.vector_store %arg12[%swap3A_280], %add3A_277 {strides = array<i32>} : memref<3136xf32, #tpu.memory_space<vmem>>, vector<16xf32>,
      %mul3A_282 = arith.constant 4 : i32
      %mul3A_283 = arith.muli %scan3A_249, %mul3A_282 : i32
      %add3A_284 = arith.constant 2 : i32
      %add3A_285 = arith.addi %mul3A_283, %add3A_284 : i32
      %mul3A_286 = arith.constant 16 : i32
      %mul3A_287 = arith.muli %add3A_285, %mul3A_286 : i32
      %get3A_288 = arith.index_cast %mul3A_287 : i32 to index
      %get3A_289 = tpu.vector_load %arg12[%get3A_288] {strides = array<i32>} : memref<3136xf32, #tpu.memory_space<vmem>>, vector<16xf32>,
      %mul3A_290 = arith.constant 16 : i32
      %mul3A_291 = arith.muli %add3A_285, %mul3A_290 : i32
      %get3A_292 = arith.index_cast %mul3A_291 : i32 to index
      %get3A_293 = tpu.vector_load %arg10[%get3A_292] {strides = array<i32>} : memref<3136xf32, #tpu.memory_space<vmem>>, vector<16xf32>,
      %add3A_294 = arith.addf %get3A_289, %get3A_293 : vector<16xf32>
      %mul3A_295 = arith.constant 16 : i32
      %mul3A_296 = arith.muli %add3A_285, %mul3A_295 : i32
      %swap3A_297 = arith.index_cast %mul3A_296 : i32 to index
      %swap3A_298 = tpu.vector_load %arg12[%swap3A_297] {strides = array<i32>} : memref<3136xf32, #tpu.memory_space<vmem>>, vector<16xf32>,
      tpu.vector_store %arg12[%swap3A_297], %add3A_294 {strides = array<i32>} : memref<3136xf32, #tpu.memory_space<vmem>>, vector<16xf32>,
      %mul3A_299 = arith.constant 4 : i32
      %mul3A_300 = arith.muli %scan3A_249, %mul3A_299 : i32
      %add3A_301 = arith.constant 3 : i32
      %add3A_302 = arith.addi %mul3A_300, %add3A_301 : i32
      %mul3A_303 = arith.constant 16 : i32
      %mul3A_304 = arith.muli %add3A_302, %mul3A_303 : i32
      %get3A_305 = arith.index_cast %mul3A_304 : i32 to index
      %get3A_306 = tpu.vector_load %arg12[%get3A_305] {strides = array<i32>} : memref<3136xf32, #tpu.memory_space<vmem>>, vector<16xf32>,
      %mul3A_307 = arith.constant 16 : i32
      %mul3A_308 = arith.muli %add3A_302, %mul3A_307 : i32
      %get3A_309 = arith.index_cast %mul3A_308 : i32 to index
      %get3A_310 = tpu.vector_load %arg10[%get3A_309] {strides = array<i32>} : memref<3136xf32, #tpu.memory_space<vmem>>, vector<16xf32>,
      %add3A_311 = arith.addf %get3A_306, %get3A_310 : vector<16xf32>
      %mul3A_312 = arith.constant 16 : i32
      %mul3A_313 = arith.muli %add3A_302, %mul3A_312 : i32
      %swap3A_314 = arith.index_cast %mul3A_313 : i32 to index
      %swap3A_315 = tpu.vector_load %arg12[%swap3A_314] {strides = array<i32>} : memref<3136xf32, #tpu.memory_space<vmem>>, vector<16xf32>,
      tpu.vector_store %arg12[%swap3A_314], %add3A_311 {strides = array<i32>} : memref<3136xf32, #tpu.memory_space<vmem>>, vector<16xf32>,
    }
    %scan3A_93 = arith.constant 49 : i32
    %dma_wait3A_94 = tpu.memref_slice %arg13[%mul3A_65] : memref<802816xf32, #tpu.memory_space<vmem_shared>> -> memref<3136xf32, #tpu.memory_space<vmem_shared>>
    %dma_wait3A_95 = tpu.memref_slice %arg13[%mul3A_65] : memref<802816xf32, #tpu.memory_space<vmem_shared>> -> memref<3136xf32, #tpu.memory_space<vmem_shared>>
    tpu.wait_dma2 semaphore(%arg17 : memref<!tpu.dma_semaphore, #tpu.memory_space<semaphore_mem>>) src(%dma_wait3A_95 : memref<3136xf32, #tpu.memory_space<vmem_shared>>) dst(%arg11 : memref<3136xf32, #tpu.memory_space<vmem>>)
    %add3A_96 = arith.constant 200704 : i32
    %add3A_97 = arith.addi %add3A_96, %mul3A_65 : i32
    %dma_start3A_98 = tpu.memref_slice %arg13[%add3A_97] : memref<802816xf32, #tpu.memory_space<vmem_shared>> -> memref<3136xf32, #tpu.memory_space<vmem_shared>>
    %dma_start3A_99 = tpu.memref_slice %arg13[%add3A_97] : memref<802816xf32, #tpu.memory_space<vmem_shared>> -> memref<3136xf32, #tpu.memory_space<vmem_shared>>
    tpu.enqueue_dma source(%dma_start3A_99 : memref<3136xf32, #tpu.memory_space<vmem_shared>>) target(%arg10 : memref<3136xf32, #tpu.memory_space<vmem>>) target_semaphore(%arg16 : memref<!tpu.dma_semaphore, #tpu.memory_space<semaphore_mem>>)
    %scan3A_100 = arith.constant 0 : i32
    %scan3A_101 = arith.constant 0 : i32
    %scan3A_102 = arith.constant 49 : i32
    %scan3A_103 = arith.addi %scan3A_101, %scan3A_102 : i32
    %scan3A_104 = arith.constant 1 : i32
    scf.for %scan3A_249 = %scan3A_101 to %scan3A_103 step %scan3A_104  : i32 {
      %mul3A_250 = arith.constant 4 : i32
      %mul3A_251 = arith.muli %scan3A_249, %mul3A_250 : i32
      %add3A_252 = arith.constant 0 : i32
      %add3A_253 = arith.addi %mul3A_251, %add3A_252 : i32
      %mul3A_254 = arith.constant 16 : i32
      %mul3A_255 = arith.muli %add3A_253, %mul3A_254 : i32
      %get3A = arith.index_cast %mul3A_255 : i32 to index
      %get3A_256 = tpu.vector_load %arg12[%get3A] {strides = array<i32>} : memref<3136xf32, #tpu.memory_space<vmem>>, vector<16xf32>,
      %mul3A_257 = arith.constant 16 : i32
      %mul3A_258 = arith.muli %add3A_253, %mul3A_257 : i32
      %get3A_259 = arith.index_cast %mul3A_258 : i32 to index
      %get3A_260 = tpu.vector_load %arg11[%get3A_259] {strides = array<i32>} : memref<3136xf32, #tpu.memory_space<vmem>>, vector<16xf32>,
      %add3A_261 = arith.addf %get3A_256, %get3A_260 : vector<16xf32>
      %mul3A_262 = arith.constant 16 : i32
      %mul3A_263 = arith.muli %add3A_253, %mul3A_262 : i32
      %swap3A = arith.index_cast %mul3A_263 : i32 to index
      %swap3A_264 = tpu.vector_load %arg12[%swap3A] {strides = array<i32>} : memref<3136xf32, #tpu.memory_space<vmem>>, vector<16xf32>,
      tpu.vector_store %arg12[%swap3A], %add3A_261 {strides = array<i32>} : memref<3136xf32, #tpu.memory_space<vmem>>, vector<16xf32>,
      %mul3A_265 = arith.constant 4 : i32
      %mul3A_266 = arith.muli %scan3A_249, %mul3A_265 : i32
      %add3A_267 = arith.constant 1 : i32
      %add3A_268 = arith.addi %mul3A_266, %add3A_267 : i32
      %mul3A_269 = arith.constant 16 : i32
      %mul3A_270 = arith.muli %add3A_268, %mul3A_269 : i32
      %get3A_271 = arith.index_cast %mul3A_270 : i32 to index
      %get3A_272 = tpu.vector_load %arg12[%get3A_271] {strides = array<i32>} : memref<3136xf32, #tpu.memory_space<vmem>>, vector<16xf32>,
      %mul3A_273 = arith.constant 16 : i32
      %mul3A_274 = arith.muli %add3A_268, %mul3A_273 : i32
      %get3A_275 = arith.index_cast %mul3A_274 : i32 to index
      %get3A_276 = tpu.vector_load %arg11[%get3A_275] {strides = array<i32>} : memref<3136xf32, #tpu.memory_space<vmem>>, vector<16xf32>,
      %add3A_277 = arith.addf %get3A_272, %get3A_276 : vector<16xf32>
      %mul3A_278 = arith.constant 16 : i32
      %mul3A_279 = arith.muli %add3A_268, %mul3A_278 : i32
      %swap3A_280 = arith.index_cast %mul3A_279 : i32 to index
      %swap3A_281 = tpu.vector_load %arg12[%swap3A_280] {strides = array<i32>} : memref<3136xf32, #tpu.memory_space<vmem>>, vector<16xf32>,
      tpu.vector_store %arg12[%swap3A_280], %add3A_277 {strides = array<i32>} : memref<3136xf32, #tpu.memory_space<vmem>>, vector<16xf32>,
      %mul3A_282 = arith.constant 4 : i32
      %mul3A_283 = arith.muli %scan3A_249, %mul3A_282 : i32
      %add3A_284 = arith.constant 2 : i32
      %add3A_285 = arith.addi %mul3A_283, %add3A_284 : i32
      %mul3A_286 = arith.constant 16 : i32
      %mul3A_287 = arith.muli %add3A_285, %mul3A_286 : i32
      %get3A_288 = arith.index_cast %mul3A_287 : i32 to index
      %get3A_289 = tpu.vector_load %arg12[%get3A_288] {strides = array<i32>} : memref<3136xf32, #tpu.memory_space<vmem>>, vector<16xf32>,
      %mul3A_290 = arith.constant 16 : i32
      %mul3A_291 = arith.muli %add3A_285, %mul3A_290 : i32
      %get3A_292 = arith.index_cast %mul3A_291 : i32 to index
      %get3A_293 = tpu.vector_load %arg11[%get3A_292] {strides = array<i32>} : memref<3136xf32, #tpu.memory_space<vmem>>, vector<16xf32>,
      %add3A_294 = arith.addf %get3A_289, %get3A_293 : vector<16xf32>
      %mul3A_295 = arith.constant 16 : i32
      %mul3A_296 = arith.muli %add3A_285, %mul3A_295 : i32
      %swap3A_297 = arith.index_cast %mul3A_296 : i32 to index
      %swap3A_298 = tpu.vector_load %arg12[%swap3A_297] {strides = array<i32>} : memref<3136xf32, #tpu.memory_space<vmem>>, vector<16xf32>,
      tpu.vector_store %arg12[%swap3A_297], %add3A_294 {strides = array<i32>} : memref<3136xf32, #tpu.memory_space<vmem>>, vector<16xf32>,
      %mul3A_299 = arith.constant 4 : i32
      %mul3A_300 = arith.muli %scan3A_249, %mul3A_299 : i32
      %add3A_301 = arith.constant 3 : i32
      %add3A_302 = arith.addi %mul3A_300, %add3A_301 : i32
      %mul3A_303 = arith.constant 16 : i32
      %mul3A_304 = arith.muli %add3A_302, %mul3A_303 : i32
      %get3A_305 = arith.index_cast %mul3A_304 : i32 to index
      %get3A_306 = tpu.vector_load %arg12[%get3A_305] {strides = array<i32>} : memref<3136xf32, #tpu.memory_space<vmem>>, vector<16xf32>,
      %mul3A_307 = arith.constant 16 : i32
      %mul3A_308 = arith.muli %add3A_302, %mul3A_307 : i32
      %get3A_309 = arith.index_cast %mul3A_308 : i32 to index
      %get3A_310 = tpu.vector_load %arg11[%get3A_309] {strides = array<i32>} : memref<3136xf32, #tpu.memory_space<vmem>>, vector<16xf32>,
      %add3A_311 = arith.addf %get3A_306, %get3A_310 : vector<16xf32>
      %mul3A_312 = arith.constant 16 : i32
      %mul3A_313 = arith.muli %add3A_302, %mul3A_312 : i32
      %swap3A_314 = arith.index_cast %mul3A_313 : i32 to index
      %swap3A_315 = tpu.vector_load %arg12[%swap3A_314] {strides = array<i32>} : memref<3136xf32, #tpu.memory_space<vmem>>, vector<16xf32>,
      tpu.vector_store %arg12[%swap3A_314], %add3A_311 {strides = array<i32>} : memref<3136xf32, #tpu.memory_space<vmem>>, vector<16xf32>,
    }
    %scan3A_105 = arith.constant 49 : i32
    %dma_wait3A_106 = tpu.memref_slice %arg13[%mul3A_65] : memref<802816xf32, #tpu.memory_space<vmem_shared>> -> memref<3136xf32, #tpu.memory_space<vmem_shared>>
    %dma_wait3A_107 = tpu.memref_slice %arg13[%mul3A_65] : memref<802816xf32, #tpu.memory_space<vmem_shared>> -> memref<3136xf32, #tpu.memory_space<vmem_shared>>
    tpu.wait_dma2 semaphore(%arg16 : memref<!tpu.dma_semaphore, #tpu.memory_space<semaphore_mem>>) src(%dma_wait3A_107 : memref<3136xf32, #tpu.memory_space<vmem_shared>>) dst(%arg10 : memref<3136xf32, #tpu.memory_space<vmem>>)
    %add3A_108 = arith.constant 250880 : i32
    %add3A_109 = arith.addi %add3A_108, %mul3A_65 : i32
    %dma_start3A_110 = tpu.memref_slice %arg13[%add3A_109] : memref<802816xf32, #tpu.memory_space<vmem_shared>> -> memref<3136xf32, #tpu.memory_space<vmem_shared>>
    %dma_start3A_111 = tpu.memref_slice %arg13[%add3A_109] : memref<802816xf32, #tpu.memory_space<vmem_shared>> -> memref<3136xf32, #tpu.memory_space<vmem_shared>>
    tpu.enqueue_dma source(%dma_start3A_111 : memref<3136xf32, #tpu.memory_space<vmem_shared>>) target(%arg11 : memref<3136xf32, #tpu.memory_space<vmem>>) target_semaphore(%arg17 : memref<!tpu.dma_semaphore, #tpu.memory_space<semaphore_mem>>)
    %scan3A_112 = arith.constant 0 : i32
    %scan3A_113 = arith.constant 0 : i32
    %scan3A_114 = arith.constant 49 : i32
    %scan3A_115 = arith.addi %scan3A_113, %scan3A_114 : i32
    %scan3A_116 = arith.constant 1 : i32
    scf.for %scan3A_249 = %scan3A_113 to %scan3A_115 step %scan3A_116  : i32 {
      %mul3A_250 = arith.constant 4 : i32
      %mul3A_251 = arith.muli %scan3A_249, %mul3A_250 : i32
      %add3A_252 = arith.constant 0 : i32
      %add3A_253 = arith.addi %mul3A_251, %add3A_252 : i32
      %mul3A_254 = arith.constant 16 : i32
      %mul3A_255 = arith.muli %add3A_253, %mul3A_254 : i32
      %get3A = arith.index_cast %mul3A_255 : i32 to index
      %get3A_256 = tpu.vector_load %arg12[%get3A] {strides = array<i32>} : memref<3136xf32, #tpu.memory_space<vmem>>, vector<16xf32>,
      %mul3A_257 = arith.constant 16 : i32
      %mul3A_258 = arith.muli %add3A_253, %mul3A_257 : i32
      %get3A_259 = arith.index_cast %mul3A_258 : i32 to index
      %get3A_260 = tpu.vector_load %arg10[%get3A_259] {strides = array<i32>} : memref<3136xf32, #tpu.memory_space<vmem>>, vector<16xf32>,
      %add3A_261 = arith.addf %get3A_256, %get3A_260 : vector<16xf32>
      %mul3A_262 = arith.constant 16 : i32
      %mul3A_263 = arith.muli %add3A_253, %mul3A_262 : i32
      %swap3A = arith.index_cast %mul3A_263 : i32 to index
      %swap3A_264 = tpu.vector_load %arg12[%swap3A] {strides = array<i32>} : memref<3136xf32, #tpu.memory_space<vmem>>, vector<16xf32>,
      tpu.vector_store %arg12[%swap3A], %add3A_261 {strides = array<i32>} : memref<3136xf32, #tpu.memory_space<vmem>>, vector<16xf32>,
      %mul3A_265 = arith.constant 4 : i32
      %mul3A_266 = arith.muli %scan3A_249, %mul3A_265 : i32
      %add3A_267 = arith.constant 1 : i32
      %add3A_268 = arith.addi %mul3A_266, %add3A_267 : i32
      %mul3A_269 = arith.constant 16 : i32
      %mul3A_270 = arith.muli %add3A_268, %mul3A_269 : i32
      %get3A_271 = arith.index_cast %mul3A_270 : i32 to index
      %get3A_272 = tpu.vector_load %arg12[%get3A_271] {strides = array<i32>} : memref<3136xf32, #tpu.memory_space<vmem>>, vector<16xf32>,
      %mul3A_273 = arith.constant 16 : i32
      %mul3A_274 = arith.muli %add3A_268, %mul3A_273 : i32
      %get3A_275 = arith.index_cast %mul3A_274 : i32 to index
      %get3A_276 = tpu.vector_load %arg10[%get3A_275] {strides = array<i32>} : memref<3136xf32, #tpu.memory_space<vmem>>, vector<16xf32>,
      %add3A_277 = arith.addf %get3A_272, %get3A_276 : vector<16xf32>
      %mul3A_278 = arith.constant 16 : i32
      %mul3A_279 = arith.muli %add3A_268, %mul3A_278 : i32
      %swap3A_280 = arith.index_cast %mul3A_279 : i32 to index
      %swap3A_281 = tpu.vector_load %arg12[%swap3A_280] {strides = array<i32>} : memref<3136xf32, #tpu.memory_space<vmem>>, vector<16xf32>,
      tpu.vector_store %arg12[%swap3A_280], %add3A_277 {strides = array<i32>} : memref<3136xf32, #tpu.memory_space<vmem>>, vector<16xf32>,
      %mul3A_282 = arith.constant 4 : i32
      %mul3A_283 = arith.muli %scan3A_249, %mul3A_282 : i32
      %add3A_284 = arith.constant 2 : i32
      %add3A_285 = arith.addi %mul3A_283, %add3A_284 : i32
      %mul3A_286 = arith.constant 16 : i32
      %mul3A_287 = arith.muli %add3A_285, %mul3A_286 : i32
      %get3A_288 = arith.index_cast %mul3A_287 : i32 to index
      %get3A_289 = tpu.vector_load %arg12[%get3A_288] {strides = array<i32>} : memref<3136xf32, #tpu.memory_space<vmem>>, vector<16xf32>,
      %mul3A_290 = arith.constant 16 : i32
      %mul3A_291 = arith.muli %add3A_285, %mul3A_290 : i32
      %get3A_292 = arith.index_cast %mul3A_291 : i32 to index
      %get3A_293 = tpu.vector_load %arg10[%get3A_292] {strides = array<i32>} : memref<3136xf32, #tpu.memory_space<vmem>>, vector<16xf32>,
      %add3A_294 = arith.addf %get3A_289, %get3A_293 : vector<16xf32>
      %mul3A_295 = arith.constant 16 : i32
      %mul3A_296 = arith.muli %add3A_285, %mul3A_295 : i32
      %swap3A_297 = arith.index_cast %mul3A_296 : i32 to index
      %swap3A_298 = tpu.vector_load %arg12[%swap3A_297] {strides = array<i32>} : memref<3136xf32, #tpu.memory_space<vmem>>, vector<16xf32>,
      tpu.vector_store %arg12[%swap3A_297], %add3A_294 {strides = array<i32>} : memref<3136xf32, #tpu.memory_space<vmem>>, vector<16xf32>,
      %mul3A_299 = arith.constant 4 : i32
      %mul3A_300 = arith.muli %scan3A_249, %mul3A_299 : i32
      %add3A_301 = arith.constant 3 : i32
      %add3A_302 = arith.addi %mul3A_300, %add3A_301 : i32
      %mul3A_303 = arith.constant 16 : i32
      %mul3A_304 = arith.muli %add3A_302, %mul3A_303 : i32
      %get3A_305 = arith.index_cast %mul3A_304 : i32 to index
      %get3A_306 = tpu.vector_load %arg12[%get3A_305] {strides = array<i32>} : memref<3136xf32, #tpu.memory_space<vmem>>, vector<16xf32>,
      %mul3A_307 = arith.constant 16 : i32
      %mul3A_308 = arith.muli %add3A_302, %mul3A_307 : i32
      %get3A_309 = arith.index_cast %mul3A_308 : i32 to index
      %get3A_310 = tpu.vector_load %arg10[%get3A_309] {strides = array<i32>} : memref<3136xf32, #tpu.memory_space<vmem>>, vector<16xf32>,
      %add3A_311 = arith.addf %get3A_306, %get3A_310 : vector<16xf32>
      %mul3A_312 = arith.constant 16 : i32
      %mul3A_313 = arith.muli %add3A_302, %mul3A_312 : i32
      %swap3A_314 = arith.index_cast %mul3A_313 : i32 to index
      %swap3A_315 = tpu.vector_load %arg12[%swap3A_314] {strides = array<i32>} : memref<3136xf32, #tpu.memory_space<vmem>>, vector<16xf32>,
      tpu.vector_store %arg12[%swap3A_314], %add3A_311 {strides = array<i32>} : memref<3136xf32, #tpu.memory_space<vmem>>, vector<16xf32>,
    }
    %scan3A_117 = arith.constant 49 : i32
    %dma_wait3A_118 = tpu.memref_slice %arg13[%mul3A_65] : memref<802816xf32, #tpu.memory_space<vmem_shared>> -> memref<3136xf32, #tpu.memory_space<vmem_shared>>
    %dma_wait3A_119 = tpu.memref_slice %arg13[%mul3A_65] : memref<802816xf32, #tpu.memory_space<vmem_shared>> -> memref<3136xf32, #tpu.memory_space<vmem_shared>>
    tpu.wait_dma2 semaphore(%arg17 : memref<!tpu.dma_semaphore, #tpu.memory_space<semaphore_mem>>) src(%dma_wait3A_119 : memref<3136xf32, #tpu.memory_space<vmem_shared>>) dst(%arg11 : memref<3136xf32, #tpu.memory_space<vmem>>)
    %add3A_120 = arith.constant 301056 : i32
    %add3A_121 = arith.addi %add3A_120, %mul3A_65 : i32
    %dma_start3A_122 = tpu.memref_slice %arg13[%add3A_121] : memref<802816xf32, #tpu.memory_space<vmem_shared>> -> memref<3136xf32, #tpu.memory_space<vmem_shared>>
    %dma_start3A_123 = tpu.memref_slice %arg13[%add3A_121] : memref<802816xf32, #tpu.memory_space<vmem_shared>> -> memref<3136xf32, #tpu.memory_space<vmem_shared>>
    tpu.enqueue_dma source(%dma_start3A_123 : memref<3136xf32, #tpu.memory_space<vmem_shared>>) target(%arg10 : memref<3136xf32, #tpu.memory_space<vmem>>) target_semaphore(%arg16 : memref<!tpu.dma_semaphore, #tpu.memory_space<semaphore_mem>>)
    %scan3A_124 = arith.constant 0 : i32
    %scan3A_125 = arith.constant 0 : i32
    %scan3A_126 = arith.constant 49 : i32
    %scan3A_127 = arith.addi %scan3A_125, %scan3A_126 : i32
    %scan3A_128 = arith.constant 1 : i32
    scf.for %scan3A_249 = %scan3A_125 to %scan3A_127 step %scan3A_128  : i32 {
      %mul3A_250 = arith.constant 4 : i32
      %mul3A_251 = arith.muli %scan3A_249, %mul3A_250 : i32
      %add3A_252 = arith.constant 0 : i32
      %add3A_253 = arith.addi %mul3A_251, %add3A_252 : i32
      %mul3A_254 = arith.constant 16 : i32
      %mul3A_255 = arith.muli %add3A_253, %mul3A_254 : i32
      %get3A = arith.index_cast %mul3A_255 : i32 to index
      %get3A_256 = tpu.vector_load %arg12[%get3A] {strides = array<i32>} : memref<3136xf32, #tpu.memory_space<vmem>>, vector<16xf32>,
      %mul3A_257 = arith.constant 16 : i32
      %mul3A_258 = arith.muli %add3A_253, %mul3A_257 : i32
      %get3A_259 = arith.index_cast %mul3A_258 : i32 to index
      %get3A_260 = tpu.vector_load %arg11[%get3A_259] {strides = array<i32>} : memref<3136xf32, #tpu.memory_space<vmem>>, vector<16xf32>,
      %add3A_261 = arith.addf %get3A_256, %get3A_260 : vector<16xf32>
      %mul3A_262 = arith.constant 16 : i32
      %mul3A_263 = arith.muli %add3A_253, %mul3A_262 : i32
      %swap3A = arith.index_cast %mul3A_263 : i32 to index
      %swap3A_264 = tpu.vector_load %arg12[%swap3A] {strides = array<i32>} : memref<3136xf32, #tpu.memory_space<vmem>>, vector<16xf32>,
      tpu.vector_store %arg12[%swap3A], %add3A_261 {strides = array<i32>} : memref<3136xf32, #tpu.memory_space<vmem>>, vector<16xf32>,
      %mul3A_265 = arith.constant 4 : i32
      %mul3A_266 = arith.muli %scan3A_249, %mul3A_265 : i32
      %add3A_267 = arith.constant 1 : i32
      %add3A_268 = arith.addi %mul3A_266, %add3A_267 : i32
      %mul3A_269 = arith.constant 16 : i32
      %mul3A_270 = arith.muli %add3A_268, %mul3A_269 : i32
      %get3A_271 = arith.index_cast %mul3A_270 : i32 to index
      %get3A_272 = tpu.vector_load %arg12[%get3A_271] {strides = array<i32>} : memref<3136xf32, #tpu.memory_space<vmem>>, vector<16xf32>,
      %mul3A_273 = arith.constant 16 : i32
      %mul3A_274 = arith.muli %add3A_268, %mul3A_273 : i32
      %get3A_275 = arith.index_cast %mul3A_274 : i32 to index
      %get3A_276 = tpu.vector_load %arg11[%get3A_275] {strides = array<i32>} : memref<3136xf32, #tpu.memory_space<vmem>>, vector<16xf32>,
      %add3A_277 = arith.addf %get3A_272, %get3A_276 : vector<16xf32>
      %mul3A_278 = arith.constant 16 : i32
      %mul3A_279 = arith.muli %add3A_268, %mul3A_278 : i32
      %swap3A_280 = arith.index_cast %mul3A_279 : i32 to index
      %swap3A_281 = tpu.vector_load %arg12[%swap3A_280] {strides = array<i32>} : memref<3136xf32, #tpu.memory_space<vmem>>, vector<16xf32>,
      tpu.vector_store %arg12[%swap3A_280], %add3A_277 {strides = array<i32>} : memref<3136xf32, #tpu.memory_space<vmem>>, vector<16xf32>,
      %mul3A_282 = arith.constant 4 : i32
      %mul3A_283 = arith.muli %scan3A_249, %mul3A_282 : i32
      %add3A_284 = arith.constant 2 : i32
      %add3A_285 = arith.addi %mul3A_283, %add3A_284 : i32
      %mul3A_286 = arith.constant 16 : i32
      %mul3A_287 = arith.muli %add3A_285, %mul3A_286 : i32
      %get3A_288 = arith.index_cast %mul3A_287 : i32 to index
      %get3A_289 = tpu.vector_load %arg12[%get3A_288] {strides = array<i32>} : memref<3136xf32, #tpu.memory_space<vmem>>, vector<16xf32>,
      %mul3A_290 = arith.constant 16 : i32
      %mul3A_291 = arith.muli %add3A_285, %mul3A_290 : i32
      %get3A_292 = arith.index_cast %mul3A_291 : i32 to index
      %get3A_293 = tpu.vector_load %arg11[%get3A_292] {strides = array<i32>} : memref<3136xf32, #tpu.memory_space<vmem>>, vector<16xf32>,
      %add3A_294 = arith.addf %get3A_289, %get3A_293 : vector<16xf32>
      %mul3A_295 = arith.constant 16 : i32
      %mul3A_296 = arith.muli %add3A_285, %mul3A_295 : i32
      %swap3A_297 = arith.index_cast %mul3A_296 : i32 to index
      %swap3A_298 = tpu.vector_load %arg12[%swap3A_297] {strides = array<i32>} : memref<3136xf32, #tpu.memory_space<vmem>>, vector<16xf32>,
      tpu.vector_store %arg12[%swap3A_297], %add3A_294 {strides = array<i32>} : memref<3136xf32, #tpu.memory_space<vmem>>, vector<16xf32>,
      %mul3A_299 = arith.constant 4 : i32
      %mul3A_300 = arith.muli %scan3A_249, %mul3A_299 : i32
      %add3A_301 = arith.constant 3 : i32
      %add3A_302 = arith.addi %mul3A_300, %add3A_301 : i32
      %mul3A_303 = arith.constant 16 : i32
      %mul3A_304 = arith.muli %add3A_302, %mul3A_303 : i32
      %get3A_305 = arith.index_cast %mul3A_304 : i32 to index
      %get3A_306 = tpu.vector_load %arg12[%get3A_305] {strides = array<i32>} : memref<3136xf32, #tpu.memory_space<vmem>>, vector<16xf32>,
      %mul3A_307 = arith.constant 16 : i32
      %mul3A_308 = arith.muli %add3A_302, %mul3A_307 : i32
      %get3A_309 = arith.index_cast %mul3A_308 : i32 to index
      %get3A_310 = tpu.vector_load %arg11[%get3A_309] {strides = array<i32>} : memref<3136xf32, #tpu.memory_space<vmem>>, vector<16xf32>,
      %add3A_311 = arith.addf %get3A_306, %get3A_310 : vector<16xf32>
      %mul3A_312 = arith.constant 16 : i32
      %mul3A_313 = arith.muli %add3A_302, %mul3A_312 : i32
      %swap3A_314 = arith.index_cast %mul3A_313 : i32 to index
      %swap3A_315 = tpu.vector_load %arg12[%swap3A_314] {strides = array<i32>} : memref<3136xf32, #tpu.memory_space<vmem>>, vector<16xf32>,
      tpu.vector_store %arg12[%swap3A_314], %add3A_311 {strides = array<i32>} : memref<3136xf32, #tpu.memory_space<vmem>>, vector<16xf32>,
    }
    %scan3A_129 = arith.constant 49 : i32
    %dma_wait3A_130 = tpu.memref_slice %arg13[%mul3A_65] : memref<802816xf32, #tpu.memory_space<vmem_shared>> -> memref<3136xf32, #tpu.memory_space<vmem_shared>>
    %dma_wait3A_131 = tpu.memref_slice %arg13[%mul3A_65] : memref<802816xf32, #tpu.memory_space<vmem_shared>> -> memref<3136xf32, #tpu.memory_space<vmem_shared>>
    tpu.wait_dma2 semaphore(%arg16 : memref<!tpu.dma_semaphore, #tpu.memory_space<semaphore_mem>>) src(%dma_wait3A_131 : memref<3136xf32, #tpu.memory_space<vmem_shared>>) dst(%arg10 : memref<3136xf32, #tpu.memory_space<vmem>>)
    %add3A_132 = arith.constant 351232 : i32
    %add3A_133 = arith.addi %add3A_132, %mul3A_65 : i32
    %dma_start3A_134 = tpu.memref_slice %arg13[%add3A_133] : memref<802816xf32, #tpu.memory_space<vmem_shared>> -> memref<3136xf32, #tpu.memory_space<vmem_shared>>
    %dma_start3A_135 = tpu.memref_slice %arg13[%add3A_133] : memref<802816xf32, #tpu.memory_space<vmem_shared>> -> memref<3136xf32, #tpu.memory_space<vmem_shared>>
    tpu.enqueue_dma source(%dma_start3A_135 : memref<3136xf32, #tpu.memory_space<vmem_shared>>) target(%arg11 : memref<3136xf32, #tpu.memory_space<vmem>>) target_semaphore(%arg17 : memref<!tpu.dma_semaphore, #tpu.memory_space<semaphore_mem>>)
    %scan3A_136 = arith.constant 0 : i32
    %scan3A_137 = arith.constant 0 : i32
    %scan3A_138 = arith.constant 49 : i32
    %scan3A_139 = arith.addi %scan3A_137, %scan3A_138 : i32
    %scan3A_140 = arith.constant 1 : i32
    scf.for %scan3A_249 = %scan3A_137 to %scan3A_139 step %scan3A_140  : i32 {
      %mul3A_250 = arith.constant 4 : i32
      %mul3A_251 = arith.muli %scan3A_249, %mul3A_250 : i32
      %add3A_252 = arith.constant 0 : i32
      %add3A_253 = arith.addi %mul3A_251, %add3A_252 : i32
      %mul3A_254 = arith.constant 16 : i32
      %mul3A_255 = arith.muli %add3A_253, %mul3A_254 : i32
      %get3A = arith.index_cast %mul3A_255 : i32 to index
      %get3A_256 = tpu.vector_load %arg12[%get3A] {strides = array<i32>} : memref<3136xf32, #tpu.memory_space<vmem>>, vector<16xf32>,
      %mul3A_257 = arith.constant 16 : i32
      %mul3A_258 = arith.muli %add3A_253, %mul3A_257 : i32
      %get3A_259 = arith.index_cast %mul3A_258 : i32 to index
      %get3A_260 = tpu.vector_load %arg10[%get3A_259] {strides = array<i32>} : memref<3136xf32, #tpu.memory_space<vmem>>, vector<16xf32>,
      %add3A_261 = arith.addf %get3A_256, %get3A_260 : vector<16xf32>
      %mul3A_262 = arith.constant 16 : i32
      %mul3A_263 = arith.muli %add3A_253, %mul3A_262 : i32
      %swap3A = arith.index_cast %mul3A_263 : i32 to index
      %swap3A_264 = tpu.vector_load %arg12[%swap3A] {strides = array<i32>} : memref<3136xf32, #tpu.memory_space<vmem>>, vector<16xf32>,
      tpu.vector_store %arg12[%swap3A], %add3A_261 {strides = array<i32>} : memref<3136xf32, #tpu.memory_space<vmem>>, vector<16xf32>,
      %mul3A_265 = arith.constant 4 : i32
      %mul3A_266 = arith.muli %scan3A_249, %mul3A_265 : i32
      %add3A_267 = arith.constant 1 : i32
      %add3A_268 = arith.addi %mul3A_266, %add3A_267 : i32
      %mul3A_269 = arith.constant 16 : i32
      %mul3A_270 = arith.muli %add3A_268, %mul3A_269 : i32
      %get3A_271 = arith.index_cast %mul3A_270 : i32 to index
      %get3A_272 = tpu.vector_load %arg12[%get3A_271] {strides = array<i32>} : memref<3136xf32, #tpu.memory_space<vmem>>, vector<16xf32>,
      %mul3A_273 = arith.constant 16 : i32
      %mul3A_274 = arith.muli %add3A_268, %mul3A_273 : i32
      %get3A_275 = arith.index_cast %mul3A_274 : i32 to index
      %get3A_276 = tpu.vector_load %arg10[%get3A_275] {strides = array<i32>} : memref<3136xf32, #tpu.memory_space<vmem>>, vector<16xf32>,
      %add3A_277 = arith.addf %get3A_272, %get3A_276 : vector<16xf32>
      %mul3A_278 = arith.constant 16 : i32
      %mul3A_279 = arith.muli %add3A_268, %mul3A_278 : i32
      %swap3A_280 = arith.index_cast %mul3A_279 : i32 to index
      %swap3A_281 = tpu.vector_load %arg12[%swap3A_280] {strides = array<i32>} : memref<3136xf32, #tpu.memory_space<vmem>>, vector<16xf32>,
      tpu.vector_store %arg12[%swap3A_280], %add3A_277 {strides = array<i32>} : memref<3136xf32, #tpu.memory_space<vmem>>, vector<16xf32>,
      %mul3A_282 = arith.constant 4 : i32
      %mul3A_283 = arith.muli %scan3A_249, %mul3A_282 : i32
      %add3A_284 = arith.constant 2 : i32
      %add3A_285 = arith.addi %mul3A_283, %add3A_284 : i32
      %mul3A_286 = arith.constant 16 : i32
      %mul3A_287 = arith.muli %add3A_285, %mul3A_286 : i32
      %get3A_288 = arith.index_cast %mul3A_287 : i32 to index
      %get3A_289 = tpu.vector_load %arg12[%get3A_288] {strides = array<i32>} : memref<3136xf32, #tpu.memory_space<vmem>>, vector<16xf32>,
      %mul3A_290 = arith.constant 16 : i32
      %mul3A_291 = arith.muli %add3A_285, %mul3A_290 : i32
      %get3A_292 = arith.index_cast %mul3A_291 : i32 to index
      %get3A_293 = tpu.vector_load %arg10[%get3A_292] {strides = array<i32>} : memref<3136xf32, #tpu.memory_space<vmem>>, vector<16xf32>,
      %add3A_294 = arith.addf %get3A_289, %get3A_293 : vector<16xf32>
      %mul3A_295 = arith.constant 16 : i32
      %mul3A_296 = arith.muli %add3A_285, %mul3A_295 : i32
      %swap3A_297 = arith.index_cast %mul3A_296 : i32 to index
      %swap3A_298 = tpu.vector_load %arg12[%swap3A_297] {strides = array<i32>} : memref<3136xf32, #tpu.memory_space<vmem>>, vector<16xf32>,
      tpu.vector_store %arg12[%swap3A_297], %add3A_294 {strides = array<i32>} : memref<3136xf32, #tpu.memory_space<vmem>>, vector<16xf32>,
      %mul3A_299 = arith.constant 4 : i32
      %mul3A_300 = arith.muli %scan3A_249, %mul3A_299 : i32
      %add3A_301 = arith.constant 3 : i32
      %add3A_302 = arith.addi %mul3A_300, %add3A_301 : i32
      %mul3A_303 = arith.constant 16 : i32
      %mul3A_304 = arith.muli %add3A_302, %mul3A_303 : i32
      %get3A_305 = arith.index_cast %mul3A_304 : i32 to index
      %get3A_306 = tpu.vector_load %arg12[%get3A_305] {strides = array<i32>} : memref<3136xf32, #tpu.memory_space<vmem>>, vector<16xf32>,
      %mul3A_307 = arith.constant 16 : i32
      %mul3A_308 = arith.muli %add3A_302, %mul3A_307 : i32
      %get3A_309 = arith.index_cast %mul3A_308 : i32 to index
      %get3A_310 = tpu.vector_load %arg10[%get3A_309] {strides = array<i32>} : memref<3136xf32, #tpu.memory_space<vmem>>, vector<16xf32>,
      %add3A_311 = arith.addf %get3A_306, %get3A_310 : vector<16xf32>
      %mul3A_312 = arith.constant 16 : i32
      %mul3A_313 = arith.muli %add3A_302, %mul3A_312 : i32
      %swap3A_314 = arith.index_cast %mul3A_313 : i32 to index
      %swap3A_315 = tpu.vector_load %arg12[%swap3A_314] {strides = array<i32>} : memref<3136xf32, #tpu.memory_space<vmem>>, vector<16xf32>,
      tpu.vector_store %arg12[%swap3A_314], %add3A_311 {strides = array<i32>} : memref<3136xf32, #tpu.memory_space<vmem>>, vector<16xf32>,
    }
    %scan3A_141 = arith.constant 49 : i32
    %dma_wait3A_142 = tpu.memref_slice %arg13[%mul3A_65] : memref<802816xf32, #tpu.memory_space<vmem_shared>> -> memref<3136xf32, #tpu.memory_space<vmem_shared>>
    %dma_wait3A_143 = tpu.memref_slice %arg13[%mul3A_65] : memref<802816xf32, #tpu.memory_space<vmem_shared>> -> memref<3136xf32, #tpu.memory_space<vmem_shared>>
    tpu.wait_dma2 semaphore(%arg17 : memref<!tpu.dma_semaphore, #tpu.memory_space<semaphore_mem>>) src(%dma_wait3A_143 : memref<3136xf32, #tpu.memory_space<vmem_shared>>) dst(%arg11 : memref<3136xf32, #tpu.memory_space<vmem>>)
    %add3A_144 = arith.constant 401408 : i32
    %add3A_145 = arith.addi %add3A_144, %mul3A_65 : i32
    %dma_start3A_146 = tpu.memref_slice %arg13[%add3A_145] : memref<802816xf32, #tpu.memory_space<vmem_shared>> -> memref<3136xf32, #tpu.memory_space<vmem_shared>>
    %dma_start3A_147 = tpu.memref_slice %arg13[%add3A_145] : memref<802816xf32, #tpu.memory_space<vmem_shared>> -> memref<3136xf32, #tpu.memory_space<vmem_shared>>
    tpu.enqueue_dma source(%dma_start3A_147 : memref<3136xf32, #tpu.memory_space<vmem_shared>>) target(%arg10 : memref<3136xf32, #tpu.memory_space<vmem>>) target_semaphore(%arg16 : memref<!tpu.dma_semaphore, #tpu.memory_space<semaphore_mem>>)
    %scan3A_148 = arith.constant 0 : i32
    %scan3A_149 = arith.constant 0 : i32
    %scan3A_150 = arith.constant 49 : i32
    %scan3A_151 = arith.addi %scan3A_149, %scan3A_150 : i32
    %scan3A_152 = arith.constant 1 : i32
    scf.for %scan3A_249 = %scan3A_149 to %scan3A_151 step %scan3A_152  : i32 {
      %mul3A_250 = arith.constant 4 : i32
      %mul3A_251 = arith.muli %scan3A_249, %mul3A_250 : i32
      %add3A_252 = arith.constant 0 : i32
      %add3A_253 = arith.addi %mul3A_251, %add3A_252 : i32
      %mul3A_254 = arith.constant 16 : i32
      %mul3A_255 = arith.muli %add3A_253, %mul3A_254 : i32
      %get3A = arith.index_cast %mul3A_255 : i32 to index
      %get3A_256 = tpu.vector_load %arg12[%get3A] {strides = array<i32>} : memref<3136xf32, #tpu.memory_space<vmem>>, vector<16xf32>,
      %mul3A_257 = arith.constant 16 : i32
      %mul3A_258 = arith.muli %add3A_253, %mul3A_257 : i32
      %get3A_259 = arith.index_cast %mul3A_258 : i32 to index
      %get3A_260 = tpu.vector_load %arg11[%get3A_259] {strides = array<i32>} : memref<3136xf32, #tpu.memory_space<vmem>>, vector<16xf32>,
      %add3A_261 = arith.addf %get3A_256, %get3A_260 : vector<16xf32>
      %mul3A_262 = arith.constant 16 : i32
      %mul3A_263 = arith.muli %add3A_253, %mul3A_262 : i32
      %swap3A = arith.index_cast %mul3A_263 : i32 to index
      %swap3A_264 = tpu.vector_load %arg12[%swap3A] {strides = array<i32>} : memref<3136xf32, #tpu.memory_space<vmem>>, vector<16xf32>,
      tpu.vector_store %arg12[%swap3A], %add3A_261 {strides = array<i32>} : memref<3136xf32, #tpu.memory_space<vmem>>, vector<16xf32>,
      %mul3A_265 = arith.constant 4 : i32
      %mul3A_266 = arith.muli %scan3A_249, %mul3A_265 : i32
      %add3A_267 = arith.constant 1 : i32
      %add3A_268 = arith.addi %mul3A_266, %add3A_267 : i32
      %mul3A_269 = arith.constant 16 : i32
      %mul3A_270 = arith.muli %add3A_268, %mul3A_269 : i32
      %get3A_271 = arith.index_cast %mul3A_270 : i32 to index
      %get3A_272 = tpu.vector_load %arg12[%get3A_271] {strides = array<i32>} : memref<3136xf32, #tpu.memory_space<vmem>>, vector<16xf32>,
      %mul3A_273 = arith.constant 16 : i32
      %mul3A_274 = arith.muli %add3A_268, %mul3A_273 : i32
      %get3A_275 = arith.index_cast %mul3A_274 : i32 to index
      %get3A_276 = tpu.vector_load %arg11[%get3A_275] {strides = array<i32>} : memref<3136xf32, #tpu.memory_space<vmem>>, vector<16xf32>,
      %add3A_277 = arith.addf %get3A_272, %get3A_276 : vector<16xf32>
      %mul3A_278 = arith.constant 16 : i32
      %mul3A_279 = arith.muli %add3A_268, %mul3A_278 : i32
      %swap3A_280 = arith.index_cast %mul3A_279 : i32 to index
      %swap3A_281 = tpu.vector_load %arg12[%swap3A_280] {strides = array<i32>} : memref<3136xf32, #tpu.memory_space<vmem>>, vector<16xf32>,
      tpu.vector_store %arg12[%swap3A_280], %add3A_277 {strides = array<i32>} : memref<3136xf32, #tpu.memory_space<vmem>>, vector<16xf32>,
      %mul3A_282 = arith.constant 4 : i32
      %mul3A_283 = arith.muli %scan3A_249, %mul3A_282 : i32
      %add3A_284 = arith.constant 2 : i32
      %add3A_285 = arith.addi %mul3A_283, %add3A_284 : i32
      %mul3A_286 = arith.constant 16 : i32
      %mul3A_287 = arith.muli %add3A_285, %mul3A_286 : i32
      %get3A_288 = arith.index_cast %mul3A_287 : i32 to index
      %get3A_289 = tpu.vector_load %arg12[%get3A_288] {strides = array<i32>} : memref<3136xf32, #tpu.memory_space<vmem>>, vector<16xf32>,
      %mul3A_290 = arith.constant 16 : i32
      %mul3A_291 = arith.muli %add3A_285, %mul3A_290 : i32
      %get3A_292 = arith.index_cast %mul3A_291 : i32 to index
      %get3A_293 = tpu.vector_load %arg11[%get3A_292] {strides = array<i32>} : memref<3136xf32, #tpu.memory_space<vmem>>, vector<16xf32>,
      %add3A_294 = arith.addf %get3A_289, %get3A_293 : vector<16xf32>
      %mul3A_295 = arith.constant 16 : i32
      %mul3A_296 = arith.muli %add3A_285, %mul3A_295 : i32
      %swap3A_297 = arith.index_cast %mul3A_296 : i32 to index
      %swap3A_298 = tpu.vector_load %arg12[%swap3A_297] {strides = array<i32>} : memref<3136xf32, #tpu.memory_space<vmem>>, vector<16xf32>,
      tpu.vector_store %arg12[%swap3A_297], %add3A_294 {strides = array<i32>} : memref<3136xf32, #tpu.memory_space<vmem>>, vector<16xf32>,
      %mul3A_299 = arith.constant 4 : i32
      %mul3A_300 = arith.muli %scan3A_249, %mul3A_299 : i32
      %add3A_301 = arith.constant 3 : i32
      %add3A_302 = arith.addi %mul3A_300, %add3A_301 : i32
      %mul3A_303 = arith.constant 16 : i32
      %mul3A_304 = arith.muli %add3A_302, %mul3A_303 : i32
      %get3A_305 = arith.index_cast %mul3A_304 : i32 to index
      %get3A_306 = tpu.vector_load %arg12[%get3A_305] {strides = array<i32>} : memref<3136xf32, #tpu.memory_space<vmem>>, vector<16xf32>,
      %mul3A_307 = arith.constant 16 : i32
      %mul3A_308 = arith.muli %add3A_302, %mul3A_307 : i32
      %get3A_309 = arith.index_cast %mul3A_308 : i32 to index
      %get3A_310 = tpu.vector_load %arg11[%get3A_309] {strides = array<i32>} : memref<3136xf32, #tpu.memory_space<vmem>>, vector<16xf32>,
      %add3A_311 = arith.addf %get3A_306, %get3A_310 : vector<16xf32>
      %mul3A_312 = arith.constant 16 : i32
      %mul3A_313 = arith.muli %add3A_302, %mul3A_312 : i32
      %swap3A_314 = arith.index_cast %mul3A_313 : i32 to index
      %swap3A_315 = tpu.vector_load %arg12[%swap3A_314] {strides = array<i32>} : memref<3136xf32, #tpu.memory_space<vmem>>, vector<16xf32>,
      tpu.vector_store %arg12[%swap3A_314], %add3A_311 {strides = array<i32>} : memref<3136xf32, #tpu.memory_space<vmem>>, vector<16xf32>,
    }
    %scan3A_153 = arith.constant 49 : i32
    %dma_wait3A_154 = tpu.memref_slice %arg13[%mul3A_65] : memref<802816xf32, #tpu.memory_space<vmem_shared>> -> memref<3136xf32, #tpu.memory_space<vmem_shared>>
    %dma_wait3A_155 = tpu.memref_slice %arg13[%mul3A_65] : memref<802816xf32, #tpu.memory_space<vmem_shared>> -> memref<3136xf32, #tpu.memory_space<vmem_shared>>
    tpu.wait_dma2 semaphore(%arg16 : memref<!tpu.dma_semaphore, #tpu.memory_space<semaphore_mem>>) src(%dma_wait3A_155 : memref<3136xf32, #tpu.memory_space<vmem_shared>>) dst(%arg10 : memref<3136xf32, #tpu.memory_space<vmem>>)
    %add3A_156 = arith.constant 451584 : i32
    %add3A_157 = arith.addi %add3A_156, %mul3A_65 : i32
    %dma_start3A_158 = tpu.memref_slice %arg13[%add3A_157] : memref<802816xf32, #tpu.memory_space<vmem_shared>> -> memref<3136xf32, #tpu.memory_space<vmem_shared>>
    %dma_start3A_159 = tpu.memref_slice %arg13[%add3A_157] : memref<802816xf32, #tpu.memory_space<vmem_shared>> -> memref<3136xf32, #tpu.memory_space<vmem_shared>>
    tpu.enqueue_dma source(%dma_start3A_159 : memref<3136xf32, #tpu.memory_space<vmem_shared>>) target(%arg11 : memref<3136xf32, #tpu.memory_space<vmem>>) target_semaphore(%arg17 : memref<!tpu.dma_semaphore, #tpu.memory_space<semaphore_mem>>)
    %scan3A_160 = arith.constant 0 : i32
    %scan3A_161 = arith.constant 0 : i32
    %scan3A_162 = arith.constant 49 : i32
    %scan3A_163 = arith.addi %scan3A_161, %scan3A_162 : i32
    %scan3A_164 = arith.constant 1 : i32
    scf.for %scan3A_249 = %scan3A_161 to %scan3A_163 step %scan3A_164  : i32 {
      %mul3A_250 = arith.constant 4 : i32
      %mul3A_251 = arith.muli %scan3A_249, %mul3A_250 : i32
      %add3A_252 = arith.constant 0 : i32
      %add3A_253 = arith.addi %mul3A_251, %add3A_252 : i32
      %mul3A_254 = arith.constant 16 : i32
      %mul3A_255 = arith.muli %add3A_253, %mul3A_254 : i32
      %get3A = arith.index_cast %mul3A_255 : i32 to index
      %get3A_256 = tpu.vector_load %arg12[%get3A] {strides = array<i32>} : memref<3136xf32, #tpu.memory_space<vmem>>, vector<16xf32>,
      %mul3A_257 = arith.constant 16 : i32
      %mul3A_258 = arith.muli %add3A_253, %mul3A_257 : i32
      %get3A_259 = arith.index_cast %mul3A_258 : i32 to index
      %get3A_260 = tpu.vector_load %arg10[%get3A_259] {strides = array<i32>} : memref<3136xf32, #tpu.memory_space<vmem>>, vector<16xf32>,
      %add3A_261 = arith.addf %get3A_256, %get3A_260 : vector<16xf32>
      %mul3A_262 = arith.constant 16 : i32
      %mul3A_263 = arith.muli %add3A_253, %mul3A_262 : i32
      %swap3A = arith.index_cast %mul3A_263 : i32 to index
      %swap3A_264 = tpu.vector_load %arg12[%swap3A] {strides = array<i32>} : memref<3136xf32, #tpu.memory_space<vmem>>, vector<16xf32>,
      tpu.vector_store %arg12[%swap3A], %add3A_261 {strides = array<i32>} : memref<3136xf32, #tpu.memory_space<vmem>>, vector<16xf32>,
      %mul3A_265 = arith.constant 4 : i32
      %mul3A_266 = arith.muli %scan3A_249, %mul3A_265 : i32
      %add3A_267 = arith.constant 1 : i32
      %add3A_268 = arith.addi %mul3A_266, %add3A_267 : i32
      %mul3A_269 = arith.constant 16 : i32
      %mul3A_270 = arith.muli %add3A_268, %mul3A_269 : i32
      %get3A_271 = arith.index_cast %mul3A_270 : i32 to index
      %get3A_272 = tpu.vector_load %arg12[%get3A_271] {strides = array<i32>} : memref<3136xf32, #tpu.memory_space<vmem>>, vector<16xf32>,
      %mul3A_273 = arith.constant 16 : i32
      %mul3A_274 = arith.muli %add3A_268, %mul3A_273 : i32
      %get3A_275 = arith.index_cast %mul3A_274 : i32 to index
      %get3A_276 = tpu.vector_load %arg10[%get3A_275] {strides = array<i32>} : memref<3136xf32, #tpu.memory_space<vmem>>, vector<16xf32>,
      %add3A_277 = arith.addf %get3A_272, %get3A_276 : vector<16xf32>
      %mul3A_278 = arith.constant 16 : i32
      %mul3A_279 = arith.muli %add3A_268, %mul3A_278 : i32
      %swap3A_280 = arith.index_cast %mul3A_279 : i32 to index
      %swap3A_281 = tpu.vector_load %arg12[%swap3A_280] {strides = array<i32>} : memref<3136xf32, #tpu.memory_space<vmem>>, vector<16xf32>,
      tpu.vector_store %arg12[%swap3A_280], %add3A_277 {strides = array<i32>} : memref<3136xf32, #tpu.memory_space<vmem>>, vector<16xf32>,
      %mul3A_282 = arith.constant 4 : i32
      %mul3A_283 = arith.muli %scan3A_249, %mul3A_282 : i32
      %add3A_284 = arith.constant 2 : i32
      %add3A_285 = arith.addi %mul3A_283, %add3A_284 : i32
      %mul3A_286 = arith.constant 16 : i32
      %mul3A_287 = arith.muli %add3A_285, %mul3A_286 : i32
      %get3A_288 = arith.index_cast %mul3A_287 : i32 to index
      %get3A_289 = tpu.vector_load %arg12[%get3A_288] {strides = array<i32>} : memref<3136xf32, #tpu.memory_space<vmem>>, vector<16xf32>,
      %mul3A_290 = arith.constant 16 : i32
      %mul3A_291 = arith.muli %add3A_285, %mul3A_290 : i32
      %get3A_292 = arith.index_cast %mul3A_291 : i32 to index
      %get3A_293 = tpu.vector_load %arg10[%get3A_292] {strides = array<i32>} : memref<3136xf32, #tpu.memory_space<vmem>>, vector<16xf32>,
      %add3A_294 = arith.addf %get3A_289, %get3A_293 : vector<16xf32>
      %mul3A_295 = arith.constant 16 : i32
      %mul3A_296 = arith.muli %add3A_285, %mul3A_295 : i32
      %swap3A_297 = arith.index_cast %mul3A_296 : i32 to index
      %swap3A_298 = tpu.vector_load %arg12[%swap3A_297] {strides = array<i32>} : memref<3136xf32, #tpu.memory_space<vmem>>, vector<16xf32>,
      tpu.vector_store %arg12[%swap3A_297], %add3A_294 {strides = array<i32>} : memref<3136xf32, #tpu.memory_space<vmem>>, vector<16xf32>,
      %mul3A_299 = arith.constant 4 : i32
      %mul3A_300 = arith.muli %scan3A_249, %mul3A_299 : i32
      %add3A_301 = arith.constant 3 : i32
      %add3A_302 = arith.addi %mul3A_300, %add3A_301 : i32
      %mul3A_303 = arith.constant 16 : i32
      %mul3A_304 = arith.muli %add3A_302, %mul3A_303 : i32
      %get3A_305 = arith.index_cast %mul3A_304 : i32 to index
      %get3A_306 = tpu.vector_load %arg12[%get3A_305] {strides = array<i32>} : memref<3136xf32, #tpu.memory_space<vmem>>, vector<16xf32>,
      %mul3A_307 = arith.constant 16 : i32
      %mul3A_308 = arith.muli %add3A_302, %mul3A_307 : i32
      %get3A_309 = arith.index_cast %mul3A_308 : i32 to index
      %get3A_310 = tpu.vector_load %arg10[%get3A_309] {strides = array<i32>} : memref<3136xf32, #tpu.memory_space<vmem>>, vector<16xf32>,
      %add3A_311 = arith.addf %get3A_306, %get3A_310 : vector<16xf32>
      %mul3A_312 = arith.constant 16 : i32
      %mul3A_313 = arith.muli %add3A_302, %mul3A_312 : i32
      %swap3A_314 = arith.index_cast %mul3A_313 : i32 to index
      %swap3A_315 = tpu.vector_load %arg12[%swap3A_314] {strides = array<i32>} : memref<3136xf32, #tpu.memory_space<vmem>>, vector<16xf32>,
      tpu.vector_store %arg12[%swap3A_314], %add3A_311 {strides = array<i32>} : memref<3136xf32, #tpu.memory_space<vmem>>, vector<16xf32>,
    }
    %scan3A_165 = arith.constant 49 : i32
    %dma_wait3A_166 = tpu.memref_slice %arg13[%mul3A_65] : memref<802816xf32, #tpu.memory_space<vmem_shared>> -> memref<3136xf32, #tpu.memory_space<vmem_shared>>
    %dma_wait3A_167 = tpu.memref_slice %arg13[%mul3A_65] : memref<802816xf32, #tpu.memory_space<vmem_shared>> -> memref<3136xf32, #tpu.memory_space<vmem_shared>>
    tpu.wait_dma2 semaphore(%arg17 : memref<!tpu.dma_semaphore, #tpu.memory_space<semaphore_mem>>) src(%dma_wait3A_167 : memref<3136xf32, #tpu.memory_space<vmem_shared>>) dst(%arg11 : memref<3136xf32, #tpu.memory_space<vmem>>)
    %add3A_168 = arith.constant 501760 : i32
    %add3A_169 = arith.addi %add3A_168, %mul3A_65 : i32
    %dma_start3A_170 = tpu.memref_slice %arg13[%add3A_169] : memref<802816xf32, #tpu.memory_space<vmem_shared>> -> memref<3136xf32, #tpu.memory_space<vmem_shared>>
    %dma_start3A_171 = tpu.memref_slice %arg13[%add3A_169] : memref<802816xf32, #tpu.memory_space<vmem_shared>> -> memref<3136xf32, #tpu.memory_space<vmem_shared>>
    tpu.enqueue_dma source(%dma_start3A_171 : memref<3136xf32, #tpu.memory_space<vmem_shared>>) target(%arg10 : memref<3136xf32, #tpu.memory_space<vmem>>) target_semaphore(%arg16 : memref<!tpu.dma_semaphore, #tpu.memory_space<semaphore_mem>>)
    %scan3A_172 = arith.constant 0 : i32
    %scan3A_173 = arith.constant 0 : i32
    %scan3A_174 = arith.constant 49 : i32
    %scan3A_175 = arith.addi %scan3A_173, %scan3A_174 : i32
    %scan3A_176 = arith.constant 1 : i32
    scf.for %scan3A_249 = %scan3A_173 to %scan3A_175 step %scan3A_176  : i32 {
      %mul3A_250 = arith.constant 4 : i32
      %mul3A_251 = arith.muli %scan3A_249, %mul3A_250 : i32
      %add3A_252 = arith.constant 0 : i32
      %add3A_253 = arith.addi %mul3A_251, %add3A_252 : i32
      %mul3A_254 = arith.constant 16 : i32
      %mul3A_255 = arith.muli %add3A_253, %mul3A_254 : i32
      %get3A = arith.index_cast %mul3A_255 : i32 to index
      %get3A_256 = tpu.vector_load %arg12[%get3A] {strides = array<i32>} : memref<3136xf32, #tpu.memory_space<vmem>>, vector<16xf32>,
      %mul3A_257 = arith.constant 16 : i32
      %mul3A_258 = arith.muli %add3A_253, %mul3A_257 : i32
      %get3A_259 = arith.index_cast %mul3A_258 : i32 to index
      %get3A_260 = tpu.vector_load %arg11[%get3A_259] {strides = array<i32>} : memref<3136xf32, #tpu.memory_space<vmem>>, vector<16xf32>,
      %add3A_261 = arith.addf %get3A_256, %get3A_260 : vector<16xf32>
      %mul3A_262 = arith.constant 16 : i32
      %mul3A_263 = arith.muli %add3A_253, %mul3A_262 : i32
      %swap3A = arith.index_cast %mul3A_263 : i32 to index
      %swap3A_264 = tpu.vector_load %arg12[%swap3A] {strides = array<i32>} : memref<3136xf32, #tpu.memory_space<vmem>>, vector<16xf32>,
      tpu.vector_store %arg12[%swap3A], %add3A_261 {strides = array<i32>} : memref<3136xf32, #tpu.memory_space<vmem>>, vector<16xf32>,
      %mul3A_265 = arith.constant 4 : i32
      %mul3A_266 = arith.muli %scan3A_249, %mul3A_265 : i32
      %add3A_267 = arith.constant 1 : i32
      %add3A_268 = arith.addi %mul3A_266, %add3A_267 : i32
      %mul3A_269 = arith.constant 16 : i32
      %mul3A_270 = arith.muli %add3A_268, %mul3A_269 : i32
      %get3A_271 = arith.index_cast %mul3A_270 : i32 to index
      %get3A_272 = tpu.vector_load %arg12[%get3A_271] {strides = array<i32>} : memref<3136xf32, #tpu.memory_space<vmem>>, vector<16xf32>,
      %mul3A_273 = arith.constant 16 : i32
      %mul3A_274 = arith.muli %add3A_268, %mul3A_273 : i32
      %get3A_275 = arith.index_cast %mul3A_274 : i32 to index
      %get3A_276 = tpu.vector_load %arg11[%get3A_275] {strides = array<i32>} : memref<3136xf32, #tpu.memory_space<vmem>>, vector<16xf32>,
      %add3A_277 = arith.addf %get3A_272, %get3A_276 : vector<16xf32>
      %mul3A_278 = arith.constant 16 : i32
      %mul3A_279 = arith.muli %add3A_268, %mul3A_278 : i32
      %swap3A_280 = arith.index_cast %mul3A_279 : i32 to index
      %swap3A_281 = tpu.vector_load %arg12[%swap3A_280] {strides = array<i32>} : memref<3136xf32, #tpu.memory_space<vmem>>, vector<16xf32>,
      tpu.vector_store %arg12[%swap3A_280], %add3A_277 {strides = array<i32>} : memref<3136xf32, #tpu.memory_space<vmem>>, vector<16xf32>,
      %mul3A_282 = arith.constant 4 : i32
      %mul3A_283 = arith.muli %scan3A_249, %mul3A_282 : i32
      %add3A_284 = arith.constant 2 : i32
      %add3A_285 = arith.addi %mul3A_283, %add3A_284 : i32
      %mul3A_286 = arith.constant 16 : i32
      %mul3A_287 = arith.muli %add3A_285, %mul3A_286 : i32
      %get3A_288 = arith.index_cast %mul3A_287 : i32 to index
      %get3A_289 = tpu.vector_load %arg12[%get3A_288] {strides = array<i32>} : memref<3136xf32, #tpu.memory_space<vmem>>, vector<16xf32>,
      %mul3A_290 = arith.constant 16 : i32
      %mul3A_291 = arith.muli %add3A_285, %mul3A_290 : i32
      %get3A_292 = arith.index_cast %mul3A_291 : i32 to index
      %get3A_293 = tpu.vector_load %arg11[%get3A_292] {strides = array<i32>} : memref<3136xf32, #tpu.memory_space<vmem>>, vector<16xf32>,
      %add3A_294 = arith.addf %get3A_289, %get3A_293 : vector<16xf32>
      %mul3A_295 = arith.constant 16 : i32
      %mul3A_296 = arith.muli %add3A_285, %mul3A_295 : i32
      %swap3A_297 = arith.index_cast %mul3A_296 : i32 to index
      %swap3A_298 = tpu.vector_load %arg12[%swap3A_297] {strides = array<i32>} : memref<3136xf32, #tpu.memory_space<vmem>>, vector<16xf32>,
      tpu.vector_store %arg12[%swap3A_297], %add3A_294 {strides = array<i32>} : memref<3136xf32, #tpu.memory_space<vmem>>, vector<16xf32>,
      %mul3A_299 = arith.constant 4 : i32
      %mul3A_300 = arith.muli %scan3A_249, %mul3A_299 : i32
      %add3A_301 = arith.constant 3 : i32
      %add3A_302 = arith.addi %mul3A_300, %add3A_301 : i32
      %mul3A_303 = arith.constant 16 : i32
      %mul3A_304 = arith.muli %add3A_302, %mul3A_303 : i32
      %get3A_305 = arith.index_cast %mul3A_304 : i32 to index
      %get3A_306 = tpu.vector_load %arg12[%get3A_305] {strides = array<i32>} : memref<3136xf32, #tpu.memory_space<vmem>>, vector<16xf32>,
      %mul3A_307 = arith.constant 16 : i32
      %mul3A_308 = arith.muli %add3A_302, %mul3A_307 : i32
      %get3A_309 = arith.index_cast %mul3A_308 : i32 to index
      %get3A_310 = tpu.vector_load %arg11[%get3A_309] {strides = array<i32>} : memref<3136xf32, #tpu.memory_space<vmem>>, vector<16xf32>,
      %add3A_311 = arith.addf %get3A_306, %get3A_310 : vector<16xf32>
      %mul3A_312 = arith.constant 16 : i32
      %mul3A_313 = arith.muli %add3A_302, %mul3A_312 : i32
      %swap3A_314 = arith.index_cast %mul3A_313 : i32 to index
      %swap3A_315 = tpu.vector_load %arg12[%swap3A_314] {strides = array<i32>} : memref<3136xf32, #tpu.memory_space<vmem>>, vector<16xf32>,
      tpu.vector_store %arg12[%swap3A_314], %add3A_311 {strides = array<i32>} : memref<3136xf32, #tpu.memory_space<vmem>>, vector<16xf32>,
    }
    %scan3A_177 = arith.constant 49 : i32
    %dma_wait3A_178 = tpu.memref_slice %arg13[%mul3A_65] : memref<802816xf32, #tpu.memory_space<vmem_shared>> -> memref<3136xf32, #tpu.memory_space<vmem_shared>>
    %dma_wait3A_179 = tpu.memref_slice %arg13[%mul3A_65] : memref<802816xf32, #tpu.memory_space<vmem_shared>> -> memref<3136xf32, #tpu.memory_space<vmem_shared>>
    tpu.wait_dma2 semaphore(%arg16 : memref<!tpu.dma_semaphore, #tpu.memory_space<semaphore_mem>>) src(%dma_wait3A_179 : memref<3136xf32, #tpu.memory_space<vmem_shared>>) dst(%arg10 : memref<3136xf32, #tpu.memory_space<vmem>>)
    %add3A_180 = arith.constant 551936 : i32
    %add3A_181 = arith.addi %add3A_180, %mul3A_65 : i32
    %dma_start3A_182 = tpu.memref_slice %arg13[%add3A_181] : memref<802816xf32, #tpu.memory_space<vmem_shared>> -> memref<3136xf32, #tpu.memory_space<vmem_shared>>
    %dma_start3A_183 = tpu.memref_slice %arg13[%add3A_181] : memref<802816xf32, #tpu.memory_space<vmem_shared>> -> memref<3136xf32, #tpu.memory_space<vmem_shared>>
    tpu.enqueue_dma source(%dma_start3A_183 : memref<3136xf32, #tpu.memory_space<vmem_shared>>) target(%arg11 : memref<3136xf32, #tpu.memory_space<vmem>>) target_semaphore(%arg17 : memref<!tpu.dma_semaphore, #tpu.memory_space<semaphore_mem>>)
    %scan3A_184 = arith.constant 0 : i32
    %scan3A_185 = arith.constant 0 : i32
    %scan3A_186 = arith.constant 49 : i32
    %scan3A_187 = arith.addi %scan3A_185, %scan3A_186 : i32
    %scan3A_188 = arith.constant 1 : i32
    scf.for %scan3A_249 = %scan3A_185 to %scan3A_187 step %scan3A_188  : i32 {
      %mul3A_250 = arith.constant 4 : i32
      %mul3A_251 = arith.muli %scan3A_249, %mul3A_250 : i32
      %add3A_252 = arith.constant 0 : i32
      %add3A_253 = arith.addi %mul3A_251, %add3A_252 : i32
      %mul3A_254 = arith.constant 16 : i32
      %mul3A_255 = arith.muli %add3A_253, %mul3A_254 : i32
      %get3A = arith.index_cast %mul3A_255 : i32 to index
      %get3A_256 = tpu.vector_load %arg12[%get3A] {strides = array<i32>} : memref<3136xf32, #tpu.memory_space<vmem>>, vector<16xf32>,
      %mul3A_257 = arith.constant 16 : i32
      %mul3A_258 = arith.muli %add3A_253, %mul3A_257 : i32
      %get3A_259 = arith.index_cast %mul3A_258 : i32 to index
      %get3A_260 = tpu.vector_load %arg10[%get3A_259] {strides = array<i32>} : memref<3136xf32, #tpu.memory_space<vmem>>, vector<16xf32>,
      %add3A_261 = arith.addf %get3A_256, %get3A_260 : vector<16xf32>
      %mul3A_262 = arith.constant 16 : i32
      %mul3A_263 = arith.muli %add3A_253, %mul3A_262 : i32
      %swap3A = arith.index_cast %mul3A_263 : i32 to index
      %swap3A_264 = tpu.vector_load %arg12[%swap3A] {strides = array<i32>} : memref<3136xf32, #tpu.memory_space<vmem>>, vector<16xf32>,
      tpu.vector_store %arg12[%swap3A], %add3A_261 {strides = array<i32>} : memref<3136xf32, #tpu.memory_space<vmem>>, vector<16xf32>,
      %mul3A_265 = arith.constant 4 : i32
      %mul3A_266 = arith.muli %scan3A_249, %mul3A_265 : i32
      %add3A_267 = arith.constant 1 : i32
      %add3A_268 = arith.addi %mul3A_266, %add3A_267 : i32
      %mul3A_269 = arith.constant 16 : i32
      %mul3A_270 = arith.muli %add3A_268, %mul3A_269 : i32
      %get3A_271 = arith.index_cast %mul3A_270 : i32 to index
      %get3A_272 = tpu.vector_load %arg12[%get3A_271] {strides = array<i32>} : memref<3136xf32, #tpu.memory_space<vmem>>, vector<16xf32>,
      %mul3A_273 = arith.constant 16 : i32
      %mul3A_274 = arith.muli %add3A_268, %mul3A_273 : i32
      %get3A_275 = arith.index_cast %mul3A_274 : i32 to index
      %get3A_276 = tpu.vector_load %arg10[%get3A_275] {strides = array<i32>} : memref<3136xf32, #tpu.memory_space<vmem>>, vector<16xf32>,
      %add3A_277 = arith.addf %get3A_272, %get3A_276 : vector<16xf32>
      %mul3A_278 = arith.constant 16 : i32
      %mul3A_279 = arith.muli %add3A_268, %mul3A_278 : i32
      %swap3A_280 = arith.index_cast %mul3A_279 : i32 to index
      %swap3A_281 = tpu.vector_load %arg12[%swap3A_280] {strides = array<i32>} : memref<3136xf32, #tpu.memory_space<vmem>>, vector<16xf32>,
      tpu.vector_store %arg12[%swap3A_280], %add3A_277 {strides = array<i32>} : memref<3136xf32, #tpu.memory_space<vmem>>, vector<16xf32>,
      %mul3A_282 = arith.constant 4 : i32
      %mul3A_283 = arith.muli %scan3A_249, %mul3A_282 : i32
      %add3A_284 = arith.constant 2 : i32
      %add3A_285 = arith.addi %mul3A_283, %add3A_284 : i32
      %mul3A_286 = arith.constant 16 : i32
      %mul3A_287 = arith.muli %add3A_285, %mul3A_286 : i32
      %get3A_288 = arith.index_cast %mul3A_287 : i32 to index
      %get3A_289 = tpu.vector_load %arg12[%get3A_288] {strides = array<i32>} : memref<3136xf32, #tpu.memory_space<vmem>>, vector<16xf32>,
      %mul3A_290 = arith.constant 16 : i32
      %mul3A_291 = arith.muli %add3A_285, %mul3A_290 : i32
      %get3A_292 = arith.index_cast %mul3A_291 : i32 to index
      %get3A_293 = tpu.vector_load %arg10[%get3A_292] {strides = array<i32>} : memref<3136xf32, #tpu.memory_space<vmem>>, vector<16xf32>,
      %add3A_294 = arith.addf %get3A_289, %get3A_293 : vector<16xf32>
      %mul3A_295 = arith.constant 16 : i32
      %mul3A_296 = arith.muli %add3A_285, %mul3A_295 : i32
      %swap3A_297 = arith.index_cast %mul3A_296 : i32 to index
      %swap3A_298 = tpu.vector_load %arg12[%swap3A_297] {strides = array<i32>} : memref<3136xf32, #tpu.memory_space<vmem>>, vector<16xf32>,
      tpu.vector_store %arg12[%swap3A_297], %add3A_294 {strides = array<i32>} : memref<3136xf32, #tpu.memory_space<vmem>>, vector<16xf32>,
      %mul3A_299 = arith.constant 4 : i32
      %mul3A_300 = arith.muli %scan3A_249, %mul3A_299 : i32
      %add3A_301 = arith.constant 3 : i32
      %add3A_302 = arith.addi %mul3A_300, %add3A_301 : i32
      %mul3A_303 = arith.constant 16 : i32
      %mul3A_304 = arith.muli %add3A_302, %mul3A_303 : i32
      %get3A_305 = arith.index_cast %mul3A_304 : i32 to index
      %get3A_306 = tpu.vector_load %arg12[%get3A_305] {strides = array<i32>} : memref<3136xf32, #tpu.memory_space<vmem>>, vector<16xf32>,
      %mul3A_307 = arith.constant 16 : i32
      %mul3A_308 = arith.muli %add3A_302, %mul3A_307 : i32
      %get3A_309 = arith.index_cast %mul3A_308 : i32 to index
      %get3A_310 = tpu.vector_load %arg10[%get3A_309] {strides = array<i32>} : memref<3136xf32, #tpu.memory_space<vmem>>, vector<16xf32>,
      %add3A_311 = arith.addf %get3A_306, %get3A_310 : vector<16xf32>
      %mul3A_312 = arith.constant 16 : i32
      %mul3A_313 = arith.muli %add3A_302, %mul3A_312 : i32
      %swap3A_314 = arith.index_cast %mul3A_313 : i32 to index
      %swap3A_315 = tpu.vector_load %arg12[%swap3A_314] {strides = array<i32>} : memref<3136xf32, #tpu.memory_space<vmem>>, vector<16xf32>,
      tpu.vector_store %arg12[%swap3A_314], %add3A_311 {strides = array<i32>} : memref<3136xf32, #tpu.memory_space<vmem>>, vector<16xf32>,
    }
    %scan3A_189 = arith.constant 49 : i32
    %dma_wait3A_190 = tpu.memref_slice %arg13[%mul3A_65] : memref<802816xf32, #tpu.memory_space<vmem_shared>> -> memref<3136xf32, #tpu.memory_space<vmem_shared>>
    %dma_wait3A_191 = tpu.memref_slice %arg13[%mul3A_65] : memref<802816xf32, #tpu.memory_space<vmem_shared>> -> memref<3136xf32, #tpu.memory_space<vmem_shared>>
    tpu.wait_dma2 semaphore(%arg17 : memref<!tpu.dma_semaphore, #tpu.memory_space<semaphore_mem>>) src(%dma_wait3A_191 : memref<3136xf32, #tpu.memory_space<vmem_shared>>) dst(%arg11 : memref<3136xf32, #tpu.memory_space<vmem>>)
    %add3A_192 = arith.constant 602112 : i32
    %add3A_193 = arith.addi %add3A_192, %mul3A_65 : i32
    %dma_start3A_194 = tpu.memref_slice %arg13[%add3A_193] : memref<802816xf32, #tpu.memory_space<vmem_shared>> -> memref<3136xf32, #tpu.memory_space<vmem_shared>>
    %dma_start3A_195 = tpu.memref_slice %arg13[%add3A_193] : memref<802816xf32, #tpu.memory_space<vmem_shared>> -> memref<3136xf32, #tpu.memory_space<vmem_shared>>
    tpu.enqueue_dma source(%dma_start3A_195 : memref<3136xf32, #tpu.memory_space<vmem_shared>>) target(%arg10 : memref<3136xf32, #tpu.memory_space<vmem>>) target_semaphore(%arg16 : memref<!tpu.dma_semaphore, #tpu.memory_space<semaphore_mem>>)
    %scan3A_196 = arith.constant 0 : i32
    %scan3A_197 = arith.constant 0 : i32
    %scan3A_198 = arith.constant 49 : i32
    %scan3A_199 = arith.addi %scan3A_197, %scan3A_198 : i32
    %scan3A_200 = arith.constant 1 : i32
    scf.for %scan3A_249 = %scan3A_197 to %scan3A_199 step %scan3A_200  : i32 {
      %mul3A_250 = arith.constant 4 : i32
      %mul3A_251 = arith.muli %scan3A_249, %mul3A_250 : i32
      %add3A_252 = arith.constant 0 : i32
      %add3A_253 = arith.addi %mul3A_251, %add3A_252 : i32
      %mul3A_254 = arith.constant 16 : i32
      %mul3A_255 = arith.muli %add3A_253, %mul3A_254 : i32
      %get3A = arith.index_cast %mul3A_255 : i32 to index
      %get3A_256 = tpu.vector_load %arg12[%get3A] {strides = array<i32>} : memref<3136xf32, #tpu.memory_space<vmem>>, vector<16xf32>,
      %mul3A_257 = arith.constant 16 : i32
      %mul3A_258 = arith.muli %add3A_253, %mul3A_257 : i32
      %get3A_259 = arith.index_cast %mul3A_258 : i32 to index
      %get3A_260 = tpu.vector_load %arg11[%get3A_259] {strides = array<i32>} : memref<3136xf32, #tpu.memory_space<vmem>>, vector<16xf32>,
      %add3A_261 = arith.addf %get3A_256, %get3A_260 : vector<16xf32>
      %mul3A_262 = arith.constant 16 : i32
      %mul3A_263 = arith.muli %add3A_253, %mul3A_262 : i32
      %swap3A = arith.index_cast %mul3A_263 : i32 to index
      %swap3A_264 = tpu.vector_load %arg12[%swap3A] {strides = array<i32>} : memref<3136xf32, #tpu.memory_space<vmem>>, vector<16xf32>,
      tpu.vector_store %arg12[%swap3A], %add3A_261 {strides = array<i32>} : memref<3136xf32, #tpu.memory_space<vmem>>, vector<16xf32>,
      %mul3A_265 = arith.constant 4 : i32
      %mul3A_266 = arith.muli %scan3A_249, %mul3A_265 : i32
      %add3A_267 = arith.constant 1 : i32
      %add3A_268 = arith.addi %mul3A_266, %add3A_267 : i32
      %mul3A_269 = arith.constant 16 : i32
      %mul3A_270 = arith.muli %add3A_268, %mul3A_269 : i32
      %get3A_271 = arith.index_cast %mul3A_270 : i32 to index
      %get3A_272 = tpu.vector_load %arg12[%get3A_271] {strides = array<i32>} : memref<3136xf32, #tpu.memory_space<vmem>>, vector<16xf32>,
      %mul3A_273 = arith.constant 16 : i32
      %mul3A_274 = arith.muli %add3A_268, %mul3A_273 : i32
      %get3A_275 = arith.index_cast %mul3A_274 : i32 to index
      %get3A_276 = tpu.vector_load %arg11[%get3A_275] {strides = array<i32>} : memref<3136xf32, #tpu.memory_space<vmem>>, vector<16xf32>,
      %add3A_277 = arith.addf %get3A_272, %get3A_276 : vector<16xf32>
      %mul3A_278 = arith.constant 16 : i32
      %mul3A_279 = arith.muli %add3A_268, %mul3A_278 : i32
      %swap3A_280 = arith.index_cast %mul3A_279 : i32 to index
      %swap3A_281 = tpu.vector_load %arg12[%swap3A_280] {strides = array<i32>} : memref<3136xf32, #tpu.memory_space<vmem>>, vector<16xf32>,
      tpu.vector_store %arg12[%swap3A_280], %add3A_277 {strides = array<i32>} : memref<3136xf32, #tpu.memory_space<vmem>>, vector<16xf32>,
      %mul3A_282 = arith.constant 4 : i32
      %mul3A_283 = arith.muli %scan3A_249, %mul3A_282 : i32
      %add3A_284 = arith.constant 2 : i32
      %add3A_285 = arith.addi %mul3A_283, %add3A_284 : i32
      %mul3A_286 = arith.constant 16 : i32
      %mul3A_287 = arith.muli %add3A_285, %mul3A_286 : i32
      %get3A_288 = arith.index_cast %mul3A_287 : i32 to index
      %get3A_289 = tpu.vector_load %arg12[%get3A_288] {strides = array<i32>} : memref<3136xf32, #tpu.memory_space<vmem>>, vector<16xf32>,
      %mul3A_290 = arith.constant 16 : i32
      %mul3A_291 = arith.muli %add3A_285, %mul3A_290 : i32
      %get3A_292 = arith.index_cast %mul3A_291 : i32 to index
      %get3A_293 = tpu.vector_load %arg11[%get3A_292] {strides = array<i32>} : memref<3136xf32, #tpu.memory_space<vmem>>, vector<16xf32>,
      %add3A_294 = arith.addf %get3A_289, %get3A_293 : vector<16xf32>
      %mul3A_295 = arith.constant 16 : i32
      %mul3A_296 = arith.muli %add3A_285, %mul3A_295 : i32
      %swap3A_297 = arith.index_cast %mul3A_296 : i32 to index
      %swap3A_298 = tpu.vector_load %arg12[%swap3A_297] {strides = array<i32>} : memref<3136xf32, #tpu.memory_space<vmem>>, vector<16xf32>,
      tpu.vector_store %arg12[%swap3A_297], %add3A_294 {strides = array<i32>} : memref<3136xf32, #tpu.memory_space<vmem>>, vector<16xf32>,
      %mul3A_299 = arith.constant 4 : i32
      %mul3A_300 = arith.muli %scan3A_249, %mul3A_299 : i32
      %add3A_301 = arith.constant 3 : i32
      %add3A_302 = arith.addi %mul3A_300, %add3A_301 : i32
      %mul3A_303 = arith.constant 16 : i32
      %mul3A_304 = arith.muli %add3A_302, %mul3A_303 : i32
      %get3A_305 = arith.index_cast %mul3A_304 : i32 to index
      %get3A_306 = tpu.vector_load %arg12[%get3A_305] {strides = array<i32>} : memref<3136xf32, #tpu.memory_space<vmem>>, vector<16xf32>,
      %mul3A_307 = arith.constant 16 : i32
      %mul3A_308 = arith.muli %add3A_302, %mul3A_307 : i32
      %get3A_309 = arith.index_cast %mul3A_308 : i32 to index
      %get3A_310 = tpu.vector_load %arg11[%get3A_309] {strides = array<i32>} : memref<3136xf32, #tpu.memory_space<vmem>>, vector<16xf32>,
      %add3A_311 = arith.addf %get3A_306, %get3A_310 : vector<16xf32>
      %mul3A_312 = arith.constant 16 : i32
      %mul3A_313 = arith.muli %add3A_302, %mul3A_312 : i32
      %swap3A_314 = arith.index_cast %mul3A_313 : i32 to index
      %swap3A_315 = tpu.vector_load %arg12[%swap3A_314] {strides = array<i32>} : memref<3136xf32, #tpu.memory_space<vmem>>, vector<16xf32>,
      tpu.vector_store %arg12[%swap3A_314], %add3A_311 {strides = array<i32>} : memref<3136xf32, #tpu.memory_space<vmem>>, vector<16xf32>,
    }
    %scan3A_201 = arith.constant 49 : i32
    %dma_wait3A_202 = tpu.memref_slice %arg13[%mul3A_65] : memref<802816xf32, #tpu.memory_space<vmem_shared>> -> memref<3136xf32, #tpu.memory_space<vmem_shared>>
    %dma_wait3A_203 = tpu.memref_slice %arg13[%mul3A_65] : memref<802816xf32, #tpu.memory_space<vmem_shared>> -> memref<3136xf32, #tpu.memory_space<vmem_shared>>
    tpu.wait_dma2 semaphore(%arg16 : memref<!tpu.dma_semaphore, #tpu.memory_space<semaphore_mem>>) src(%dma_wait3A_203 : memref<3136xf32, #tpu.memory_space<vmem_shared>>) dst(%arg10 : memref<3136xf32, #tpu.memory_space<vmem>>)
    %add3A_204 = arith.constant 652288 : i32
    %add3A_205 = arith.addi %add3A_204, %mul3A_65 : i32
    %dma_start3A_206 = tpu.memref_slice %arg13[%add3A_205] : memref<802816xf32, #tpu.memory_space<vmem_shared>> -> memref<3136xf32, #tpu.memory_space<vmem_shared>>
    %dma_start3A_207 = tpu.memref_slice %arg13[%add3A_205] : memref<802816xf32, #tpu.memory_space<vmem_shared>> -> memref<3136xf32, #tpu.memory_space<vmem_shared>>
    tpu.enqueue_dma source(%dma_start3A_207 : memref<3136xf32, #tpu.memory_space<vmem_shared>>) target(%arg11 : memref<3136xf32, #tpu.memory_space<vmem>>) target_semaphore(%arg17 : memref<!tpu.dma_semaphore, #tpu.memory_space<semaphore_mem>>)
    %scan3A_208 = arith.constant 0 : i32
    %scan3A_209 = arith.constant 0 : i32
    %scan3A_210 = arith.constant 49 : i32
    %scan3A_211 = arith.addi %scan3A_209, %scan3A_210 : i32
    %scan3A_212 = arith.constant 1 : i32
    scf.for %scan3A_249 = %scan3A_209 to %scan3A_211 step %scan3A_212  : i32 {
      %mul3A_250 = arith.constant 4 : i32
      %mul3A_251 = arith.muli %scan3A_249, %mul3A_250 : i32
      %add3A_252 = arith.constant 0 : i32
      %add3A_253 = arith.addi %mul3A_251, %add3A_252 : i32
      %mul3A_254 = arith.constant 16 : i32
      %mul3A_255 = arith.muli %add3A_253, %mul3A_254 : i32
      %get3A = arith.index_cast %mul3A_255 : i32 to index
      %get3A_256 = tpu.vector_load %arg12[%get3A] {strides = array<i32>} : memref<3136xf32, #tpu.memory_space<vmem>>, vector<16xf32>,
      %mul3A_257 = arith.constant 16 : i32
      %mul3A_258 = arith.muli %add3A_253, %mul3A_257 : i32
      %get3A_259 = arith.index_cast %mul3A_258 : i32 to index
      %get3A_260 = tpu.vector_load %arg10[%get3A_259] {strides = array<i32>} : memref<3136xf32, #tpu.memory_space<vmem>>, vector<16xf32>,
      %add3A_261 = arith.addf %get3A_256, %get3A_260 : vector<16xf32>
      %mul3A_262 = arith.constant 16 : i32
      %mul3A_263 = arith.muli %add3A_253, %mul3A_262 : i32
      %swap3A = arith.index_cast %mul3A_263 : i32 to index
      %swap3A_264 = tpu.vector_load %arg12[%swap3A] {strides = array<i32>} : memref<3136xf32, #tpu.memory_space<vmem>>, vector<16xf32>,
      tpu.vector_store %arg12[%swap3A], %add3A_261 {strides = array<i32>} : memref<3136xf32, #tpu.memory_space<vmem>>, vector<16xf32>,
      %mul3A_265 = arith.constant 4 : i32
      %mul3A_266 = arith.muli %scan3A_249, %mul3A_265 : i32
      %add3A_267 = arith.constant 1 : i32
      %add3A_268 = arith.addi %mul3A_266, %add3A_267 : i32
      %mul3A_269 = arith.constant 16 : i32
      %mul3A_270 = arith.muli %add3A_268, %mul3A_269 : i32
      %get3A_271 = arith.index_cast %mul3A_270 : i32 to index
      %get3A_272 = tpu.vector_load %arg12[%get3A_271] {strides = array<i32>} : memref<3136xf32, #tpu.memory_space<vmem>>, vector<16xf32>,
      %mul3A_273 = arith.constant 16 : i32
      %mul3A_274 = arith.muli %add3A_268, %mul3A_273 : i32
      %get3A_275 = arith.index_cast %mul3A_274 : i32 to index
      %get3A_276 = tpu.vector_load %arg10[%get3A_275] {strides = array<i32>} : memref<3136xf32, #tpu.memory_space<vmem>>, vector<16xf32>,
      %add3A_277 = arith.addf %get3A_272, %get3A_276 : vector<16xf32>
      %mul3A_278 = arith.constant 16 : i32
      %mul3A_279 = arith.muli %add3A_268, %mul3A_278 : i32
      %swap3A_280 = arith.index_cast %mul3A_279 : i32 to index
      %swap3A_281 = tpu.vector_load %arg12[%swap3A_280] {strides = array<i32>} : memref<3136xf32, #tpu.memory_space<vmem>>, vector<16xf32>,
      tpu.vector_store %arg12[%swap3A_280], %add3A_277 {strides = array<i32>} : memref<3136xf32, #tpu.memory_space<vmem>>, vector<16xf32>,
      %mul3A_282 = arith.constant 4 : i32
      %mul3A_283 = arith.muli %scan3A_249, %mul3A_282 : i32
      %add3A_284 = arith.constant 2 : i32
      %add3A_285 = arith.addi %mul3A_283, %add3A_284 : i32
      %mul3A_286 = arith.constant 16 : i32
      %mul3A_287 = arith.muli %add3A_285, %mul3A_286 : i32
      %get3A_288 = arith.index_cast %mul3A_287 : i32 to index
      %get3A_289 = tpu.vector_load %arg12[%get3A_288] {strides = array<i32>} : memref<3136xf32, #tpu.memory_space<vmem>>, vector<16xf32>,
      %mul3A_290 = arith.constant 16 : i32
      %mul3A_291 = arith.muli %add3A_285, %mul3A_290 : i32
      %get3A_292 = arith.index_cast %mul3A_291 : i32 to index
      %get3A_293 = tpu.vector_load %arg10[%get3A_292] {strides = array<i32>} : memref<3136xf32, #tpu.memory_space<vmem>>, vector<16xf32>,
      %add3A_294 = arith.addf %get3A_289, %get3A_293 : vector<16xf32>
      %mul3A_295 = arith.constant 16 : i32
      %mul3A_296 = arith.muli %add3A_285, %mul3A_295 : i32
      %swap3A_297 = arith.index_cast %mul3A_296 : i32 to index
      %swap3A_298 = tpu.vector_load %arg12[%swap3A_297] {strides = array<i32>} : memref<3136xf32, #tpu.memory_space<vmem>>, vector<16xf32>,
      tpu.vector_store %arg12[%swap3A_297], %add3A_294 {strides = array<i32>} : memref<3136xf32, #tpu.memory_space<vmem>>, vector<16xf32>,
      %mul3A_299 = arith.constant 4 : i32
      %mul3A_300 = arith.muli %scan3A_249, %mul3A_299 : i32
      %add3A_301 = arith.constant 3 : i32
      %add3A_302 = arith.addi %mul3A_300, %add3A_301 : i32
      %mul3A_303 = arith.constant 16 : i32
      %mul3A_304 = arith.muli %add3A_302, %mul3A_303 : i32
      %get3A_305 = arith.index_cast %mul3A_304 : i32 to index
      %get3A_306 = tpu.vector_load %arg12[%get3A_305] {strides = array<i32>} : memref<3136xf32, #tpu.memory_space<vmem>>, vector<16xf32>,
      %mul3A_307 = arith.constant 16 : i32
      %mul3A_308 = arith.muli %add3A_302, %mul3A_307 : i32
      %get3A_309 = arith.index_cast %mul3A_308 : i32 to index
      %get3A_310 = tpu.vector_load %arg10[%get3A_309] {strides = array<i32>} : memref<3136xf32, #tpu.memory_space<vmem>>, vector<16xf32>,
      %add3A_311 = arith.addf %get3A_306, %get3A_310 : vector<16xf32>
      %mul3A_312 = arith.constant 16 : i32
      %mul3A_313 = arith.muli %add3A_302, %mul3A_312 : i32
      %swap3A_314 = arith.index_cast %mul3A_313 : i32 to index
      %swap3A_315 = tpu.vector_load %arg12[%swap3A_314] {strides = array<i32>} : memref<3136xf32, #tpu.memory_space<vmem>>, vector<16xf32>,
      tpu.vector_store %arg12[%swap3A_314], %add3A_311 {strides = array<i32>} : memref<3136xf32, #tpu.memory_space<vmem>>, vector<16xf32>,
    }
    %scan3A_213 = arith.constant 49 : i32
    %dma_wait3A_214 = tpu.memref_slice %arg13[%mul3A_65] : memref<802816xf32, #tpu.memory_space<vmem_shared>> -> memref<3136xf32, #tpu.memory_space<vmem_shared>>
    %dma_wait3A_215 = tpu.memref_slice %arg13[%mul3A_65] : memref<802816xf32, #tpu.memory_space<vmem_shared>> -> memref<3136xf32, #tpu.memory_space<vmem_shared>>
    tpu.wait_dma2 semaphore(%arg17 : memref<!tpu.dma_semaphore, #tpu.memory_space<semaphore_mem>>) src(%dma_wait3A_215 : memref<3136xf32, #tpu.memory_space<vmem_shared>>) dst(%arg11 : memref<3136xf32, #tpu.memory_space<vmem>>)
    %add3A_216 = arith.constant 702464 : i32
    %add3A_217 = arith.addi %add3A_216, %mul3A_65 : i32
    %dma_start3A_218 = tpu.memref_slice %arg13[%add3A_217] : memref<802816xf32, #tpu.memory_space<vmem_shared>> -> memref<3136xf32, #tpu.memory_space<vmem_shared>>
    %dma_start3A_219 = tpu.memref_slice %arg13[%add3A_217] : memref<802816xf32, #tpu.memory_space<vmem_shared>> -> memref<3136xf32, #tpu.memory_space<vmem_shared>>
    tpu.enqueue_dma source(%dma_start3A_219 : memref<3136xf32, #tpu.memory_space<vmem_shared>>) target(%arg10 : memref<3136xf32, #tpu.memory_space<vmem>>) target_semaphore(%arg16 : memref<!tpu.dma_semaphore, #tpu.memory_space<semaphore_mem>>)
    %scan3A_220 = arith.constant 0 : i32
    %scan3A_221 = arith.constant 0 : i32
    %scan3A_222 = arith.constant 49 : i32
    %scan3A_223 = arith.addi %scan3A_221, %scan3A_222 : i32
    %scan3A_224 = arith.constant 1 : i32
    scf.for %scan3A_249 = %scan3A_221 to %scan3A_223 step %scan3A_224  : i32 {
      %mul3A_250 = arith.constant 4 : i32
      %mul3A_251 = arith.muli %scan3A_249, %mul3A_250 : i32
      %add3A_252 = arith.constant 0 : i32
      %add3A_253 = arith.addi %mul3A_251, %add3A_252 : i32
      %mul3A_254 = arith.constant 16 : i32
      %mul3A_255 = arith.muli %add3A_253, %mul3A_254 : i32
      %get3A = arith.index_cast %mul3A_255 : i32 to index
      %get3A_256 = tpu.vector_load %arg12[%get3A] {strides = array<i32>} : memref<3136xf32, #tpu.memory_space<vmem>>, vector<16xf32>,
      %mul3A_257 = arith.constant 16 : i32
      %mul3A_258 = arith.muli %add3A_253, %mul3A_257 : i32
      %get3A_259 = arith.index_cast %mul3A_258 : i32 to index
      %get3A_260 = tpu.vector_load %arg11[%get3A_259] {strides = array<i32>} : memref<3136xf32, #tpu.memory_space<vmem>>, vector<16xf32>,
      %add3A_261 = arith.addf %get3A_256, %get3A_260 : vector<16xf32>
      %mul3A_262 = arith.constant 16 : i32
      %mul3A_263 = arith.muli %add3A_253, %mul3A_262 : i32
      %swap3A = arith.index_cast %mul3A_263 : i32 to index
      %swap3A_264 = tpu.vector_load %arg12[%swap3A] {strides = array<i32>} : memref<3136xf32, #tpu.memory_space<vmem>>, vector<16xf32>,
      tpu.vector_store %arg12[%swap3A], %add3A_261 {strides = array<i32>} : memref<3136xf32, #tpu.memory_space<vmem>>, vector<16xf32>,
      %mul3A_265 = arith.constant 4 : i32
      %mul3A_266 = arith.muli %scan3A_249, %mul3A_265 : i32
      %add3A_267 = arith.constant 1 : i32
      %add3A_268 = arith.addi %mul3A_266, %add3A_267 : i32
      %mul3A_269 = arith.constant 16 : i32
      %mul3A_270 = arith.muli %add3A_268, %mul3A_269 : i32
      %get3A_271 = arith.index_cast %mul3A_270 : i32 to index
      %get3A_272 = tpu.vector_load %arg12[%get3A_271] {strides = array<i32>} : memref<3136xf32, #tpu.memory_space<vmem>>, vector<16xf32>,
      %mul3A_273 = arith.constant 16 : i32
      %mul3A_274 = arith.muli %add3A_268, %mul3A_273 : i32
      %get3A_275 = arith.index_cast %mul3A_274 : i32 to index
      %get3A_276 = tpu.vector_load %arg11[%get3A_275] {strides = array<i32>} : memref<3136xf32, #tpu.memory_space<vmem>>, vector<16xf32>,
      %add3A_277 = arith.addf %get3A_272, %get3A_276 : vector<16xf32>
      %mul3A_278 = arith.constant 16 : i32
      %mul3A_279 = arith.muli %add3A_268, %mul3A_278 : i32
      %swap3A_280 = arith.index_cast %mul3A_279 : i32 to index
      %swap3A_281 = tpu.vector_load %arg12[%swap3A_280] {strides = array<i32>} : memref<3136xf32, #tpu.memory_space<vmem>>, vector<16xf32>,
      tpu.vector_store %arg12[%swap3A_280], %add3A_277 {strides = array<i32>} : memref<3136xf32, #tpu.memory_space<vmem>>, vector<16xf32>,
      %mul3A_282 = arith.constant 4 : i32
      %mul3A_283 = arith.muli %scan3A_249, %mul3A_282 : i32
      %add3A_284 = arith.constant 2 : i32
      %add3A_285 = arith.addi %mul3A_283, %add3A_284 : i32
      %mul3A_286 = arith.constant 16 : i32
      %mul3A_287 = arith.muli %add3A_285, %mul3A_286 : i32
      %get3A_288 = arith.index_cast %mul3A_287 : i32 to index
      %get3A_289 = tpu.vector_load %arg12[%get3A_288] {strides = array<i32>} : memref<3136xf32, #tpu.memory_space<vmem>>, vector<16xf32>,
      %mul3A_290 = arith.constant 16 : i32
      %mul3A_291 = arith.muli %add3A_285, %mul3A_290 : i32
      %get3A_292 = arith.index_cast %mul3A_291 : i32 to index
      %get3A_293 = tpu.vector_load %arg11[%get3A_292] {strides = array<i32>} : memref<3136xf32, #tpu.memory_space<vmem>>, vector<16xf32>,
      %add3A_294 = arith.addf %get3A_289, %get3A_293 : vector<16xf32>
      %mul3A_295 = arith.constant 16 : i32
      %mul3A_296 = arith.muli %add3A_285, %mul3A_295 : i32
      %swap3A_297 = arith.index_cast %mul3A_296 : i32 to index
      %swap3A_298 = tpu.vector_load %arg12[%swap3A_297] {strides = array<i32>} : memref<3136xf32, #tpu.memory_space<vmem>>, vector<16xf32>,
      tpu.vector_store %arg12[%swap3A_297], %add3A_294 {strides = array<i32>} : memref<3136xf32, #tpu.memory_space<vmem>>, vector<16xf32>,
      %mul3A_299 = arith.constant 4 : i32
      %mul3A_300 = arith.muli %scan3A_249, %mul3A_299 : i32
      %add3A_301 = arith.constant 3 : i32
      %add3A_302 = arith.addi %mul3A_300, %add3A_301 : i32
      %mul3A_303 = arith.constant 16 : i32
      %mul3A_304 = arith.muli %add3A_302, %mul3A_303 : i32
      %get3A_305 = arith.index_cast %mul3A_304 : i32 to index
      %get3A_306 = tpu.vector_load %arg12[%get3A_305] {strides = array<i32>} : memref<3136xf32, #tpu.memory_space<vmem>>, vector<16xf32>,
      %mul3A_307 = arith.constant 16 : i32
      %mul3A_308 = arith.muli %add3A_302, %mul3A_307 : i32
      %get3A_309 = arith.index_cast %mul3A_308 : i32 to index
      %get3A_310 = tpu.vector_load %arg11[%get3A_309] {strides = array<i32>} : memref<3136xf32, #tpu.memory_space<vmem>>, vector<16xf32>,
      %add3A_311 = arith.addf %get3A_306, %get3A_310 : vector<16xf32>
      %mul3A_312 = arith.constant 16 : i32
      %mul3A_313 = arith.muli %add3A_302, %mul3A_312 : i32
      %swap3A_314 = arith.index_cast %mul3A_313 : i32 to index
      %swap3A_315 = tpu.vector_load %arg12[%swap3A_314] {strides = array<i32>} : memref<3136xf32, #tpu.memory_space<vmem>>, vector<16xf32>,
      tpu.vector_store %arg12[%swap3A_314], %add3A_311 {strides = array<i32>} : memref<3136xf32, #tpu.memory_space<vmem>>, vector<16xf32>,
    }
    %scan3A_225 = arith.constant 49 : i32
    %dma_wait3A_226 = tpu.memref_slice %arg13[%mul3A_65] : memref<802816xf32, #tpu.memory_space<vmem_shared>> -> memref<3136xf32, #tpu.memory_space<vmem_shared>>
    %dma_wait3A_227 = tpu.memref_slice %arg13[%mul3A_65] : memref<802816xf32, #tpu.memory_space<vmem_shared>> -> memref<3136xf32, #tpu.memory_space<vmem_shared>>
    tpu.wait_dma2 semaphore(%arg16 : memref<!tpu.dma_semaphore, #tpu.memory_space<semaphore_mem>>) src(%dma_wait3A_227 : memref<3136xf32, #tpu.memory_space<vmem_shared>>) dst(%arg10 : memref<3136xf32, #tpu.memory_space<vmem>>)
    %add3A_228 = arith.constant 752640 : i32
    %add3A_229 = arith.addi %add3A_228, %mul3A_65 : i32
    %dma_start3A_230 = tpu.memref_slice %arg13[%add3A_229] : memref<802816xf32, #tpu.memory_space<vmem_shared>> -> memref<3136xf32, #tpu.memory_space<vmem_shared>>
    %dma_start3A_231 = tpu.memref_slice %arg13[%add3A_229] : memref<802816xf32, #tpu.memory_space<vmem_shared>> -> memref<3136xf32, #tpu.memory_space<vmem_shared>>
    tpu.enqueue_dma source(%dma_start3A_231 : memref<3136xf32, #tpu.memory_space<vmem_shared>>) target(%arg11 : memref<3136xf32, #tpu.memory_space<vmem>>) target_semaphore(%arg17 : memref<!tpu.dma_semaphore, #tpu.memory_space<semaphore_mem>>)
    %scan3A_232 = arith.constant 0 : i32
    %scan3A_233 = arith.constant 0 : i32
    %scan3A_234 = arith.constant 49 : i32
    %scan3A_235 = arith.addi %scan3A_233, %scan3A_234 : i32
    %scan3A_236 = arith.constant 1 : i32
    scf.for %scan3A_249 = %scan3A_233 to %scan3A_235 step %scan3A_236  : i32 {
      %mul3A_250 = arith.constant 4 : i32
      %mul3A_251 = arith.muli %scan3A_249, %mul3A_250 : i32
      %add3A_252 = arith.constant 0 : i32
      %add3A_253 = arith.addi %mul3A_251, %add3A_252 : i32
      %mul3A_254 = arith.constant 16 : i32
      %mul3A_255 = arith.muli %add3A_253, %mul3A_254 : i32
      %get3A = arith.index_cast %mul3A_255 : i32 to index
      %get3A_256 = tpu.vector_load %arg12[%get3A] {strides = array<i32>} : memref<3136xf32, #tpu.memory_space<vmem>>, vector<16xf32>,
      %mul3A_257 = arith.constant 16 : i32
      %mul3A_258 = arith.muli %add3A_253, %mul3A_257 : i32
      %get3A_259 = arith.index_cast %mul3A_258 : i32 to index
      %get3A_260 = tpu.vector_load %arg10[%get3A_259] {strides = array<i32>} : memref<3136xf32, #tpu.memory_space<vmem>>, vector<16xf32>,
      %add3A_261 = arith.addf %get3A_256, %get3A_260 : vector<16xf32>
      %mul3A_262 = arith.constant 16 : i32
      %mul3A_263 = arith.muli %add3A_253, %mul3A_262 : i32
      %swap3A = arith.index_cast %mul3A_263 : i32 to index
      %swap3A_264 = tpu.vector_load %arg12[%swap3A] {strides = array<i32>} : memref<3136xf32, #tpu.memory_space<vmem>>, vector<16xf32>,
      tpu.vector_store %arg12[%swap3A], %add3A_261 {strides = array<i32>} : memref<3136xf32, #tpu.memory_space<vmem>>, vector<16xf32>,
      %mul3A_265 = arith.constant 4 : i32
      %mul3A_266 = arith.muli %scan3A_249, %mul3A_265 : i32
      %add3A_267 = arith.constant 1 : i32
      %add3A_268 = arith.addi %mul3A_266, %add3A_267 : i32
      %mul3A_269 = arith.constant 16 : i32
      %mul3A_270 = arith.muli %add3A_268, %mul3A_269 : i32
      %get3A_271 = arith.index_cast %mul3A_270 : i32 to index
      %get3A_272 = tpu.vector_load %arg12[%get3A_271] {strides = array<i32>} : memref<3136xf32, #tpu.memory_space<vmem>>, vector<16xf32>,
      %mul3A_273 = arith.constant 16 : i32
      %mul3A_274 = arith.muli %add3A_268, %mul3A_273 : i32
      %get3A_275 = arith.index_cast %mul3A_274 : i32 to index
      %get3A_276 = tpu.vector_load %arg10[%get3A_275] {strides = array<i32>} : memref<3136xf32, #tpu.memory_space<vmem>>, vector<16xf32>,
      %add3A_277 = arith.addf %get3A_272, %get3A_276 : vector<16xf32>
      %mul3A_278 = arith.constant 16 : i32
      %mul3A_279 = arith.muli %add3A_268, %mul3A_278 : i32
      %swap3A_280 = arith.index_cast %mul3A_279 : i32 to index
      %swap3A_281 = tpu.vector_load %arg12[%swap3A_280] {strides = array<i32>} : memref<3136xf32, #tpu.memory_space<vmem>>, vector<16xf32>,
      tpu.vector_store %arg12[%swap3A_280], %add3A_277 {strides = array<i32>} : memref<3136xf32, #tpu.memory_space<vmem>>, vector<16xf32>,
      %mul3A_282 = arith.constant 4 : i32
      %mul3A_283 = arith.muli %scan3A_249, %mul3A_282 : i32
      %add3A_284 = arith.constant 2 : i32
      %add3A_285 = arith.addi %mul3A_283, %add3A_284 : i32
      %mul3A_286 = arith.constant 16 : i32
      %mul3A_287 = arith.muli %add3A_285, %mul3A_286 : i32
      %get3A_288 = arith.index_cast %mul3A_287 : i32 to index
      %get3A_289 = tpu.vector_load %arg12[%get3A_288] {strides = array<i32>} : memref<3136xf32, #tpu.memory_space<vmem>>, vector<16xf32>,
      %mul3A_290 = arith.constant 16 : i32
      %mul3A_291 = arith.muli %add3A_285, %mul3A_290 : i32
      %get3A_292 = arith.index_cast %mul3A_291 : i32 to index
      %get3A_293 = tpu.vector_load %arg10[%get3A_292] {strides = array<i32>} : memref<3136xf32, #tpu.memory_space<vmem>>, vector<16xf32>,
      %add3A_294 = arith.addf %get3A_289, %get3A_293 : vector<16xf32>
      %mul3A_295 = arith.constant 16 : i32
      %mul3A_296 = arith.muli %add3A_285, %mul3A_295 : i32
      %swap3A_297 = arith.index_cast %mul3A_296 : i32 to index
      %swap3A_298 = tpu.vector_load %arg12[%swap3A_297] {strides = array<i32>} : memref<3136xf32, #tpu.memory_space<vmem>>, vector<16xf32>,
      tpu.vector_store %arg12[%swap3A_297], %add3A_294 {strides = array<i32>} : memref<3136xf32, #tpu.memory_space<vmem>>, vector<16xf32>,
      %mul3A_299 = arith.constant 4 : i32
      %mul3A_300 = arith.muli %scan3A_249, %mul3A_299 : i32
      %add3A_301 = arith.constant 3 : i32
      %add3A_302 = arith.addi %mul3A_300, %add3A_301 : i32
      %mul3A_303 = arith.constant 16 : i32
      %mul3A_304 = arith.muli %add3A_302, %mul3A_303 : i32
      %get3A_305 = arith.index_cast %mul3A_304 : i32 to index
      %get3A_306 = tpu.vector_load %arg12[%get3A_305] {strides = array<i32>} : memref<3136xf32, #tpu.memory_space<vmem>>, vector<16xf32>,
      %mul3A_307 = arith.constant 16 : i32
      %mul3A_308 = arith.muli %add3A_302, %mul3A_307 : i32
      %get3A_309 = arith.index_cast %mul3A_308 : i32 to index
      %get3A_310 = tpu.vector_load %arg10[%get3A_309] {strides = array<i32>} : memref<3136xf32, #tpu.memory_space<vmem>>, vector<16xf32>,
      %add3A_311 = arith.addf %get3A_306, %get3A_310 : vector<16xf32>
      %mul3A_312 = arith.constant 16 : i32
      %mul3A_313 = arith.muli %add3A_302, %mul3A_312 : i32
      %swap3A_314 = arith.index_cast %mul3A_313 : i32 to index
      %swap3A_315 = tpu.vector_load %arg12[%swap3A_314] {strides = array<i32>} : memref<3136xf32, #tpu.memory_space<vmem>>, vector<16xf32>,
      tpu.vector_store %arg12[%swap3A_314], %add3A_311 {strides = array<i32>} : memref<3136xf32, #tpu.memory_space<vmem>>, vector<16xf32>,
    }
    %scan3A_237 = arith.constant 49 : i32
    %dma_wait3A_238 = tpu.memref_slice %arg13[%mul3A_65] : memref<802816xf32, #tpu.memory_space<vmem_shared>> -> memref<3136xf32, #tpu.memory_space<vmem_shared>>
    %dma_wait3A_239 = tpu.memref_slice %arg13[%mul3A_65] : memref<802816xf32, #tpu.memory_space<vmem_shared>> -> memref<3136xf32, #tpu.memory_space<vmem_shared>>
    tpu.wait_dma2 semaphore(%arg17 : memref<!tpu.dma_semaphore, #tpu.memory_space<semaphore_mem>>) src(%dma_wait3A_239 : memref<3136xf32, #tpu.memory_space<vmem_shared>>) dst(%arg11 : memref<3136xf32, #tpu.memory_space<vmem>>)
    %scan3A_240 = arith.constant 0 : i32
    %scan3A_241 = arith.constant 0 : i32
    %scan3A_242 = arith.constant 49 : i32
    %scan3A_243 = arith.addi %scan3A_241, %scan3A_242 : i32
    %scan3A_244 = arith.constant 1 : i32
    scf.for %scan3A_249 = %scan3A_241 to %scan3A_243 step %scan3A_244  : i32 {
      %mul3A_250 = arith.constant 4 : i32
      %mul3A_251 = arith.muli %scan3A_249, %mul3A_250 : i32
      %add3A_252 = arith.constant 0 : i32
      %add3A_253 = arith.addi %mul3A_251, %add3A_252 : i32
      %mul3A_254 = arith.constant 16 : i32
      %mul3A_255 = arith.muli %add3A_253, %mul3A_254 : i32
      %get3A = arith.index_cast %mul3A_255 : i32 to index
      %get3A_256 = tpu.vector_load %arg12[%get3A] {strides = array<i32>} : memref<3136xf32, #tpu.memory_space<vmem>>, vector<16xf32>,
      %mul3A_257 = arith.constant 16 : i32
      %mul3A_258 = arith.muli %add3A_253, %mul3A_257 : i32
      %get3A_259 = arith.index_cast %mul3A_258 : i32 to index
      %get3A_260 = tpu.vector_load %arg11[%get3A_259] {strides = array<i32>} : memref<3136xf32, #tpu.memory_space<vmem>>, vector<16xf32>,
      %add3A_261 = arith.addf %get3A_256, %get3A_260 : vector<16xf32>
      %mul3A_262 = arith.constant 16 : i32
      %mul3A_263 = arith.muli %add3A_253, %mul3A_262 : i32
      %swap3A = arith.index_cast %mul3A_263 : i32 to index
      %swap3A_264 = tpu.vector_load %arg12[%swap3A] {strides = array<i32>} : memref<3136xf32, #tpu.memory_space<vmem>>, vector<16xf32>,
      tpu.vector_store %arg12[%swap3A], %add3A_261 {strides = array<i32>} : memref<3136xf32, #tpu.memory_space<vmem>>, vector<16xf32>,
      %mul3A_265 = arith.constant 4 : i32
      %mul3A_266 = arith.muli %scan3A_249, %mul3A_265 : i32
      %add3A_267 = arith.constant 1 : i32
      %add3A_268 = arith.addi %mul3A_266, %add3A_267 : i32
      %mul3A_269 = arith.constant 16 : i32
      %mul3A_270 = arith.muli %add3A_268, %mul3A_269 : i32
      %get3A_271 = arith.index_cast %mul3A_270 : i32 to index
      %get3A_272 = tpu.vector_load %arg12[%get3A_271] {strides = array<i32>} : memref<3136xf32, #tpu.memory_space<vmem>>, vector<16xf32>,
      %mul3A_273 = arith.constant 16 : i32
      %mul3A_274 = arith.muli %add3A_268, %mul3A_273 : i32
      %get3A_275 = arith.index_cast %mul3A_274 : i32 to index
      %get3A_276 = tpu.vector_load %arg11[%get3A_275] {strides = array<i32>} : memref<3136xf32, #tpu.memory_space<vmem>>, vector<16xf32>,
      %add3A_277 = arith.addf %get3A_272, %get3A_276 : vector<16xf32>
      %mul3A_278 = arith.constant 16 : i32
      %mul3A_279 = arith.muli %add3A_268, %mul3A_278 : i32
      %swap3A_280 = arith.index_cast %mul3A_279 : i32 to index
      %swap3A_281 = tpu.vector_load %arg12[%swap3A_280] {strides = array<i32>} : memref<3136xf32, #tpu.memory_space<vmem>>, vector<16xf32>,
      tpu.vector_store %arg12[%swap3A_280], %add3A_277 {strides = array<i32>} : memref<3136xf32, #tpu.memory_space<vmem>>, vector<16xf32>,
      %mul3A_282 = arith.constant 4 : i32
      %mul3A_283 = arith.muli %scan3A_249, %mul3A_282 : i32
      %add3A_284 = arith.constant 2 : i32
      %add3A_285 = arith.addi %mul3A_283, %add3A_284 : i32
      %mul3A_286 = arith.constant 16 : i32
      %mul3A_287 = arith.muli %add3A_285, %mul3A_286 : i32
      %get3A_288 = arith.index_cast %mul3A_287 : i32 to index
      %get3A_289 = tpu.vector_load %arg12[%get3A_288] {strides = array<i32>} : memref<3136xf32, #tpu.memory_space<vmem>>, vector<16xf32>,
      %mul3A_290 = arith.constant 16 : i32
      %mul3A_291 = arith.muli %add3A_285, %mul3A_290 : i32
      %get3A_292 = arith.index_cast %mul3A_291 : i32 to index
      %get3A_293 = tpu.vector_load %arg11[%get3A_292] {strides = array<i32>} : memref<3136xf32, #tpu.memory_space<vmem>>, vector<16xf32>,
      %add3A_294 = arith.addf %get3A_289, %get3A_293 : vector<16xf32>
      %mul3A_295 = arith.constant 16 : i32
      %mul3A_296 = arith.muli %add3A_285, %mul3A_295 : i32
      %swap3A_297 = arith.index_cast %mul3A_296 : i32 to index
      %swap3A_298 = tpu.vector_load %arg12[%swap3A_297] {strides = array<i32>} : memref<3136xf32, #tpu.memory_space<vmem>>, vector<16xf32>,
      tpu.vector_store %arg12[%swap3A_297], %add3A_294 {strides = array<i32>} : memref<3136xf32, #tpu.memory_space<vmem>>, vector<16xf32>,
      %mul3A_299 = arith.constant 4 : i32
      %mul3A_300 = arith.muli %scan3A_249, %mul3A_299 : i32
      %add3A_301 = arith.constant 3 : i32
      %add3A_302 = arith.addi %mul3A_300, %add3A_301 : i32
      %mul3A_303 = arith.constant 16 : i32
      %mul3A_304 = arith.muli %add3A_302, %mul3A_303 : i32
      %get3A_305 = arith.index_cast %mul3A_304 : i32 to index
      %get3A_306 = tpu.vector_load %arg12[%get3A_305] {strides = array<i32>} : memref<3136xf32, #tpu.memory_space<vmem>>, vector<16xf32>,
      %mul3A_307 = arith.constant 16 : i32
      %mul3A_308 = arith.muli %add3A_302, %mul3A_307 : i32
      %get3A_309 = arith.index_cast %mul3A_308 : i32 to index
      %get3A_310 = tpu.vector_load %arg11[%get3A_309] {strides = array<i32>} : memref<3136xf32, #tpu.memory_space<vmem>>, vector<16xf32>,
      %add3A_311 = arith.addf %get3A_306, %get3A_310 : vector<16xf32>
      %mul3A_312 = arith.constant 16 : i32
      %mul3A_313 = arith.muli %add3A_302, %mul3A_312 : i32
      %swap3A_314 = arith.index_cast %mul3A_313 : i32 to index
      %swap3A_315 = tpu.vector_load %arg12[%swap3A_314] {strides = array<i32>} : memref<3136xf32, #tpu.memory_space<vmem>>, vector<16xf32>,
      tpu.vector_store %arg12[%swap3A_314], %add3A_311 {strides = array<i32>} : memref<3136xf32, #tpu.memory_space<vmem>>, vector<16xf32>,
    }
    %scan3A_245 = arith.constant 49 : i32
    %mul3A_246 = arith.constant 50176 : i32
    %mul3A_247 = arith.muli %arg0, %mul3A_246 : i32
    %add3A_248 = arith.addi %mul3A_247, %mul3A_65 : i32
    "tpu.region"() ({
      %run_scoped3A = tpu.sem_alloc : memref<!tpu.dma_semaphore, #tpu.memory_space<semaphore_mem>>
      %dma_start3A_249 = tpu.memref_slice %arg4[%add3A_248] : memref<100352xf32, #tpu.memory_space<hbm>> -> memref<3136xf32, #tpu.memory_space<hbm>>
      %dma_start3A_250 = tpu.memref_slice %arg4[%add3A_248] : memref<100352xf32, #tpu.memory_space<hbm>> -> memref<3136xf32, #tpu.memory_space<hbm>>
      tpu.enqueue_dma source(%arg12 : memref<3136xf32, #tpu.memory_space<vmem>>) target(%dma_start3A_250 : memref<3136xf32, #tpu.memory_space<hbm>>) target_semaphore(%run_scoped3A : memref<!tpu.dma_semaphore, #tpu.memory_space<semaphore_mem>>)
      %dma_wait3A_251 = tpu.memref_slice %arg4[%add3A_248] : memref<100352xf32, #tpu.memory_space<hbm>> -> memref<3136xf32, #tpu.memory_space<hbm>>
      %dma_wait3A_252 = tpu.memref_slice %arg4[%add3A_248] : memref<100352xf32, #tpu.memory_space<hbm>> -> memref<3136xf32, #tpu.memory_space<hbm>>
      tpu.wait_dma2 semaphore(%run_scoped3A : memref<!tpu.dma_semaphore, #tpu.memory_space<semaphore_mem>>) src(%arg12 : memref<3136xf32, #tpu.memory_space<vmem>>) dst(%dma_wait3A_252 : memref<3136xf32, #tpu.memory_space<hbm>>)
      tpu.yield
    }) : () -> ()
    return
  }
}

</mosaic_0001>

<sc_bundles>
// kernel: kernel.4.cloned.1.call-start
scs
__scs_entry_jumppad:
0x0: {  	(pc) =	sbr.rel $0x88, $3  }
0x1: {  	(tag) =	ssettag $0x0;
	lr =	simm.s32 $0x1  }
0x2: {  	[smem:$0x3F9F] =	sst lr;
	_ =	strace $0xD0000000  }
0x3: {  	_ = 	snop  }
0x4: {  	_ = 	snop  }
0x5: {  	_ = 	snop  }
0x6: {  	_ = 	snop  }
0x7: {  	_ = 	snop  }
__scs_overlays_trampoline_lowered:
0x8: {  	[smem:$0x3FAE] =	sst s0  }
0x9: {  	[smem:$0x3FAF] =	sst s1  }
0xa: {  	[smem:$0x3FB0] =	sst s2  }
0xb: {  	[smem:$0x3FB1] =	sst s3  }
0xc: {  	[smem:$0x3FB2] =	sst s4  }
0xd: {  	[smem:$0x3FB3] =	sst s5  }
0xe: {  	[smem:$0x3FB4] =	sst s6  }
0xf: {  	[smem:$0x3FB5] =	sst s7  }
0x10: {  	[smem:$0x3FB6] =	sst s8  }
0x11: {  	[smem:$0x3FB7] =	sst s9;
	s0 =	simm.s32 @!p0 $0x0  }
0x12: {  	s1 =	sld [smem:$0x3F9D];
	s0 =	simm.s32 @p0 $0x1  }
0x13: {  	[smem:$0x3FB8] =	sst s0;
	s0 =	simm.s32 @!p1 $0x0  }
0x14: {  	s2 =	sld [smem:$0x3F9C];
	s0 =	simm.s32 @p1 $0x1  }
0x15: {  	[smem:$0x3FB9] =	sst s0;
	s0 =	simm.s32 @!p2 $0x0  }
0x16: {  	s3 =	sld [smem:$0x3FDB];
	s0 =	simm.s32 @p2 $0x1  }
0x17: {  	s4 =	simm.s32 $0x1BF5;
	[smem:$0x3FBB] =	sst s0  }
0x18: {  	s0 =	sld [smem:$0x3F9E];
	_ =	swait.ge [sflag:s4], $0x0  }
0x19: {  	s7 =	sld [smem:$0x3F9F]  }
0x1a: {  	s8 =	sadd.s32 $0xFFFFE003, lr  }
0x1b: {  	s9 =	sadd.s32 $0xFFFFFEF7, lr;
	s5 =	simm.s32 $0xFFFFFFFF;
	p2 =	slt.u32 s8, $0xFFFFF086  }
0x1c: {  	p1 =	slt.u32 s9, $0xF7A;
	s5 =	simm.s32 @!p2 $0x0  }
0x1d: {  	s5 =	simm.s32 @p1 $0x1;
	p0 =	seq.s32 s7, s2  }
0x1e: {  	s7 =	smul.u32 @!p0 $0xF7A, s2;
	p2 =	seq.s32 @!p0 s5, $0x0  }
0x1f: {  	s9 =	smul.u32 $0xF7A, s1;
	s8 =	simm.s32 @!p0 $0x1BF5;
	p2 =	por !p2, p0  }
0x20: {  	[sflag:s8] =	ssyncset.s32 @!p0 $0xFFFFF086;
	s6 =	sadd.s32 @!p0 s3, s7;
	s7 =	simm.s32 @!p0 $0x108  }
0x21: {  	s3 =	sadd.s32 s3, s9;
	s6 =	sadd.s32 @!p0 $0x88, s6;
	s7 =	simm.s32 @p2 $0x1082  }
0x22: {  	[simem:s7], [sflag:s8] =	dma.local @!p0 [hbm:s6], $0xF7A  }
0x23: {  	s9 =	sor.u32 $0xD0000000, s2;
	s6 =	simm.s32 $0x108;
	_ =	swait.ge @!p0 [sflag:s8], $0x0  }
0x24: {  	s3 =	sadd.s32 $0x88, s3;
	s6 =	simm.s32 @!p1 $0x1082;
	[sflag:s4] =	ssyncset.s32 $0xFFFFF086  }
0x25: {  	[simem:s6], [sflag:s4] =	dma.local [hbm:s3], $0xF7A  }
0x26: {  	[smem:$0x3F9F] =	sst s1;
	(tag) =	ssettag s2;
	_ =	strace s9  }
0x27: {  	s1 =	sld [smem:$0x3FAF]  }
0x28: {  	s2 =	sld [smem:$0x3FB0]  }
0x29: {  	s4 =	sld [smem:$0x3FB2]  }
0x2a: {  	p0 =	seq.s32 s5, $0x0;
	s5 =	sld [smem:$0x3FB3]  }
0x2b: {  	s6 =	sld [smem:$0x3FB4]  }
0x2c: {  	s7 =	sld [smem:$0x3FB5]  }
0x2d: {  	s3 =	simm.s32 $0x108;
	s8 =	sld [smem:$0x3FB6]  }
0x2e: {  	s3 =	simm.s32 @!p0 $0x1082;
	s9 =	sld [smem:$0x3FB7]  }
0x2f: {  	lr =	sadd.s32 s0, s3;
	s0 =	sld [smem:$0x3FAE]  }
0x30: {  	s3 =	sld [smem:$0x3FB1]  }
0x31: {  	[smem:$0x3FBA] =	sst s10  }
0x32: {  	s10 =	sld [smem:$0x3FB8];
	_ =	sdelay $0x3  }
0x33: {  	p0 =	seq.s32 s10, $0x1;
	s10 =	sld [smem:$0x3FBA];
	_ =	sdelay $0x3  }
0x34: {  	[smem:$0x3FBA] =	sst s10  }
0x35: {  	s10 =	sld [smem:$0x3FB9];
	_ =	sdelay $0x3  }
0x36: {  	p1 =	seq.s32 s10, $0x1;
	s10 =	sld [smem:$0x3FBA];
	_ =	sdelay $0x3  }
0x37: {  	[smem:$0x3FBA] =	sst s10  }
0x38: {  	s10 =	sld [smem:$0x3FBB]  }
0x39: {  	_ = 	snop;
	(pc) =	sbr.ind lr, $3  }
0x3a: {  	_ = 	snop  }
0x3b: {  	_ = 	snop  }
0x3c: {  	p2 =	seq.s32 s10, $0x1;
	s10 =	sld [smem:$0x3FBA]  }
0x3d: {  	_ =	shalt  }
0x3e: {  	_ =	shalt  }
0x3f: {  	_ =	shalt  }
0x40: {  	_ =	shalt  }
0x41: {  	_ =	shalt  }
0x42: {  	_ =	shalt  }
0x43: {  	_ =	shalt  }
0x44: {  	_ =	shalt  }
0x45: {  	_ =	shalt  }
0x46: {  	_ =	shalt  }
0x47: {  	_ =	shalt  }
0x48: {  	_ =	shalt  }
0x49: {  	_ =	shalt  }
0x4a: {  	_ =	shalt  }
0x4b: {  	_ =	shalt  }
0x4c: {  	_ =	shalt  }
0x4d: {  	_ =	shalt  }
0x4e: {  	_ =	shalt  }
0x4f: {  	_ =	shalt  }
0x50: {  	_ =	shalt  }
0x51: {  	_ =	shalt  }
0x52: {  	_ =	shalt  }
0x53: {  	_ =	shalt  }
0x54: {  	_ =	shalt  }
0x55: {  	_ =	shalt  }
0x56: {  	_ =	shalt  }
0x57: {  	_ =	shalt  }
0x58: {  	_ =	shalt  }
0x59: {  	_ =	shalt  }
0x5a: {  	_ =	shalt  }
0x5b: {  	_ =	shalt  }
0x5c: {  	_ =	shalt  }
0x5d: {  	_ =	shalt  }
0x5e: {  	_ =	shalt  }
0x5f: {  	_ =	shalt  }
0x60: {  	_ =	shalt  }
0x61: {  	_ =	shalt  }
0x62: {  	_ =	shalt  }
0x63: {  	_ =	shalt  }
0x64: {  	_ =	shalt  }
0x65: {  	_ =	shalt  }
0x66: {  	_ =	shalt  }
0x67: {  	_ =	shalt  }
0x68: {  	_ =	shalt  }
0x69: {  	_ =	shalt  }
0x6a: {  	_ =	shalt  }
0x6b: {  	_ =	shalt  }
0x6c: {  	_ =	shalt  }
0x6d: {  	_ =	shalt  }
0x6e: {  	_ =	shalt  }
0x6f: {  	_ =	shalt  }
0x70: {  	_ =	shalt  }
0x71: {  	_ =	shalt  }
0x72: {  	_ =	shalt  }
0x73: {  	_ =	shalt  }
0x74: {  	_ =	shalt  }
0x75: {  	_ =	shalt  }
0x76: {  	_ =	shalt  }
0x77: {  	_ =	shalt  }
0x78: {  	_ =	shalt  }
0x79: {  	_ =	shalt  }
0x7a: {  	_ =	shalt  }
0x7b: {  	_ =	shalt  }
0x7c: {  	_ =	shalt  }
0x7d: {  	_ =	shalt  }
0x7e: {  	_ =	shalt  }
0x7f: {  	_ =	shalt  }
0x80: {  	_ =	shalt  }
0x81: {  	_ =	shalt  }
0x82: {  	_ =	shalt  }
0x83: {  	_ =	shalt  }
0x84: {  	_ =	shalt  }
0x85: {  	_ =	shalt  }
0x86: {  	_ =	shalt  }
0x87: {  	_ =	shalt  }
.Lfunc_end0:
.L_simem_size_0:
called_computation_lowered:
.L_overlay_start_0:
0x88: {  	s2 =	sld [smem:$0x3FD9]  }
0x89: {  	s3 =	sld [smem:$0x3FFE];
	_ =	sdelay $0x1  }
0x8a: {  	s1 =	srdreg.scid  }
0x8b: {  	s0 =	sand.u32 $0x1, s1  }
0x8c: {  	s17 =	sshll.u32 s0, $0xA;
	s2 =	sadd.s32 s3, s2  }
0x8d: {  	s2 =	sadd.s32 s2, s17  }
0x8e: {  	[smem:$0x3FC6] =	sst s2  }
0x8f: {  	_ = 	snop  }
0x90: {  	s2 =	sld [smem:$0x3FC8];
	(tm) =	ssettm $0x1  }
0x91: {  	s18 =	sld [smem:$0x3FFB];
	_ =	sdelay $0x3  }
0x92: {  	_ =	strace s18  }
0x93: {  	s3 =	sld [smem:$0x3FFC];
	_ =	sdelay $0x3  }
0x94: {  	_ =	strace s3  }
0x95: {  	s3 =	sld [smem:$0x3FFD];
	_ =	sdelay $0x3  }
0x96: {  	_ =	strace s3  }
0x97: {  	_ =	strace $0x8FFFFFFF  }
0x98: {  	s19 =	sld [smem:$0x3FDB];
	_ =	sdelay $0x1  }
0x99: {  	s4 =	simm.s32 $_scs_section_size  }
0x9a: {  	s5 =	simm.s32 $_size__tile_overlayer_lowered;
	s6 =	simm.s32 $_tile_overlayer_lowered  }
0x9b: {  	s22 =	simm.s32 $0x1BFF;
	s21 =	sshll.u32 s6, $0x1;
	s3 =	sadd.s32 s4, s19  }
0x9c: {  	s7 =	simm.s32 $0x0;
	s20 =	sshll.u32 s5, $0x1;
	s5 =	sadd.s32 s21, s3  }
0x9d: {  	[timem:s7], [sflag:s22] =	dma.local [hbm:s5], s20  }
0x9e: {  	_ =	swait.ge [sflag:s22], s20  }
0x9f: {  	s4 =	ssub.s32 $0x0, s20;
	[sflag:s22] =	ssyncset.done $0x0  }
0xa0: {  	[sflag:s22] =	ssyncadd.s32 s4;
	_ =	sdelay $0x1  }
0xa1: {  	s23 =	simm.s32 $0x1B8B  }
0xa2: {  	_ =	swait.ge [sflag:s23], $0x1  }
0xa3: {  	[sflag:s23] =	ssyncset.done $0x0  }
0xa4: {  	s25 =	simm.s32 $0x1B8E;
	s24 =	sld [smem:$0x3FFE];
	[sflag:s23] =	ssyncadd.s32 $0xFFFFFFFF  }
0xa5: {  	s26 =	simm.s32 $execute0_lowered;
	[smem:$0x3FD2] =	sst s25  }
0xa6: {  	s5 =	sshll.u32 s26, $0x1;
	_ =	strace $0x80000046;
	[dreg:$0x1] =	wrdreg $0xFFFFFFFF  }
0xa7: {  	s28 =	simm.s32 $_size_execute0_lowered;
	s3 =	sadd.s32 s3, s5;
	[dreg:$0x0] =	wrdreg $0x0  }
0xa8: {  	s5 =	sshll.u32 s28, $0x1;
	[dreg:$0x2] =	wrdreg s3  }
0xa9: {  	[dreg:$0x3] =	wrdreg s5  }
0xaa: {  	[dreg:$0x4] =	wrdreg $0xC0  }
0xab: {  	_ =	task [dreg:s7], $0x5FFFF  }
0xac: {  	[dreg:$0x1] =	wrdreg $0xFFFFFFFF  }
0xad: {  	[dreg:$0x0] =	wrdreg $0x60  }
0xae: {  	[dreg:$0x2] =	wrdreg s24  }
0xaf: {  	[dreg:$0x3] =	wrdreg s2  }
0xb0: {  	[dreg:$0x4] =	wrdreg $0x129800  }
0xb1: {  	[dreg:$0x5] =	wrdreg $0x9  }
0xb2: {  	_ =	task.clear_ibuf [dreg:s7], $0x6FFFF;
	_ =	strace $0x90000046  }
0xb3: {  	s29 =	simm.s32 $0x9;
	_ =	strace $0x80000048  }
0xb4: {  	_ =	swait.ge [sflag:s29], $0x1  }
0xb5: {  	[sflag:s29] =	ssyncadd.s32 $0xFFFFFFFF  }
0xb6: {  	_ =	strace $0x90000048  }
0xb7: {  	_ =	sfence  }
0xb8: {  	s30 =	sld [smem:$0x0];
	_ =	sdelay $0x2  }
0xb9: {  	s31 =	sshll.u32 s1, $0xD;
	s1 =	sshrl.u32 s1, $0x2  }
0xba: {  	s3 =	sand.u32 $0x4000, s31;
	s1 =	sadd.s32 s1, s30  }
0xbb: {  	s0 =	sor.u32 s3, s0;
	s1 =	sshll.u32 s1, $0x11  }
0xbc: {  	s0 =	sor.u32 s1, s0  }
0xbd: {  	s0 =	sadd.s32 $0x8F2B, s0  }
0xbe: {  	[sflag:s0] =	ssyncadd.remote.s32 $0x1  }
0xbf: {  	_ =	sfence.sel $0xFFFF  }
0xc0: {  	[dreg:$0x0] =	wrdreg $0xFFFFFFFF;
	(pc) =	sbr.abs _section_cstart, $3  }
0xc1: {  	[dreg:$0x1] =	wrdreg $0xFFFFFFFF  }
0xc2: {  	_ =	task.clear_ibuf [dreg:s7], $0x2FFFF;
	_ =	strace $0x9FFFFFFF  }
0xc3: {  	(tm) =	ssettm $0x7FFFFFFF  }
tec
execute0_lowered:
.L_overlay_start_1:
0x0: {  	(tag) =	ssettag $0x1  }
0x1: {  	s0 =	rddreg [dreg:$0x0]  }
0x2: {  	s2 =	rddreg [dreg:$0x1]  }
0x3: {  	s1 =	rddreg [dreg:$0x2];
	s9 =	stileid.u32  }
0x4: {  	s3 =	srdreg.scid;
	s6 =	smul.u32 $0xC40, s9  }
0x5: {  	s5 =	sand.u32 $0x1, s3;
	s3 =	simm.s32 $0x0;
	s15 =	smul.u32 $0x31000, s9  }
0x6: {  	s4 =	smul.u32 $0xC400, s5;
	s7 =	sshll.u32 s5, $0x4;
	[smem:$0x7FF] =	sst s3  }
0x7: {  	s5 =	ssub.s32 $0x2, s5;
	s7 =	sor.u32 s9, s7;
	_ =	strace $0x80000047  }
0x8: {  	s11 =	sshrl.u32 s5, $0x1;
	s8 =	sadd.s32 s6, s4;
	s7 =	smul.u32 $0x186A0, s7  }
0x9: {  	s18 =	sshrl.u32 s15, $0x2;
	s4 =	sadd.s32 $0x800, s0;
	s8 =	sshrl.u32 s8, $0x3  }
0xa: {  	s5 =	ssub.s32 s5, s11;
	s0 =	sadd.s32 s8, s0;
	s10 =	sshrl.u32 s7, $0x3  }
0xb: {  	s9 =	sadd.s32 $0x1F40, s7;
	s12 =	sadd.s32 s4, s10;
	s13 =	sadd.s32 $0x1F4, s10  }
0xc: {  	s11 =	sadd.s32 s2, s10;
	s16 =	sadd.s32 $0x2EE0, s10;
	[dreg:$0x4] =	wrdreg s12  }
0xd: {  	s10 =	sadd.s32 $0x2EE0, s7;
	s7 =	sadd.s32 s18, s1;
	[dreg:$0x5] =	wrdreg s11  }
0xe: {  	s18 =	simm.s32 $0x3;
	s14 =	sadd.s32 s4, s13;
	[dreg:$0xa] =	wrdreg s7  }
0xf: {  	s8 =	sadd.s32 s2, s13;
	s17 =	sadd.s32 s4, s16;
	[dreg:$0x6] =	wrdreg s14  }
0x10: {  	s7 =	simm.s32 $0xF400;
	s11 =	simm.s32 $0x2;
	[dreg:$0x7] =	wrdreg s8  }
0x11: {  	[dreg:$0x8] =	wrdreg s17;
	s8 =	sadd.s32 s2, s16;
	s14 =	sadd.s32 s6, s1  }
0x12: {  	s12 =	simm.s32 $0x5;
	[dreg:$0x9] =	wrdreg s8;
	s1 =	sadd.s32 $0xC400, s14  }
0x13: {  	s13 =	simm.s32 $0x11080;
	s19 =	sadd.s32 $0x18800, s14;
	[dreg:$0xb] =	wrdreg s1  }
0x14: {  	s6 =	simm.s32 $0xD400;
	s20 =	sadd.s32 $0x24C00, s14;
	[dreg:$0xc] =	wrdreg s19  }
0x15: {  	s16 =	simm.s32 $0x4;
	s21 =	sadd.s32 $0x31000, s14;
	[dreg:$0xd] =	wrdreg s20  }
0x16: {  	s17 =	simm.s32 $0x10400;
	s22 =	sadd.s32 $0x3D400, s14;
	[dreg:$0xe] =	wrdreg s21  }
0x17: {  	s23 =	sadd.s32 $0x49800, s14;
	s24 =	sadd.s32 $0x55C00, s14;
	[dreg:$0xf] =	wrdreg s22  }
0x18: {  	s25 =	sadd.s32 $0x62000, s14;
	s26 =	sadd.s32 $0x6E400, s14;
	[dreg:$0x10] =	wrdreg s23  }
0x19: {  	s28 =	sadd.s32 $0x86C00, s14;
	s29 =	sadd.s32 $0x93000, s14;
	[dreg:$0x11] =	wrdreg s24  }
0x1a: {  	s30 =	sadd.s32 $0x9F400, s14;
	s31 =	sadd.s32 $0xAB800, s14;
	[dreg:$0x12] =	wrdreg s25  }
0x1b: {  	s8 =	simm.s32 $0x1;
	[dreg:$0x13] =	wrdreg s26;
	s24 =	sadd.s32 $0x62400, s0  }
0x1c: {  	s25 =	smax.u32 s5, $0x1;
	s26 =	sadd.s32 $0x7A800, s14;
	s0 =	sadd.s32 $0xB7C00, s14  }
0x1d: {  	v0 =	vimm.f32 $0.0e+00;
	s1 =	simm.s32 $0xC400;
	s5 =	simm.s32 $0xE400;
	s19 =	simm.s32 $0x0  }
.LBB2_1:
0x1e: {  	s15 =	rddreg [dreg:$0x4]  }
0x1f: {  	[tilespmem:s1], [sflag:$0x1] =	stream.linear.gather [hbm4b:s15+s3], $0xFA0, $0x38;
	[tilespmem:$0x1ED80] =	vst v63  }
0x20: {  	s21 =	rddreg [dreg:$0x5]  }
0x21: {  	[tilespmem:s5], [sflag:$0x1] =	stream.linear.gather [hbm4b:s21+s3], $0xFA0, $0x38;
	[tilespmem:$0x1ED80] =	vst v63  }
0x22: {  	s22 =	rddreg [dreg:$0x6]  }
0x23: {  	[tilespmem:s6], [sflag:$0x2] =	stream.linear.gather [hbm4b:s22+s3], $0xFA0, $0x38;
	[tilespmem:$0x1ED80] =	vst v63  }
0x24: {  	s23 =	rddreg [dreg:$0x7];
	s20 =	simm.s32 $0x200;
	s15 =	simm.s32 $0x0  }
0x25: {  	[tilespmem:s7], [sflag:$0x2] =	stream.linear.gather [hbm4b:s23+s3], $0xFA0, $0x38;
	[tilespmem:$0x1ED80] =	vst v63  }
.LBB2_2:
0x26: {  	p0 =	sne.s32 s20, $0x30E00;
	[tilespmem:s15+$0x70] =	vst v0  }
0x27: {  	[tilespmem:s15+$0x0] =	vst v0  }
0x28: {  	[tilespmem:s15+$0x10] =	vst v0  }
.Ltmp0:
0x29: {  	[tilespmem:s15+$0x20] =	vst v0;
	(pc) =	sbr.rel @p0 .LBB2_2-.Ltmp0, $4  }
0x2a: {  	[tilespmem:s15+$0x30] =	vst v0  }
0x2b: {  	[tilespmem:s15+$0x40] =	vst v0  }
0x2c: {  	[tilespmem:s15+$0x50] =	vst v0  }
0x2d: {  	[tilespmem:s15+$0x60] =	vst v0;
	s15 =	sshra.s32 s20, $0x2;
	s20 =	sadd.s32 $0x200, s20  }
0x2e: {  	[tilespmem:s15+$0x70] =	vst v0  }
0x2f: {  	[tilespmem:s15+$0x0] =	vst v0  }
0x30: {  	[tilespmem:s15+$0x10] =	vst v0  }
0x31: {  	[tilespmem:s15+$0x20] =	vst v0  }
0x32: {  	[tilespmem:s15+$0x30] =	vst v0  }
0x33: {  	[tilespmem:s15+$0x40] =	vst v0  }
0x34: {  	[tilespmem:s15+$0x50] =	vst v0  }
0x35: {  	[tilespmem:s15+$0x60] =	vst v0;
	s15 =	simm.s32 $0x0  }
.LBB2_4:
0x36: {  	_ =	swait.ge [sflag:s8], $0xFA0  }
0x37: {  	[sflag:s8] =	ssyncset.done $0x0  }
0x38: {  	[sflag:s8] =	ssyncadd.s32 $0xFFFFF060  }
0x39: {  	_ =	swait.ge [sflag:s8], $0xFA0  }
0x3a: {  	[sflag:s8] =	ssyncset.done $0x0  }
0x3b: {  	s21 =	simm.s32 $0xC420;
	[sflag:s8] =	ssyncadd.s32 $0xFFFFF060  }
0x3c: {  	v1 =	vld [tilespmem:s21+$0x20]  }
0x3d: {  	s20 =	simm.s32 $0xE420;
	v3 =	vld [tilespmem:s21+$0xFFFFFFF0]  }
0x3e: {  	v2 =	vld [tilespmem:s20+$0x20]  }
0x3f: {  	v4 =	vld [tilespmem:s21+$0x0]  }
0x40: {  	v5 =	vld [tilespmem:s21+$0xFFFFFFE0]  }
0x41: {  	v6 =	vld [tilespmem:s20+$0xFFFFFFE0]  }
0x42: {  	v7 =	vld [tilespmem:s20+$0xFFFFFFF0]  }
0x43: {  	v8 =	vld [tilespmem:s20+$0x0]  }
0x44: {  	[tilespmem:v1+s3+$0x0] =	vst.idx.add.f32.msk $0xffff, v2  }
0x45: {  	v2 =	vld [tilespmem:s20+$0x10]  }
0x46: {  	v1 =	vld [tilespmem:s21+$0x10]  }
0x47: {  	[tilespmem:v3+s3+$0x0] =	vst.idx.add.f32.msk $0xffff, v7  }
0x48: {  	[tilespmem:v5+s3+$0x0] =	vst.idx.add.f32.msk $0xffff, v6  }
0x49: {  	s22 =	simm.s32 $0xC470;
	s21 =	simm.s32 $0x0;
	[tilespmem:v4+s3+$0x0] =	vst.idx.add.f32.msk $0xffff, v8  }
.LBB2_5:
0x4a: {  	v3 =	vld [tilespmem:s22+$0x20];
	s21 =	sadd.s32 $0x5, s21;
	v4 =	vmov v2  }
0x4b: {  	v5 =	vld [tilespmem:s22+$0xFFFFFFF0];
	p0 =	slt.u32 s21, $0xF5  }
0x4c: {  	s20 =	sadd.s32 $0x50, s20;
	v6 =	vld [tilespmem:s22+$0x0]  }
0x4d: {  	v2 =	vld [tilespmem:s20+$0x20]  }
0x4e: {  	v7 =	vld [tilespmem:s22+$0x10]  }
0x4f: {  	v8 =	vld [tilespmem:s22+$0xFFFFFFE0]  }
0x50: {  	v9 =	vld [tilespmem:s20+$0xFFFFFFE0]  }
0x51: {  	v10 =	vld [tilespmem:s20+$0xFFFFFFF0]  }
0x52: {  	[tilespmem:v3+s3+$0x0] =	vst.idx.add.f32.msk $0xffff, v2  }
0x53: {  	v3 =	vld [tilespmem:s20+$0x0]  }
.Ltmp1:
0x54: {  	v2 =	vld [tilespmem:s20+$0x10];
	(pc) =	sbr.rel @p0 .LBB2_5-.Ltmp1, $4  }
0x55: {  	[tilespmem:v1+s3+$0x0] =	vst.idx.add.f32.msk $0xffff, v4;
	v1 =	vmov v7  }
0x56: {  	[tilespmem:v5+s3+$0x0] =	vst.idx.add.f32.msk $0xffff, v10  }
0x57: {  	[tilespmem:v8+s3+$0x0] =	vst.idx.add.f32.msk $0xffff, v9  }
0x58: {  	s22 =	sadd.s32 $0x50, s22;
	[tilespmem:v6+s3+$0x0] =	vst.idx.add.f32.msk $0xffff, v3  }
0x59: {  	s20 =	smul.u32 $0x1F40, s15;
	_ =	sdelay $0x1  }
0x5a: {  	s21 =	sadd.s32 s20, s9  }
0x5b: {  	s21 =	sshrl.u32 s21, $0x3  }
0x5c: {  	[tilespmem:v1+s3+$0x0] =	vst.idx.add.f32.msk $0xffff, v2;
	s22 =	sadd.s32 s4, s21  }
0x5d: {  	[tilespmem:s1], [sflag:$0x1] =	stream.linear.gather [hbm4b:s22+s3], $0xFA0, $0x38;
	[tilespmem:$0x1ED80] =	vst v63  }
0x5e: {  	s21 =	sadd.s32 s2, s21  }
0x5f: {  	[tilespmem:s5], [sflag:$0x1] =	stream.linear.gather [hbm4b:s21+s3], $0xFA0, $0x38;
	[tilespmem:$0x1ED80] =	vst v63  }
0x60: {  	_ =	swait.ge [sflag:s11], $0xFA0  }
0x61: {  	[sflag:s11] =	ssyncset.done $0x0  }
0x62: {  	[sflag:s11] =	ssyncadd.s32 $0xFFFFF060  }
0x63: {  	_ =	swait.ge [sflag:s11], $0xFA0  }
0x64: {  	[sflag:s11] =	ssyncset.done $0x0  }
0x65: {  	s23 =	simm.s32 $0xD420;
	[sflag:s11] =	ssyncadd.s32 $0xFFFFF060  }
0x66: {  	v1 =	vld [tilespmem:s23+$0x20]  }
0x67: {  	s21 =	simm.s32 $0xF420;
	v3 =	vld [tilespmem:s23+$0xFFFFFFF0]  }
0x68: {  	v2 =	vld [tilespmem:s21+$0x20]  }
0x69: {  	v4 =	vld [tilespmem:s23+$0x0]  }
0x6a: {  	v5 =	vld [tilespmem:s23+$0xFFFFFFE0]  }
0x6b: {  	v6 =	vld [tilespmem:s21+$0xFFFFFFE0]  }
0x6c: {  	v7 =	vld [tilespmem:s21+$0xFFFFFFF0]  }
0x6d: {  	v8 =	vld [tilespmem:s21+$0x0]  }
0x6e: {  	[tilespmem:v1+s3+$0x0] =	vst.idx.add.f32.msk $0xffff, v2  }
0x6f: {  	v2 =	vld [tilespmem:s21+$0x10]  }
0x70: {  	v1 =	vld [tilespmem:s23+$0x10]  }
0x71: {  	[tilespmem:v3+s3+$0x0] =	vst.idx.add.f32.msk $0xffff, v7  }
0x72: {  	[tilespmem:v5+s3+$0x0] =	vst.idx.add.f32.msk $0xffff, v6  }
0x73: {  	s22 =	simm.s32 $0x0;
	[tilespmem:v4+s3+$0x0] =	vst.idx.add.f32.msk $0xffff, v8;
	s23 =	simm.s32 $0xD470  }
.LBB2_7:
0x74: {  	v3 =	vld [tilespmem:s23+$0x20];
	s22 =	sadd.s32 $0x5, s22;
	v4 =	vmov v2  }
0x75: {  	v5 =	vld [tilespmem:s23+$0xFFFFFFF0];
	p0 =	slt.u32 s22, $0xF5  }
0x76: {  	s21 =	sadd.s32 $0x50, s21;
	v6 =	vld [tilespmem:s23+$0x0]  }
0x77: {  	v2 =	vld [tilespmem:s21+$0x20]  }
0x78: {  	v7 =	vld [tilespmem:s23+$0x10]  }
0x79: {  	v8 =	vld [tilespmem:s23+$0xFFFFFFE0]  }
0x7a: {  	v9 =	vld [tilespmem:s21+$0xFFFFFFE0]  }
0x7b: {  	v10 =	vld [tilespmem:s21+$0xFFFFFFF0]  }
0x7c: {  	[tilespmem:v3+s3+$0x0] =	vst.idx.add.f32.msk $0xffff, v2  }
0x7d: {  	v3 =	vld [tilespmem:s21+$0x0]  }
.Ltmp2:
0x7e: {  	v2 =	vld [tilespmem:s21+$0x10];
	(pc) =	sbr.rel @p0 .LBB2_7-.Ltmp2, $4  }
0x7f: {  	[tilespmem:v1+s3+$0x0] =	vst.idx.add.f32.msk $0xffff, v4;
	v1 =	vmov v7  }
0x80: {  	[tilespmem:v5+s3+$0x0] =	vst.idx.add.f32.msk $0xffff, v10  }
0x81: {  	[tilespmem:v8+s3+$0x0] =	vst.idx.add.f32.msk $0xffff, v9  }
0x82: {  	s23 =	sadd.s32 $0x50, s23;
	[tilespmem:v6+s3+$0x0] =	vst.idx.add.f32.msk $0xffff, v3  }
0x83: {  	_ = 	snop  }
0x84: {  	s15 =	sadd.s32 $0x1, s15  }
0x85: {  	s20 =	sadd.s32 s20, s10;
	p0 =	sne.s32 s15, $0xB  }
.Ltmp3:
0x86: {  	s20 =	sshrl.u32 s20, $0x3;
	(pc) =	sbr.rel @p0 .LBB2_4-.Ltmp3, $4  }
0x87: {  	[tilespmem:v1+s3+$0x0] =	vst.idx.add.f32.msk $0xffff, v2;
	s21 =	sadd.s32 s4, s20  }
0x88: {  	[tilespmem:s6], [sflag:$0x2] =	stream.linear.gather [hbm4b:s21+s3], $0xFA0, $0x38;
	[tilespmem:$0x1ED80] =	vst v63  }
0x89: {  	s20 =	sadd.s32 s2, s20  }
0x8a: {  	[tilespmem:s7], [sflag:$0x2] =	stream.linear.gather [hbm4b:s20+s3], $0xFA0, $0x38;
	[tilespmem:$0x1ED80] =	vst v63  }
0x8b: {  	_ =	swait.ge [sflag:s8], $0xFA0  }
0x8c: {  	[sflag:s8] =	ssyncset.done $0x0  }
0x8d: {  	[sflag:s8] =	ssyncadd.s32 $0xFFFFF060  }
0x8e: {  	_ =	swait.ge [sflag:s8], $0xFA0  }
0x8f: {  	[sflag:s8] =	ssyncset.done $0x0  }
0x90: {  	s20 =	simm.s32 $0xC420;
	[sflag:s8] =	ssyncadd.s32 $0xFFFFF060  }
0x91: {  	v1 =	vld [tilespmem:s20+$0x20]  }
0x92: {  	s15 =	simm.s32 $0xE420;
	v3 =	vld [tilespmem:s20+$0xFFFFFFF0]  }
0x93: {  	v2 =	vld [tilespmem:s15+$0x20]  }
0x94: {  	v4 =	vld [tilespmem:s20+$0x0]  }
0x95: {  	v5 =	vld [tilespmem:s20+$0xFFFFFFE0]  }
0x96: {  	v6 =	vld [tilespmem:s15+$0xFFFFFFE0]  }
0x97: {  	v7 =	vld [tilespmem:s15+$0xFFFFFFF0]  }
0x98: {  	v8 =	vld [tilespmem:s15+$0x0]  }
0x99: {  	[tilespmem:v1+s3+$0x0] =	vst.idx.add.f32.msk $0xffff, v2  }
0x9a: {  	v2 =	vld [tilespmem:s15+$0x10]  }
0x9b: {  	v1 =	vld [tilespmem:s20+$0x10]  }
0x9c: {  	[tilespmem:v3+s3+$0x0] =	vst.idx.add.f32.msk $0xffff, v7  }
0x9d: {  	[tilespmem:v5+s3+$0x0] =	vst.idx.add.f32.msk $0xffff, v6  }
0x9e: {  	s21 =	simm.s32 $0xC470;
	s20 =	simm.s32 $0x0;
	[tilespmem:v4+s3+$0x0] =	vst.idx.add.f32.msk $0xffff, v8  }
.LBB2_10:
0x9f: {  	v3 =	vld [tilespmem:s21+$0x20];
	s20 =	sadd.s32 $0x5, s20;
	v4 =	vmov v2  }
0xa0: {  	v5 =	vld [tilespmem:s21+$0xFFFFFFF0];
	p0 =	slt.u32 s20, $0xF5  }
0xa1: {  	s15 =	sadd.s32 $0x50, s15;
	v6 =	vld [tilespmem:s21+$0x0]  }
0xa2: {  	v2 =	vld [tilespmem:s15+$0x20]  }
0xa3: {  	v7 =	vld [tilespmem:s21+$0x10]  }
0xa4: {  	v8 =	vld [tilespmem:s21+$0xFFFFFFE0]  }
0xa5: {  	v9 =	vld [tilespmem:s15+$0xFFFFFFE0]  }
0xa6: {  	v10 =	vld [tilespmem:s15+$0xFFFFFFF0]  }
0xa7: {  	[tilespmem:v3+s3+$0x0] =	vst.idx.add.f32.msk $0xffff, v2  }
0xa8: {  	v3 =	vld [tilespmem:s15+$0x0]  }
.Ltmp4:
0xa9: {  	v2 =	vld [tilespmem:s15+$0x10];
	(pc) =	sbr.rel @p0 .LBB2_10-.Ltmp4, $4  }
0xaa: {  	[tilespmem:v1+s3+$0x0] =	vst.idx.add.f32.msk $0xffff, v4;
	v1 =	vmov v7  }
0xab: {  	[tilespmem:v5+s3+$0x0] =	vst.idx.add.f32.msk $0xffff, v10  }
0xac: {  	[tilespmem:v8+s3+$0x0] =	vst.idx.add.f32.msk $0xffff, v9  }
0xad: {  	s21 =	sadd.s32 $0x50, s21;
	[tilespmem:v6+s3+$0x0] =	vst.idx.add.f32.msk $0xffff, v3  }
0xae: {  	_ =	sdelay $0x3  }
0xaf: {  	[tilespmem:v1+s3+$0x0] =	vst.idx.add.f32.msk $0xffff, v2  }
0xb0: {  	s15 =	rddreg [dreg:$0x8]  }
0xb1: {  	[tilespmem:s1], [sflag:$0x1] =	stream.linear.gather [hbm4b:s15+s3], $0xFA0, $0x38;
	[tilespmem:$0x1ED80] =	vst v63  }
0xb2: {  	s23 =	rddreg [dreg:$0x9]  }
0xb3: {  	[tilespmem:s5], [sflag:$0x1] =	stream.linear.gather [hbm4b:s23+s3], $0xFA0, $0x38;
	[tilespmem:$0x1ED80] =	vst v63  }
0xb4: {  	_ =	swait.ge [sflag:s11], $0xFA0  }
0xb5: {  	[sflag:s11] =	ssyncset.done $0x0  }
0xb6: {  	[sflag:s11] =	ssyncadd.s32 $0xFFFFF060  }
0xb7: {  	_ =	swait.ge [sflag:s11], $0xFA0  }
0xb8: {  	[sflag:s11] =	ssyncset.done $0x0  }
0xb9: {  	s20 =	simm.s32 $0xD420;
	[sflag:s11] =	ssyncadd.s32 $0xFFFFF060  }
0xba: {  	v1 =	vld [tilespmem:s20+$0x20]  }
0xbb: {  	s15 =	simm.s32 $0xF420;
	v3 =	vld [tilespmem:s20+$0xFFFFFFF0]  }
0xbc: {  	v2 =	vld [tilespmem:s15+$0x20]  }
0xbd: {  	v4 =	vld [tilespmem:s20+$0x0]  }
0xbe: {  	v5 =	vld [tilespmem:s20+$0xFFFFFFE0]  }
0xbf: {  	v6 =	vld [tilespmem:s15+$0xFFFFFFE0]  }
0xc0: {  	v7 =	vld [tilespmem:s15+$0xFFFFFFF0]  }
0xc1: {  	v8 =	vld [tilespmem:s15+$0x0]  }
0xc2: {  	[tilespmem:v1+s3+$0x0] =	vst.idx.add.f32.msk $0xffff, v2  }
0xc3: {  	v2 =	vld [tilespmem:s15+$0x10]  }
0xc4: {  	v1 =	vld [tilespmem:s20+$0x10]  }
0xc5: {  	[tilespmem:v3+s3+$0x0] =	vst.idx.add.f32.msk $0xffff, v7  }
0xc6: {  	[tilespmem:v5+s3+$0x0] =	vst.idx.add.f32.msk $0xffff, v6  }
0xc7: {  	s21 =	simm.s32 $0xD470;
	s22 =	simm.s32 $0x11D00;
	s20 =	simm.s32 $0x0;
	[tilespmem:v4+s3+$0x0] =	vst.idx.add.f32.msk $0xffff, v8  }
.LBB2_12:
0xc8: {  	v3 =	vld [tilespmem:s21+$0x20];
	s20 =	sadd.s32 $0x5, s20;
	v4 =	vmov v2  }
0xc9: {  	v5 =	vld [tilespmem:s21+$0xFFFFFFF0];
	p0 =	slt.u32 s20, $0xF5  }
0xca: {  	s15 =	sadd.s32 $0x50, s15;
	v6 =	vld [tilespmem:s21+$0x0]  }
0xcb: {  	v2 =	vld [tilespmem:s15+$0x20]  }
0xcc: {  	v7 =	vld [tilespmem:s21+$0x10]  }
0xcd: {  	v8 =	vld [tilespmem:s21+$0xFFFFFFE0]  }
0xce: {  	v9 =	vld [tilespmem:s15+$0xFFFFFFE0]  }
0xcf: {  	v10 =	vld [tilespmem:s15+$0xFFFFFFF0]  }
0xd0: {  	[tilespmem:v3+s3+$0x0] =	vst.idx.add.f32.msk $0xffff, v2  }
0xd1: {  	v3 =	vld [tilespmem:s15+$0x0]  }
.Ltmp5:
0xd2: {  	v2 =	vld [tilespmem:s15+$0x10];
	(pc) =	sbr.rel @p0 .LBB2_12-.Ltmp5, $4  }
0xd3: {  	[tilespmem:v1+s3+$0x0] =	vst.idx.add.f32.msk $0xffff, v4;
	v1 =	vmov v7  }
0xd4: {  	[tilespmem:v5+s3+$0x0] =	vst.idx.add.f32.msk $0xffff, v10  }
0xd5: {  	[tilespmem:v8+s3+$0x0] =	vst.idx.add.f32.msk $0xffff, v9  }
0xd6: {  	s21 =	sadd.s32 $0x50, s21;
	[tilespmem:v6+s3+$0x0] =	vst.idx.add.f32.msk $0xffff, v3  }
0xd7: {  	_ =	sdelay $0x3  }
0xd8: {  	[tilespmem:v1+s3+$0x0] =	vst.idx.add.f32.msk $0xffff, v2  }
0xd9: {  	_ =	swait.ge [sflag:s8], $0xFA0  }
0xda: {  	[sflag:s8] =	ssyncset.done $0x0  }
0xdb: {  	[sflag:s8] =	ssyncadd.s32 $0xFFFFF060  }
0xdc: {  	_ =	swait.ge [sflag:s8], $0xFA0  }
0xdd: {  	[sflag:s8] =	ssyncset.done $0x0  }
0xde: {  	s20 =	simm.s32 $0xC420;
	[sflag:s8] =	ssyncadd.s32 $0xFFFFF060  }
0xdf: {  	v1 =	vld [tilespmem:s20+$0x20]  }
0xe0: {  	s15 =	simm.s32 $0xE420;
	v3 =	vld [tilespmem:s20+$0xFFFFFFF0]  }
0xe1: {  	v2 =	vld [tilespmem:s15+$0x20]  }
0xe2: {  	v4 =	vld [tilespmem:s20+$0x0]  }
0xe3: {  	v5 =	vld [tilespmem:s20+$0xFFFFFFE0]  }
0xe4: {  	v6 =	vld [tilespmem:s15+$0xFFFFFFE0]  }
0xe5: {  	v7 =	vld [tilespmem:s15+$0xFFFFFFF0]  }
0xe6: {  	v8 =	vld [tilespmem:s15+$0x0]  }
0xe7: {  	[tilespmem:v1+s3+$0x0] =	vst.idx.add.f32.msk $0xffff, v2  }
0xe8: {  	v2 =	vld [tilespmem:s15+$0x10]  }
0xe9: {  	v1 =	vld [tilespmem:s20+$0x10]  }
0xea: {  	[tilespmem:v3+s3+$0x0] =	vst.idx.add.f32.msk $0xffff, v7  }
0xeb: {  	[tilespmem:v5+s3+$0x0] =	vst.idx.add.f32.msk $0xffff, v6  }
0xec: {  	s21 =	simm.s32 $0xC470;
	s20 =	simm.s32 $0x0;
	[tilespmem:v4+s3+$0x0] =	vst.idx.add.f32.msk $0xffff, v8  }
.LBB2_14:
0xed: {  	v3 =	vld [tilespmem:s21+$0x20];
	s20 =	sadd.s32 $0x5, s20;
	v4 =	vmov v2  }
0xee: {  	v5 =	vld [tilespmem:s21+$0xFFFFFFF0];
	p0 =	slt.u32 s20, $0xF5  }
0xef: {  	s15 =	sadd.s32 $0x50, s15;
	v6 =	vld [tilespmem:s21+$0x0]  }
0xf0: {  	v2 =	vld [tilespmem:s15+$0x20]  }
0xf1: {  	v7 =	vld [tilespmem:s21+$0x10]  }
0xf2: {  	v8 =	vld [tilespmem:s21+$0xFFFFFFE0]  }
0xf3: {  	v9 =	vld [tilespmem:s15+$0xFFFFFFE0]  }
0xf4: {  	v10 =	vld [tilespmem:s15+$0xFFFFFFF0]  }
0xf5: {  	[tilespmem:v3+s3+$0x0] =	vst.idx.add.f32.msk $0xffff, v2  }
0xf6: {  	v3 =	vld [tilespmem:s15+$0x0]  }
.Ltmp6:
0xf7: {  	v2 =	vld [tilespmem:s15+$0x10];
	(pc) =	sbr.rel @p0 .LBB2_14-.Ltmp6, $4  }
0xf8: {  	[tilespmem:v1+s3+$0x0] =	vst.idx.add.f32.msk $0xffff, v4;
	v1 =	vmov v7  }
0xf9: {  	[tilespmem:v5+s3+$0x0] =	vst.idx.add.f32.msk $0xffff, v10  }
0xfa: {  	[tilespmem:v8+s3+$0x0] =	vst.idx.add.f32.msk $0xffff, v9  }
0xfb: {  	s21 =	sadd.s32 $0x50, s21;
	[tilespmem:v6+s3+$0x0] =	vst.idx.add.f32.msk $0xffff, v3  }
0xfc: {  	_ =	sdelay $0x3  }
0xfd: {  	[tilespmem:v1+s3+$0x0] =	vst.idx.add.f32.msk $0xffff, v2  }
0xfe: {  	s15 =	simm.s32 $0x0;
	s20 =	rddreg [dreg:$0xa]  }
0xff: {  	[spmem:s20] =	stream.linear.scatter [tilespmem:s15], [sflag:$0x5], $0xC400, $0x38;
	[tilespmem:$0x1ED80] =	vst v63  }
0x100: {  	_ =	swait.ge [sflag:s12], $0xC400  }
0x101: {  	[sflag:s12] =	ssyncset.done $0x0  }
0x102: {  	[sflag:s12] =	ssyncadd.s32 $0xFFFF3C00  }
0x103: {  	[bflag:$0x0] =	sbarrier.arrive $0xFFFF  }
0x104: {  	s21 =	rddreg [dreg:$0xb]  }
0x105: {  	[tilespmem:s13], [sflag:$0x4] =	stream.linear.gather [spmem:s21], $0xC40, $0x38;
	[tilespmem:$0x1ED80] =	vst v63  }
0x106: {  	_ = 	snop  }
0x107: {  	[tilespmem:s22], [sflag:$0x5] =	stream.linear.gather [spmem:s14], $0xC40, $0x38;
	[tilespmem:$0x1ED80] =	vst v63  }
0x108: {  	_ =	swait.ge [sflag:s12], $0xC40  }
0x109: {  	[sflag:s12] =	ssyncset.done $0x0  }
0x10a: {  	[sflag:s12] =	ssyncadd.s32 $0xFFFFF3C0  }
0x10b: {  	_ =	swait.ge [sflag:s16], $0xC40  }
0x10c: {  	[sflag:s16] =	ssyncset.done $0x0  }
0x10d: {  	s15 =	simm.s32 $0x0;
	s23 =	rddreg [dreg:$0xc];
	[sflag:s16] =	ssyncadd.s32 $0xFFFFF3C0  }
0x10e: {  	[tilespmem:s17], [sflag:$0x3] =	stream.linear.gather [spmem:s23], $0xC40, $0x38;
	[tilespmem:$0x1ED80] =	vst v63  }
0x10f: {  	v6 =	vld [tilespmem:s15+$0x11080]  }
0x110: {  	v7 =	vld [tilespmem:s15+$0x11090]  }
0x111: {  	v2 =	vld [tilespmem:s15+$0x110A0]  }
0x112: {  	v1 =	vld [tilespmem:s15+$0x110B0]  }
0x113: {  	v3 =	vld [tilespmem:s15+$0x11D00]  }
0x114: {  	v5 =	vld [tilespmem:s15+$0x11D10]  }
0x115: {  	s20 =	simm.s32 $0x100;
	v4 =	vld [tilespmem:s15+$0x11D20]  }
.LBB2_16:
0x116: {  	s21 =	sshra.s32 s20, $0x2;
	p0 =	sne.s32 s20, $0x3000;
	v8 =	vld [tilespmem:s15+$0x11D30];
	v9 =	vmov v2  }
0x117: {  	v10 =	vld [tilespmem:s21+$0x11080];
	v11 =	vmov v1  }
0x118: {  	v12 =	vld [tilespmem:s21+$0x11090];
	v3 =	vadd.f32 v6, v3  }
.Ltmp7:
0x119: {  	v2 =	vld [tilespmem:s21+$0x110A0];
	v5 =	vadd.f32 v7, v5;
	(pc) =	sbr.rel @p0 .LBB2_16-.Ltmp7, $4  }
0x11a: {  	v1 =	vld [tilespmem:s21+$0x110B0];
	[tilespmem:s15+$0x11D00] =	vst v3;
	v4 =	vadd.f32 v9, v4  }
0x11b: {  	v3 =	vld [tilespmem:s21+$0x11D00];
	[tilespmem:s15+$0x11D10] =	vst v5;
	v8 =	vadd.f32 v11, v8  }
0x11c: {  	v5 =	vld [tilespmem:s21+$0x11D10];
	[tilespmem:s15+$0x11D20] =	vst v4;
	v6 =	vmov v10  }
0x11d: {  	s20 =	sadd.s32 $0x100, s20;
	v4 =	vld [tilespmem:s21+$0x11D20];
	[tilespmem:s15+$0x11D30] =	vst v8;
	v7 =	vmov v12;
	s15 =	smov.u32 s21  }
0x11e: {  	v8 =	vld [tilespmem:s15+$0x11D30];
	_ =	sdelay $0x1  }
0x11f: {  	v3 =	vadd.f32 v6, v3  }
0x120: {  	v5 =	vadd.f32 v7, v5  }
0x121: {  	[tilespmem:s15+$0x11D00] =	vst v3;
	v2 =	vadd.f32 v2, v4  }
0x122: {  	[tilespmem:s15+$0x11D10] =	vst v5;
	v1 =	vadd.f32 v1, v8  }
0x123: {  	[tilespmem:s15+$0x11D20] =	vst v2  }
0x124: {  	[tilespmem:s15+$0x11D30] =	vst v1  }
0x125: {  	_ =	swait.ge [sflag:s18], $0xC40  }
0x126: {  	[sflag:s18] =	ssyncset.done $0x0  }
0x127: {  	s15 =	simm.s32 $0x0;
	s23 =	rddreg [dreg:$0xd];
	[sflag:s18] =	ssyncadd.s32 $0xFFFFF3C0  }
0x128: {  	[tilespmem:s13], [sflag:$0x4] =	stream.linear.gather [spmem:s23], $0xC40, $0x38;
	[tilespmem:$0x1ED80] =	vst v63  }
0x129: {  	v6 =	vld [tilespmem:s15+$0x10400]  }
0x12a: {  	v7 =	vld [tilespmem:s15+$0x10410]  }
0x12b: {  	v2 =	vld [tilespmem:s15+$0x10420]  }
0x12c: {  	v1 =	vld [tilespmem:s15+$0x10430]  }
0x12d: {  	v3 =	vld [tilespmem:s15+$0x11D00]  }
0x12e: {  	v5 =	vld [tilespmem:s15+$0x11D10]  }
0x12f: {  	s20 =	simm.s32 $0x100;
	v4 =	vld [tilespmem:s15+$0x11D20]  }
.LBB2_18:
0x130: {  	s21 =	sshra.s32 s20, $0x2;
	p0 =	sne.s32 s20, $0x3000;
	v8 =	vld [tilespmem:s15+$0x11D30];
	v9 =	vmov v2  }
0x131: {  	v10 =	vld [tilespmem:s21+$0x10400];
	v11 =	vmov v1  }
0x132: {  	v12 =	vld [tilespmem:s21+$0x10410];
	v3 =	vadd.f32 v6, v3  }
.Ltmp8:
0x133: {  	v2 =	vld [tilespmem:s21+$0x10420];
	v5 =	vadd.f32 v7, v5;
	(pc) =	sbr.rel @p0 .LBB2_18-.Ltmp8, $4  }
0x134: {  	v1 =	vld [tilespmem:s21+$0x10430];
	[tilespmem:s15+$0x11D00] =	vst v3;
	v4 =	vadd.f32 v9, v4  }
0x135: {  	v3 =	vld [tilespmem:s21+$0x11D00];
	[tilespmem:s15+$0x11D10] =	vst v5;
	v8 =	vadd.f32 v11, v8  }
0x136: {  	v5 =	vld [tilespmem:s21+$0x11D10];
	[tilespmem:s15+$0x11D20] =	vst v4;
	v6 =	vmov v10  }
0x137: {  	s20 =	sadd.s32 $0x100, s20;
	v4 =	vld [tilespmem:s21+$0x11D20];
	[tilespmem:s15+$0x11D30] =	vst v8;
	v7 =	vmov v12;
	s15 =	smov.u32 s21  }
0x138: {  	v8 =	vld [tilespmem:s15+$0x11D30];
	_ =	sdelay $0x1  }
0x139: {  	v3 =	vadd.f32 v6, v3  }
0x13a: {  	v5 =	vadd.f32 v7, v5  }
0x13b: {  	[tilespmem:s15+$0x11D00] =	vst v3;
	v2 =	vadd.f32 v2, v4  }
0x13c: {  	[tilespmem:s15+$0x11D10] =	vst v5;
	v1 =	vadd.f32 v1, v8  }
0x13d: {  	[tilespmem:s15+$0x11D20] =	vst v2  }
0x13e: {  	[tilespmem:s15+$0x11D30] =	vst v1  }
0x13f: {  	_ =	swait.ge [sflag:s16], $0xC40  }
0x140: {  	[sflag:s16] =	ssyncset.done $0x0  }
0x141: {  	s15 =	simm.s32 $0x0;
	s23 =	rddreg [dreg:$0xe];
	[sflag:s16] =	ssyncadd.s32 $0xFFFFF3C0  }
0x142: {  	[tilespmem:s17], [sflag:$0x3] =	stream.linear.gather [spmem:s23], $0xC40, $0x38;
	[tilespmem:$0x1ED80] =	vst v63  }
0x143: {  	v6 =	vld [tilespmem:s15+$0x11080]  }
0x144: {  	v7 =	vld [tilespmem:s15+$0x11090]  }
0x145: {  	v2 =	vld [tilespmem:s15+$0x110A0]  }
0x146: {  	v1 =	vld [tilespmem:s15+$0x110B0]  }
0x147: {  	v3 =	vld [tilespmem:s15+$0x11D00]  }
0x148: {  	v5 =	vld [tilespmem:s15+$0x11D10]  }
0x149: {  	s20 =	simm.s32 $0x100;
	v4 =	vld [tilespmem:s15+$0x11D20]  }
.LBB2_20:
0x14a: {  	s21 =	sshra.s32 s20, $0x2;
	p0 =	sne.s32 s20, $0x3000;
	v8 =	vld [tilespmem:s15+$0x11D30];
	v9 =	vmov v2  }
0x14b: {  	v10 =	vld [tilespmem:s21+$0x11080];
	v11 =	vmov v1  }
0x14c: {  	v12 =	vld [tilespmem:s21+$0x11090];
	v3 =	vadd.f32 v6, v3  }
.Ltmp9:
0x14d: {  	v2 =	vld [tilespmem:s21+$0x110A0];
	v5 =	vadd.f32 v7, v5;
	(pc) =	sbr.rel @p0 .LBB2_20-.Ltmp9, $4  }
0x14e: {  	v1 =	vld [tilespmem:s21+$0x110B0];
	[tilespmem:s15+$0x11D00] =	vst v3;
	v4 =	vadd.f32 v9, v4  }
0x14f: {  	v3 =	vld [tilespmem:s21+$0x11D00];
	[tilespmem:s15+$0x11D10] =	vst v5;
	v8 =	vadd.f32 v11, v8  }
0x150: {  	v5 =	vld [tilespmem:s21+$0x11D10];
	[tilespmem:s15+$0x11D20] =	vst v4;
	v6 =	vmov v10  }
0x151: {  	s20 =	sadd.s32 $0x100, s20;
	v4 =	vld [tilespmem:s21+$0x11D20];
	[tilespmem:s15+$0x11D30] =	vst v8;
	v7 =	vmov v12;
	s15 =	smov.u32 s21  }
0x152: {  	v8 =	vld [tilespmem:s15+$0x11D30];
	_ =	sdelay $0x1  }
0x153: {  	v3 =	vadd.f32 v6, v3  }
0x154: {  	v5 =	vadd.f32 v7, v5  }
0x155: {  	[tilespmem:s15+$0x11D00] =	vst v3;
	v2 =	vadd.f32 v2, v4  }
0x156: {  	[tilespmem:s15+$0x11D10] =	vst v5;
	v1 =	vadd.f32 v1, v8  }
0x157: {  	[tilespmem:s15+$0x11D20] =	vst v2  }
0x158: {  	[tilespmem:s15+$0x11D30] =	vst v1  }
0x159: {  	_ =	swait.ge [sflag:s18], $0xC40  }
0x15a: {  	[sflag:s18] =	ssyncset.done $0x0  }
0x15b: {  	s15 =	simm.s32 $0x0;
	s23 =	rddreg [dreg:$0xf];
	[sflag:s18] =	ssyncadd.s32 $0xFFFFF3C0  }
0x15c: {  	[tilespmem:s13], [sflag:$0x4] =	stream.linear.gather [spmem:s23], $0xC40, $0x38;
	[tilespmem:$0x1ED80] =	vst v63  }
0x15d: {  	v6 =	vld [tilespmem:s15+$0x10400]  }
0x15e: {  	v7 =	vld [tilespmem:s15+$0x10410]  }
0x15f: {  	v2 =	vld [tilespmem:s15+$0x10420]  }
0x160: {  	v1 =	vld [tilespmem:s15+$0x10430]  }
0x161: {  	v3 =	vld [tilespmem:s15+$0x11D00]  }
0x162: {  	v5 =	vld [tilespmem:s15+$0x11D10]  }
0x163: {  	s20 =	simm.s32 $0x100;
	v4 =	vld [tilespmem:s15+$0x11D20]  }
.LBB2_22:
0x164: {  	s21 =	sshra.s32 s20, $0x2;
	p0 =	sne.s32 s20, $0x3000;
	v8 =	vld [tilespmem:s15+$0x11D30];
	v9 =	vmov v2  }
0x165: {  	v10 =	vld [tilespmem:s21+$0x10400];
	v11 =	vmov v1  }
0x166: {  	v12 =	vld [tilespmem:s21+$0x10410];
	v3 =	vadd.f32 v6, v3  }
.Ltmp10:
0x167: {  	v2 =	vld [tilespmem:s21+$0x10420];
	v5 =	vadd.f32 v7, v5;
	(pc) =	sbr.rel @p0 .LBB2_22-.Ltmp10, $4  }
0x168: {  	v1 =	vld [tilespmem:s21+$0x10430];
	[tilespmem:s15+$0x11D00] =	vst v3;
	v4 =	vadd.f32 v9, v4  }
0x169: {  	v3 =	vld [tilespmem:s21+$0x11D00];
	[tilespmem:s15+$0x11D10] =	vst v5;
	v8 =	vadd.f32 v11, v8  }
0x16a: {  	v5 =	vld [tilespmem:s21+$0x11D10];
	[tilespmem:s15+$0x11D20] =	vst v4;
	v6 =	vmov v10  }
0x16b: {  	s20 =	sadd.s32 $0x100, s20;
	v4 =	vld [tilespmem:s21+$0x11D20];
	[tilespmem:s15+$0x11D30] =	vst v8;
	v7 =	vmov v12;
	s15 =	smov.u32 s21  }
0x16c: {  	v8 =	vld [tilespmem:s15+$0x11D30];
	_ =	sdelay $0x1  }
0x16d: {  	v3 =	vadd.f32 v6, v3  }
0x16e: {  	v5 =	vadd.f32 v7, v5  }
0x16f: {  	[tilespmem:s15+$0x11D00] =	vst v3;
	v2 =	vadd.f32 v2, v4  }
0x170: {  	[tilespmem:s15+$0x11D10] =	vst v5;
	v1 =	vadd.f32 v1, v8  }
0x171: {  	[tilespmem:s15+$0x11D20] =	vst v2  }
0x172: {  	[tilespmem:s15+$0x11D30] =	vst v1  }
0x173: {  	_ =	swait.ge [sflag:s16], $0xC40  }
0x174: {  	[sflag:s16] =	ssyncset.done $0x0  }
0x175: {  	s15 =	simm.s32 $0x0;
	s23 =	rddreg [dreg:$0x10];
	[sflag:s16] =	ssyncadd.s32 $0xFFFFF3C0  }
0x176: {  	[tilespmem:s17], [sflag:$0x3] =	stream.linear.gather [spmem:s23], $0xC40, $0x38;
	[tilespmem:$0x1ED80] =	vst v63  }
0x177: {  	v6 =	vld [tilespmem:s15+$0x11080]  }
0x178: {  	v7 =	vld [tilespmem:s15+$0x11090]  }
0x179: {  	v2 =	vld [tilespmem:s15+$0x110A0]  }
0x17a: {  	v1 =	vld [tilespmem:s15+$0x110B0]  }
0x17b: {  	v3 =	vld [tilespmem:s15+$0x11D00]  }
0x17c: {  	v5 =	vld [tilespmem:s15+$0x11D10]  }
0x17d: {  	s20 =	simm.s32 $0x100;
	v4 =	vld [tilespmem:s15+$0x11D20]  }
.LBB2_24:
0x17e: {  	s21 =	sshra.s32 s20, $0x2;
	p0 =	sne.s32 s20, $0x3000;
	v8 =	vld [tilespmem:s15+$0x11D30];
	v9 =	vmov v2  }
0x17f: {  	v10 =	vld [tilespmem:s21+$0x11080];
	v11 =	vmov v1  }
0x180: {  	v12 =	vld [tilespmem:s21+$0x11090];
	v3 =	vadd.f32 v6, v3  }
.Ltmp11:
0x181: {  	v2 =	vld [tilespmem:s21+$0x110A0];
	v5 =	vadd.f32 v7, v5;
	(pc) =	sbr.rel @p0 .LBB2_24-.Ltmp11, $4  }
0x182: {  	v1 =	vld [tilespmem:s21+$0x110B0];
	[tilespmem:s15+$0x11D00] =	vst v3;
	v4 =	vadd.f32 v9, v4  }
0x183: {  	v3 =	vld [tilespmem:s21+$0x11D00];
	[tilespmem:s15+$0x11D10] =	vst v5;
	v8 =	vadd.f32 v11, v8  }
0x184: {  	v5 =	vld [tilespmem:s21+$0x11D10];
	[tilespmem:s15+$0x11D20] =	vst v4;
	v6 =	vmov v10  }
0x185: {  	s20 =	sadd.s32 $0x100, s20;
	v4 =	vld [tilespmem:s21+$0x11D20];
	[tilespmem:s15+$0x11D30] =	vst v8;
	v7 =	vmov v12;
	s15 =	smov.u32 s21  }
0x186: {  	v8 =	vld [tilespmem:s15+$0x11D30];
	_ =	sdelay $0x1  }
0x187: {  	v3 =	vadd.f32 v6, v3  }
0x188: {  	v5 =	vadd.f32 v7, v5  }
0x189: {  	[tilespmem:s15+$0x11D00] =	vst v3;
	v2 =	vadd.f32 v2, v4  }
0x18a: {  	[tilespmem:s15+$0x11D10] =	vst v5;
	v1 =	vadd.f32 v1, v8  }
0x18b: {  	[tilespmem:s15+$0x11D20] =	vst v2  }
0x18c: {  	[tilespmem:s15+$0x11D30] =	vst v1  }
0x18d: {  	_ =	swait.ge [sflag:s18], $0xC40  }
0x18e: {  	[sflag:s18] =	ssyncset.done $0x0  }
0x18f: {  	s15 =	simm.s32 $0x0;
	s23 =	rddreg [dreg:$0x11];
	[sflag:s18] =	ssyncadd.s32 $0xFFFFF3C0  }
0x190: {  	[tilespmem:s13], [sflag:$0x4] =	stream.linear.gather [spmem:s23], $0xC40, $0x38;
	[tilespmem:$0x1ED80] =	vst v63  }
0x191: {  	v6 =	vld [tilespmem:s15+$0x10400]  }
0x192: {  	v7 =	vld [tilespmem:s15+$0x10410]  }
0x193: {  	v2 =	vld [tilespmem:s15+$0x10420]  }
0x194: {  	v1 =	vld [tilespmem:s15+$0x10430]  }
0x195: {  	v3 =	vld [tilespmem:s15+$0x11D00]  }
0x196: {  	v5 =	vld [tilespmem:s15+$0x11D10]  }
0x197: {  	s20 =	simm.s32 $0x100;
	v4 =	vld [tilespmem:s15+$0x11D20]  }
.LBB2_26:
0x198: {  	s21 =	sshra.s32 s20, $0x2;
	p0 =	sne.s32 s20, $0x3000;
	v8 =	vld [tilespmem:s15+$0x11D30];
	v9 =	vmov v2  }
0x199: {  	v10 =	vld [tilespmem:s21+$0x10400];
	v11 =	vmov v1  }
0x19a: {  	v12 =	vld [tilespmem:s21+$0x10410];
	v3 =	vadd.f32 v6, v3  }
.Ltmp12:
0x19b: {  	v2 =	vld [tilespmem:s21+$0x10420];
	v5 =	vadd.f32 v7, v5;
	(pc) =	sbr.rel @p0 .LBB2_26-.Ltmp12, $4  }
0x19c: {  	v1 =	vld [tilespmem:s21+$0x10430];
	[tilespmem:s15+$0x11D00] =	vst v3;
	v4 =	vadd.f32 v9, v4  }
0x19d: {  	v3 =	vld [tilespmem:s21+$0x11D00];
	[tilespmem:s15+$0x11D10] =	vst v5;
	v8 =	vadd.f32 v11, v8  }
0x19e: {  	v5 =	vld [tilespmem:s21+$0x11D10];
	[tilespmem:s15+$0x11D20] =	vst v4;
	v6 =	vmov v10  }
0x19f: {  	s20 =	sadd.s32 $0x100, s20;
	v4 =	vld [tilespmem:s21+$0x11D20];
	[tilespmem:s15+$0x11D30] =	vst v8;
	v7 =	vmov v12;
	s15 =	smov.u32 s21  }
0x1a0: {  	v8 =	vld [tilespmem:s15+$0x11D30];
	_ =	sdelay $0x1  }
0x1a1: {  	v3 =	vadd.f32 v6, v3  }
0x1a2: {  	v5 =	vadd.f32 v7, v5  }
0x1a3: {  	[tilespmem:s15+$0x11D00] =	vst v3;
	v2 =	vadd.f32 v2, v4  }
0x1a4: {  	[tilespmem:s15+$0x11D10] =	vst v5;
	v1 =	vadd.f32 v1, v8  }
0x1a5: {  	[tilespmem:s15+$0x11D20] =	vst v2  }
0x1a6: {  	[tilespmem:s15+$0x11D30] =	vst v1  }
0x1a7: {  	_ =	swait.ge [sflag:s16], $0xC40  }
0x1a8: {  	[sflag:s16] =	ssyncset.done $0x0  }
0x1a9: {  	s15 =	simm.s32 $0x0;
	s23 =	rddreg [dreg:$0x12];
	[sflag:s16] =	ssyncadd.s32 $0xFFFFF3C0  }
0x1aa: {  	[tilespmem:s17], [sflag:$0x3] =	stream.linear.gather [spmem:s23], $0xC40, $0x38;
	[tilespmem:$0x1ED80] =	vst v63  }
0x1ab: {  	v6 =	vld [tilespmem:s15+$0x11080]  }
0x1ac: {  	v7 =	vld [tilespmem:s15+$0x11090]  }
0x1ad: {  	v2 =	vld [tilespmem:s15+$0x110A0]  }
0x1ae: {  	v1 =	vld [tilespmem:s15+$0x110B0]  }
0x1af: {  	v3 =	vld [tilespmem:s15+$0x11D00]  }
0x1b0: {  	v5 =	vld [tilespmem:s15+$0x11D10]  }
0x1b1: {  	s20 =	simm.s32 $0x100;
	v4 =	vld [tilespmem:s15+$0x11D20]  }
.LBB2_28:
0x1b2: {  	s21 =	sshra.s32 s20, $0x2;
	p0 =	sne.s32 s20, $0x3000;
	v8 =	vld [tilespmem:s15+$0x11D30];
	v9 =	vmov v2  }
0x1b3: {  	v10 =	vld [tilespmem:s21+$0x11080];
	v11 =	vmov v1  }
0x1b4: {  	v12 =	vld [tilespmem:s21+$0x11090];
	v3 =	vadd.f32 v6, v3  }
.Ltmp13:
0x1b5: {  	v2 =	vld [tilespmem:s21+$0x110A0];
	v5 =	vadd.f32 v7, v5;
	(pc) =	sbr.rel @p0 .LBB2_28-.Ltmp13, $4  }
0x1b6: {  	v1 =	vld [tilespmem:s21+$0x110B0];
	[tilespmem:s15+$0x11D00] =	vst v3;
	v4 =	vadd.f32 v9, v4  }
0x1b7: {  	v3 =	vld [tilespmem:s21+$0x11D00];
	[tilespmem:s15+$0x11D10] =	vst v5;
	v8 =	vadd.f32 v11, v8  }
0x1b8: {  	v5 =	vld [tilespmem:s21+$0x11D10];
	[tilespmem:s15+$0x11D20] =	vst v4;
	v6 =	vmov v10  }
0x1b9: {  	s20 =	sadd.s32 $0x100, s20;
	v4 =	vld [tilespmem:s21+$0x11D20];
	[tilespmem:s15+$0x11D30] =	vst v8;
	v7 =	vmov v12;
	s15 =	smov.u32 s21  }
0x1ba: {  	v8 =	vld [tilespmem:s15+$0x11D30];
	_ =	sdelay $0x1  }
0x1bb: {  	v3 =	vadd.f32 v6, v3  }
0x1bc: {  	v5 =	vadd.f32 v7, v5  }
0x1bd: {  	[tilespmem:s15+$0x11D00] =	vst v3;
	v2 =	vadd.f32 v2, v4  }
0x1be: {  	[tilespmem:s15+$0x11D10] =	vst v5;
	v1 =	vadd.f32 v1, v8  }
0x1bf: {  	[tilespmem:s15+$0x11D20] =	vst v2  }
0x1c0: {  	[tilespmem:s15+$0x11D30] =	vst v1  }
0x1c1: {  	_ =	swait.ge [sflag:s18], $0xC40  }
0x1c2: {  	[sflag:s18] =	ssyncset.done $0x0  }
0x1c3: {  	s15 =	simm.s32 $0x0;
	s23 =	rddreg [dreg:$0x13];
	[sflag:s18] =	ssyncadd.s32 $0xFFFFF3C0  }
0x1c4: {  	[tilespmem:s13], [sflag:$0x4] =	stream.linear.gather [spmem:s23], $0xC40, $0x38;
	[tilespmem:$0x1ED80] =	vst v63  }
0x1c5: {  	v6 =	vld [tilespmem:s15+$0x10400]  }
0x1c6: {  	v7 =	vld [tilespmem:s15+$0x10410]  }
0x1c7: {  	v2 =	vld [tilespmem:s15+$0x10420]  }
0x1c8: {  	v1 =	vld [tilespmem:s15+$0x10430]  }
0x1c9: {  	v3 =	vld [tilespmem:s15+$0x11D00]  }
0x1ca: {  	v5 =	vld [tilespmem:s15+$0x11D10]  }
0x1cb: {  	s20 =	simm.s32 $0x100;
	v4 =	vld [tilespmem:s15+$0x11D20]  }
.LBB2_30:
0x1cc: {  	s21 =	sshra.s32 s20, $0x2;
	p0 =	sne.s32 s20, $0x3000;
	v8 =	vld [tilespmem:s15+$0x11D30];
	v9 =	vmov v2  }
0x1cd: {  	v10 =	vld [tilespmem:s21+$0x10400];
	v11 =	vmov v1  }
0x1ce: {  	v12 =	vld [tilespmem:s21+$0x10410];
	v3 =	vadd.f32 v6, v3  }
.Ltmp14:
0x1cf: {  	v2 =	vld [tilespmem:s21+$0x10420];
	v5 =	vadd.f32 v7, v5;
	(pc) =	sbr.rel @p0 .LBB2_30-.Ltmp14, $4  }
0x1d0: {  	v1 =	vld [tilespmem:s21+$0x10430];
	[tilespmem:s15+$0x11D00] =	vst v3;
	v4 =	vadd.f32 v9, v4  }
0x1d1: {  	v3 =	vld [tilespmem:s21+$0x11D00];
	[tilespmem:s15+$0x11D10] =	vst v5;
	v8 =	vadd.f32 v11, v8  }
0x1d2: {  	v5 =	vld [tilespmem:s21+$0x11D10];
	[tilespmem:s15+$0x11D20] =	vst v4;
	v6 =	vmov v10  }
0x1d3: {  	s20 =	sadd.s32 $0x100, s20;
	v4 =	vld [tilespmem:s21+$0x11D20];
	[tilespmem:s15+$0x11D30] =	vst v8;
	v7 =	vmov v12;
	s15 =	smov.u32 s21  }
0x1d4: {  	v8 =	vld [tilespmem:s15+$0x11D30];
	_ =	sdelay $0x1  }
0x1d5: {  	v3 =	vadd.f32 v6, v3  }
0x1d6: {  	v5 =	vadd.f32 v7, v5  }
0x1d7: {  	[tilespmem:s15+$0x11D00] =	vst v3;
	v2 =	vadd.f32 v2, v4  }
0x1d8: {  	[tilespmem:s15+$0x11D10] =	vst v5;
	v1 =	vadd.f32 v1, v8  }
0x1d9: {  	[tilespmem:s15+$0x11D20] =	vst v2  }
0x1da: {  	[tilespmem:s15+$0x11D30] =	vst v1  }
0x1db: {  	_ =	swait.ge [sflag:s16], $0xC40  }
0x1dc: {  	[sflag:s16] =	ssyncset.done $0x0  }
0x1dd: {  	s15 =	simm.s32 $0x0;
	[sflag:s16] =	ssyncadd.s32 $0xFFFFF3C0  }
0x1de: {  	[tilespmem:s17], [sflag:$0x3] =	stream.linear.gather [spmem:s26], $0xC40, $0x38;
	[tilespmem:$0x1ED80] =	vst v63  }
0x1df: {  	v6 =	vld [tilespmem:s15+$0x11080]  }
0x1e0: {  	v7 =	vld [tilespmem:s15+$0x11090]  }
0x1e1: {  	v2 =	vld [tilespmem:s15+$0x110A0]  }
0x1e2: {  	v1 =	vld [tilespmem:s15+$0x110B0]  }
0x1e3: {  	v3 =	vld [tilespmem:s15+$0x11D00]  }
0x1e4: {  	v5 =	vld [tilespmem:s15+$0x11D10]  }
0x1e5: {  	s20 =	simm.s32 $0x100;
	v4 =	vld [tilespmem:s15+$0x11D20]  }
.LBB2_32:
0x1e6: {  	s21 =	sshra.s32 s20, $0x2;
	p0 =	sne.s32 s20, $0x3000;
	v8 =	vld [tilespmem:s15+$0x11D30];
	v9 =	vmov v2  }
0x1e7: {  	v10 =	vld [tilespmem:s21+$0x11080];
	v11 =	vmov v1  }
0x1e8: {  	v12 =	vld [tilespmem:s21+$0x11090];
	v3 =	vadd.f32 v6, v3  }
.Ltmp15:
0x1e9: {  	v2 =	vld [tilespmem:s21+$0x110A0];
	v5 =	vadd.f32 v7, v5;
	(pc) =	sbr.rel @p0 .LBB2_32-.Ltmp15, $4  }
0x1ea: {  	v1 =	vld [tilespmem:s21+$0x110B0];
	[tilespmem:s15+$0x11D00] =	vst v3;
	v4 =	vadd.f32 v9, v4  }
0x1eb: {  	v3 =	vld [tilespmem:s21+$0x11D00];
	[tilespmem:s15+$0x11D10] =	vst v5;
	v8 =	vadd.f32 v11, v8  }
0x1ec: {  	v5 =	vld [tilespmem:s21+$0x11D10];
	[tilespmem:s15+$0x11D20] =	vst v4;
	v6 =	vmov v10  }
0x1ed: {  	s20 =	sadd.s32 $0x100, s20;
	v4 =	vld [tilespmem:s21+$0x11D20];
	[tilespmem:s15+$0x11D30] =	vst v8;
	v7 =	vmov v12;
	s15 =	smov.u32 s21  }
0x1ee: {  	v8 =	vld [tilespmem:s15+$0x11D30];
	_ =	sdelay $0x1  }
0x1ef: {  	v3 =	vadd.f32 v6, v3  }
0x1f0: {  	v5 =	vadd.f32 v7, v5  }
0x1f1: {  	[tilespmem:s15+$0x11D00] =	vst v3;
	v2 =	vadd.f32 v2, v4  }
0x1f2: {  	[tilespmem:s15+$0x11D10] =	vst v5;
	v1 =	vadd.f32 v1, v8  }
0x1f3: {  	[tilespmem:s15+$0x11D20] =	vst v2  }
0x1f4: {  	[tilespmem:s15+$0x11D30] =	vst v1  }
0x1f5: {  	_ =	swait.ge [sflag:s18], $0xC40  }
0x1f6: {  	[sflag:s18] =	ssyncset.done $0x0  }
0x1f7: {  	s15 =	simm.s32 $0x0;
	[sflag:s18] =	ssyncadd.s32 $0xFFFFF3C0  }
0x1f8: {  	[tilespmem:s13], [sflag:$0x4] =	stream.linear.gather [spmem:s28], $0xC40, $0x38;
	[tilespmem:$0x1ED80] =	vst v63  }
0x1f9: {  	v6 =	vld [tilespmem:s15+$0x10400]  }
0x1fa: {  	v7 =	vld [tilespmem:s15+$0x10410]  }
0x1fb: {  	v2 =	vld [tilespmem:s15+$0x10420]  }
0x1fc: {  	v1 =	vld [tilespmem:s15+$0x10430]  }
0x1fd: {  	v3 =	vld [tilespmem:s15+$0x11D00]  }
0x1fe: {  	v5 =	vld [tilespmem:s15+$0x11D10]  }
0x1ff: {  	s20 =	simm.s32 $0x100;
	v4 =	vld [tilespmem:s15+$0x11D20]  }
.LBB2_34:
0x200: {  	s21 =	sshra.s32 s20, $0x2;
	p0 =	sne.s32 s20, $0x3000;
	v8 =	vld [tilespmem:s15+$0x11D30];
	v9 =	vmov v2  }
0x201: {  	v10 =	vld [tilespmem:s21+$0x10400];
	v11 =	vmov v1  }
0x202: {  	v12 =	vld [tilespmem:s21+$0x10410];
	v3 =	vadd.f32 v6, v3  }
.Ltmp16:
0x203: {  	v2 =	vld [tilespmem:s21+$0x10420];
	v5 =	vadd.f32 v7, v5;
	(pc) =	sbr.rel @p0 .LBB2_34-.Ltmp16, $4  }
0x204: {  	v1 =	vld [tilespmem:s21+$0x10430];
	[tilespmem:s15+$0x11D00] =	vst v3;
	v4 =	vadd.f32 v9, v4  }
0x205: {  	v3 =	vld [tilespmem:s21+$0x11D00];
	[tilespmem:s15+$0x11D10] =	vst v5;
	v8 =	vadd.f32 v11, v8  }
0x206: {  	v5 =	vld [tilespmem:s21+$0x11D10];
	[tilespmem:s15+$0x11D20] =	vst v4;
	v6 =	vmov v10  }
0x207: {  	s20 =	sadd.s32 $0x100, s20;
	v4 =	vld [tilespmem:s21+$0x11D20];
	[tilespmem:s15+$0x11D30] =	vst v8;
	v7 =	vmov v12;
	s15 =	smov.u32 s21  }
0x208: {  	v8 =	vld [tilespmem:s15+$0x11D30];
	_ =	sdelay $0x1  }
0x209: {  	v3 =	vadd.f32 v6, v3  }
0x20a: {  	v5 =	vadd.f32 v7, v5  }
0x20b: {  	[tilespmem:s15+$0x11D00] =	vst v3;
	v2 =	vadd.f32 v2, v4  }
0x20c: {  	[tilespmem:s15+$0x11D10] =	vst v5;
	v1 =	vadd.f32 v1, v8  }
0x20d: {  	[tilespmem:s15+$0x11D20] =	vst v2  }
0x20e: {  	[tilespmem:s15+$0x11D30] =	vst v1  }
0x20f: {  	_ =	swait.ge [sflag:s16], $0xC40  }
0x210: {  	[sflag:s16] =	ssyncset.done $0x0  }
0x211: {  	s15 =	simm.s32 $0x0;
	[sflag:s16] =	ssyncadd.s32 $0xFFFFF3C0  }
0x212: {  	[tilespmem:s17], [sflag:$0x3] =	stream.linear.gather [spmem:s29], $0xC40, $0x38;
	[tilespmem:$0x1ED80] =	vst v63  }
0x213: {  	v6 =	vld [tilespmem:s15+$0x11080]  }
0x214: {  	v7 =	vld [tilespmem:s15+$0x11090]  }
0x215: {  	v2 =	vld [tilespmem:s15+$0x110A0]  }
0x216: {  	v1 =	vld [tilespmem:s15+$0x110B0]  }
0x217: {  	v3 =	vld [tilespmem:s15+$0x11D00]  }
0x218: {  	v5 =	vld [tilespmem:s15+$0x11D10]  }
0x219: {  	s20 =	simm.s32 $0x100;
	v4 =	vld [tilespmem:s15+$0x11D20]  }
.LBB2_36:
0x21a: {  	s21 =	sshra.s32 s20, $0x2;
	p0 =	sne.s32 s20, $0x3000;
	v8 =	vld [tilespmem:s15+$0x11D30];
	v9 =	vmov v2  }
0x21b: {  	v10 =	vld [tilespmem:s21+$0x11080];
	v11 =	vmov v1  }
0x21c: {  	v12 =	vld [tilespmem:s21+$0x11090];
	v3 =	vadd.f32 v6, v3  }
.Ltmp17:
0x21d: {  	v2 =	vld [tilespmem:s21+$0x110A0];
	v5 =	vadd.f32 v7, v5;
	(pc) =	sbr.rel @p0 .LBB2_36-.Ltmp17, $4  }
0x21e: {  	v1 =	vld [tilespmem:s21+$0x110B0];
	[tilespmem:s15+$0x11D00] =	vst v3;
	v4 =	vadd.f32 v9, v4  }
0x21f: {  	v3 =	vld [tilespmem:s21+$0x11D00];
	[tilespmem:s15+$0x11D10] =	vst v5;
	v8 =	vadd.f32 v11, v8  }
0x220: {  	v5 =	vld [tilespmem:s21+$0x11D10];
	[tilespmem:s15+$0x11D20] =	vst v4;
	v6 =	vmov v10  }
0x221: {  	s20 =	sadd.s32 $0x100, s20;
	v4 =	vld [tilespmem:s21+$0x11D20];
	[tilespmem:s15+$0x11D30] =	vst v8;
	v7 =	vmov v12;
	s15 =	smov.u32 s21  }
0x222: {  	v8 =	vld [tilespmem:s15+$0x11D30];
	_ =	sdelay $0x1  }
0x223: {  	v3 =	vadd.f32 v6, v3  }
0x224: {  	v5 =	vadd.f32 v7, v5  }
0x225: {  	[tilespmem:s15+$0x11D00] =	vst v3;
	v2 =	vadd.f32 v2, v4  }
0x226: {  	[tilespmem:s15+$0x11D10] =	vst v5;
	v1 =	vadd.f32 v1, v8  }
0x227: {  	[tilespmem:s15+$0x11D20] =	vst v2  }
0x228: {  	[tilespmem:s15+$0x11D30] =	vst v1  }
0x229: {  	_ =	swait.ge [sflag:s18], $0xC40  }
0x22a: {  	[sflag:s18] =	ssyncset.done $0x0  }
0x22b: {  	s15 =	simm.s32 $0x0;
	[sflag:s18] =	ssyncadd.s32 $0xFFFFF3C0  }
0x22c: {  	[tilespmem:s13], [sflag:$0x4] =	stream.linear.gather [spmem:s30], $0xC40, $0x38;
	[tilespmem:$0x1ED80] =	vst v63  }
0x22d: {  	v6 =	vld [tilespmem:s15+$0x10400]  }
0x22e: {  	v7 =	vld [tilespmem:s15+$0x10410]  }
0x22f: {  	v2 =	vld [tilespmem:s15+$0x10420]  }
0x230: {  	v1 =	vld [tilespmem:s15+$0x10430]  }
0x231: {  	v3 =	vld [tilespmem:s15+$0x11D00]  }
0x232: {  	v5 =	vld [tilespmem:s15+$0x11D10]  }
0x233: {  	s20 =	simm.s32 $0x100;
	v4 =	vld [tilespmem:s15+$0x11D20]  }
.LBB2_38:
0x234: {  	s21 =	sshra.s32 s20, $0x2;
	p0 =	sne.s32 s20, $0x3000;
	v8 =	vld [tilespmem:s15+$0x11D30];
	v9 =	vmov v2  }
0x235: {  	v10 =	vld [tilespmem:s21+$0x10400];
	v11 =	vmov v1  }
0x236: {  	v12 =	vld [tilespmem:s21+$0x10410];
	v3 =	vadd.f32 v6, v3  }
.Ltmp18:
0x237: {  	v2 =	vld [tilespmem:s21+$0x10420];
	v5 =	vadd.f32 v7, v5;
	(pc) =	sbr.rel @p0 .LBB2_38-.Ltmp18, $4  }
0x238: {  	v1 =	vld [tilespmem:s21+$0x10430];
	[tilespmem:s15+$0x11D00] =	vst v3;
	v4 =	vadd.f32 v9, v4  }
0x239: {  	v3 =	vld [tilespmem:s21+$0x11D00];
	[tilespmem:s15+$0x11D10] =	vst v5;
	v8 =	vadd.f32 v11, v8  }
0x23a: {  	v5 =	vld [tilespmem:s21+$0x11D10];
	[tilespmem:s15+$0x11D20] =	vst v4;
	v6 =	vmov v10  }
0x23b: {  	s20 =	sadd.s32 $0x100, s20;
	v4 =	vld [tilespmem:s21+$0x11D20];
	[tilespmem:s15+$0x11D30] =	vst v8;
	v7 =	vmov v12;
	s15 =	smov.u32 s21  }
0x23c: {  	v8 =	vld [tilespmem:s15+$0x11D30];
	_ =	sdelay $0x1  }
0x23d: {  	v3 =	vadd.f32 v6, v3  }
0x23e: {  	v5 =	vadd.f32 v7, v5  }
0x23f: {  	[tilespmem:s15+$0x11D00] =	vst v3;
	v2 =	vadd.f32 v2, v4  }
0x240: {  	[tilespmem:s15+$0x11D10] =	vst v5;
	v1 =	vadd.f32 v1, v8  }
0x241: {  	[tilespmem:s15+$0x11D20] =	vst v2  }
0x242: {  	[tilespmem:s15+$0x11D30] =	vst v1  }
0x243: {  	_ =	swait.ge [sflag:s16], $0xC40  }
0x244: {  	[sflag:s16] =	ssyncset.done $0x0  }
0x245: {  	s15 =	simm.s32 $0x0;
	[sflag:s16] =	ssyncadd.s32 $0xFFFFF3C0  }
0x246: {  	[tilespmem:s17], [sflag:$0x3] =	stream.linear.gather [spmem:s31], $0xC40, $0x38;
	[tilespmem:$0x1ED80] =	vst v63  }
0x247: {  	v6 =	vld [tilespmem:s15+$0x11080]  }
0x248: {  	v7 =	vld [tilespmem:s15+$0x11090]  }
0x249: {  	v2 =	vld [tilespmem:s15+$0x110A0]  }
0x24a: {  	v1 =	vld [tilespmem:s15+$0x110B0]  }
0x24b: {  	v3 =	vld [tilespmem:s15+$0x11D00]  }
0x24c: {  	v5 =	vld [tilespmem:s15+$0x11D10]  }
0x24d: {  	s20 =	simm.s32 $0x100;
	v4 =	vld [tilespmem:s15+$0x11D20]  }
.LBB2_40:
0x24e: {  	s21 =	sshra.s32 s20, $0x2;
	p0 =	sne.s32 s20, $0x3000;
	v8 =	vld [tilespmem:s15+$0x11D30];
	v9 =	vmov v2  }
0x24f: {  	v10 =	vld [tilespmem:s21+$0x11080];
	v11 =	vmov v1  }
0x250: {  	v12 =	vld [tilespmem:s21+$0x11090];
	v3 =	vadd.f32 v6, v3  }
.Ltmp19:
0x251: {  	v2 =	vld [tilespmem:s21+$0x110A0];
	v5 =	vadd.f32 v7, v5;
	(pc) =	sbr.rel @p0 .LBB2_40-.Ltmp19, $4  }
0x252: {  	v1 =	vld [tilespmem:s21+$0x110B0];
	[tilespmem:s15+$0x11D00] =	vst v3;
	v4 =	vadd.f32 v9, v4  }
0x253: {  	v3 =	vld [tilespmem:s21+$0x11D00];
	[tilespmem:s15+$0x11D10] =	vst v5;
	v8 =	vadd.f32 v11, v8  }
0x254: {  	v5 =	vld [tilespmem:s21+$0x11D10];
	[tilespmem:s15+$0x11D20] =	vst v4;
	v6 =	vmov v10  }
0x255: {  	s20 =	sadd.s32 $0x100, s20;
	v4 =	vld [tilespmem:s21+$0x11D20];
	[tilespmem:s15+$0x11D30] =	vst v8;
	v7 =	vmov v12;
	s15 =	smov.u32 s21  }
0x256: {  	v8 =	vld [tilespmem:s15+$0x11D30];
	_ =	sdelay $0x1  }
0x257: {  	v3 =	vadd.f32 v6, v3  }
0x258: {  	v5 =	vadd.f32 v7, v5  }
0x259: {  	[tilespmem:s15+$0x11D00] =	vst v3;
	v2 =	vadd.f32 v2, v4  }
0x25a: {  	[tilespmem:s15+$0x11D10] =	vst v5;
	v1 =	vadd.f32 v1, v8  }
0x25b: {  	[tilespmem:s15+$0x11D20] =	vst v2  }
0x25c: {  	[tilespmem:s15+$0x11D30] =	vst v1  }
0x25d: {  	_ =	swait.ge [sflag:s18], $0xC40  }
0x25e: {  	[sflag:s18] =	ssyncset.done $0x0  }
0x25f: {  	s15 =	simm.s32 $0x0;
	[sflag:s18] =	ssyncadd.s32 $0xFFFFF3C0  }
0x260: {  	[tilespmem:s13], [sflag:$0x4] =	stream.linear.gather [spmem:s0], $0xC40, $0x38;
	[tilespmem:$0x1ED80] =	vst v63  }
0x261: {  	v6 =	vld [tilespmem:s15+$0x10400]  }
0x262: {  	v7 =	vld [tilespmem:s15+$0x10410]  }
0x263: {  	v2 =	vld [tilespmem:s15+$0x10420]  }
0x264: {  	v1 =	vld [tilespmem:s15+$0x10430]  }
0x265: {  	v3 =	vld [tilespmem:s15+$0x11D00]  }
0x266: {  	v5 =	vld [tilespmem:s15+$0x11D10]  }
0x267: {  	s20 =	simm.s32 $0x100;
	v4 =	vld [tilespmem:s15+$0x11D20]  }
.LBB2_42:
0x268: {  	s21 =	sshra.s32 s20, $0x2;
	p0 =	sne.s32 s20, $0x3000;
	v8 =	vld [tilespmem:s15+$0x11D30];
	v9 =	vmov v2  }
0x269: {  	v10 =	vld [tilespmem:s21+$0x10400];
	v11 =	vmov v1  }
0x26a: {  	v12 =	vld [tilespmem:s21+$0x10410];
	v3 =	vadd.f32 v6, v3  }
.Ltmp20:
0x26b: {  	v2 =	vld [tilespmem:s21+$0x10420];
	v5 =	vadd.f32 v7, v5;
	(pc) =	sbr.rel @p0 .LBB2_42-.Ltmp20, $4  }
0x26c: {  	v1 =	vld [tilespmem:s21+$0x10430];
	[tilespmem:s15+$0x11D00] =	vst v3;
	v4 =	vadd.f32 v9, v4  }
0x26d: {  	v3 =	vld [tilespmem:s21+$0x11D00];
	[tilespmem:s15+$0x11D10] =	vst v5;
	v8 =	vadd.f32 v11, v8  }
0x26e: {  	v5 =	vld [tilespmem:s21+$0x11D10];
	[tilespmem:s15+$0x11D20] =	vst v4;
	v6 =	vmov v10  }
0x26f: {  	s20 =	sadd.s32 $0x100, s20;
	v4 =	vld [tilespmem:s21+$0x11D20];
	[tilespmem:s15+$0x11D30] =	vst v8;
	v7 =	vmov v12;
	s15 =	smov.u32 s21  }
0x270: {  	v8 =	vld [tilespmem:s15+$0x11D30];
	_ =	sdelay $0x1  }
0x271: {  	v3 =	vadd.f32 v6, v3  }
0x272: {  	v5 =	vadd.f32 v7, v5  }
0x273: {  	[tilespmem:s15+$0x11D00] =	vst v3;
	v2 =	vadd.f32 v2, v4  }
0x274: {  	[tilespmem:s15+$0x11D10] =	vst v5;
	v1 =	vadd.f32 v1, v8  }
0x275: {  	[tilespmem:s15+$0x11D20] =	vst v2  }
0x276: {  	[tilespmem:s15+$0x11D30] =	vst v1  }
0x277: {  	_ =	swait.ge [sflag:s16], $0xC40  }
0x278: {  	[sflag:s16] =	ssyncset.done $0x0  }
0x279: {  	s15 =	simm.s32 $0x0;
	[sflag:s16] =	ssyncadd.s32 $0xFFFFF3C0  }
0x27a: {  	v6 =	vld [tilespmem:s15+$0x11080]  }
0x27b: {  	v7 =	vld [tilespmem:s15+$0x11090]  }
0x27c: {  	v2 =	vld [tilespmem:s15+$0x110A0]  }
0x27d: {  	v1 =	vld [tilespmem:s15+$0x110B0]  }
0x27e: {  	v3 =	vld [tilespmem:s15+$0x11D00]  }
0x27f: {  	v5 =	vld [tilespmem:s15+$0x11D10]  }
0x280: {  	s20 =	simm.s32 $0x100;
	v4 =	vld [tilespmem:s15+$0x11D20]  }
.LBB2_44:
0x281: {  	s21 =	sshra.s32 s20, $0x2;
	p0 =	sne.s32 s20, $0x3000;
	v8 =	vld [tilespmem:s15+$0x11D30];
	v9 =	vmov v2  }
0x282: {  	v10 =	vld [tilespmem:s21+$0x11080];
	v11 =	vmov v1  }
0x283: {  	v12 =	vld [tilespmem:s21+$0x11090];
	v3 =	vadd.f32 v6, v3  }
.Ltmp21:
0x284: {  	v2 =	vld [tilespmem:s21+$0x110A0];
	v5 =	vadd.f32 v7, v5;
	(pc) =	sbr.rel @p0 .LBB2_44-.Ltmp21, $4  }
0x285: {  	v1 =	vld [tilespmem:s21+$0x110B0];
	[tilespmem:s15+$0x11D00] =	vst v3;
	v4 =	vadd.f32 v9, v4  }
0x286: {  	v3 =	vld [tilespmem:s21+$0x11D00];
	[tilespmem:s15+$0x11D10] =	vst v5;
	v8 =	vadd.f32 v11, v8  }
0x287: {  	v5 =	vld [tilespmem:s21+$0x11D10];
	[tilespmem:s15+$0x11D20] =	vst v4;
	v6 =	vmov v10  }
0x288: {  	s20 =	sadd.s32 $0x100, s20;
	v4 =	vld [tilespmem:s21+$0x11D20];
	[tilespmem:s15+$0x11D30] =	vst v8;
	v7 =	vmov v12;
	s15 =	smov.u32 s21  }
0x289: {  	v8 =	vld [tilespmem:s15+$0x11D30];
	_ =	sdelay $0x1  }
0x28a: {  	v3 =	vadd.f32 v6, v3  }
0x28b: {  	v5 =	vadd.f32 v7, v5  }
0x28c: {  	[tilespmem:s15+$0x11D00] =	vst v3;
	v2 =	vadd.f32 v2, v4  }
0x28d: {  	s19 =	sadd.s32 $0x1, s19;
	[tilespmem:s15+$0x11D10] =	vst v5;
	v1 =	vadd.f32 v1, v8  }
0x28e: {  	p0 =	sne.s32 s19, s25;
	[tilespmem:s15+$0x11D20] =	vst v2  }
.Ltmp22:
0x28f: {  	[tilespmem:s15+$0x11D30] =	vst v1;
	(pc) =	sbr.rel @p0 .LBB2_1-.Ltmp22, $4  }
0x290: {  	[hbm4b:s24+s3] =	stream.linear.scatter [tilespmem:s22], [sflag:$0x5], $0xC40, $0x38;
	[tilespmem:$0x1ED80] =	vst v63  }
0x291: {  	_ =	swait.ge [sflag:s12], $0xC40  }
0x292: {  	[sflag:s12] =	ssyncset.done $0x0  }
0x293: {  	[sflag:s12] =	ssyncadd.s32 $0xFFFFF3C0  }
0x294: {  	_ =	sfence.sel $0x180000  }
0x295: {  	[bflag:$0x0] =	sbarrier.arrive $0xFFFF  }
0x296: {  	_ =	strace $0x90000047  }
0x297: {  	s0 =	stileid.u32;
	[bflag:$0x2] =	sbarrier.arrive $0xFFFF  }
0x298: {  	p0 =	sne.s32 s0, $0x0;
	s0 =	rddreg [dreg:$0x3]  }
0x299: {  	s0 =	sadd.s32 @!p0 $0x100000, s0  }
0x29a: {  	[sflag:s0] =	ssyncadd.tile.s32 @!p0 $0x1;
	_ =	shalt  }
.Lfunc_end2:
_tile_overlayer_lowered:
.L_overlay_start_2:
0x29b: {  	(tag) =	ssettag $0x2  }
0x29c: {  	s0 =	rddreg [dreg:$0x0];
	s2 =	stileid.u32  }
0x29d: {  	s1 =	rddreg [dreg:$0x1];
	p0 =	sne.s32 s2, $0x0  }
0x29e: {  	s3 =	rddreg [dreg:$0x2];
	[bflag:$0x3] =	sbarrier.arrive $0xFFFF;
	s2 =	simm.s32 @!p0 $0x1C05  }
0x29f: {  	[timem:s3], [sflag:s2] =	dma.local @!p0 [hbm:s0], s1  }
0x2a0: {  	s0 =	simm.s32 @!p0 $0x5  }
0x2a1: {  	_ =	swait.ge @!p0 [sflag:s0], s1  }
0x2a2: {  	s1 =	ssub.s32 @!p0 $0x0, s1;
	[sflag:s0] =	ssyncset.done @!p0 $0x0  }
0x2a3: {  	[sflag:s0] =	ssyncadd.s32 @!p0 s1  }
0x2a4: {  	[bflag:$0x3] =	sbarrier.arrive $0xFFFF  }
0x2a5: {  	_ =	shalt  }

// kernel: kernel.7.cloned.1.call-start
scs
__scs_entry_jumppad:
0x0: {  	(pc) =	sbr.rel $0x88, $3  }
0x1: {  	(tag) =	ssettag $0x0;
	lr =	simm.s32 $0x1  }
0x2: {  	[smem:$0x3F9F] =	sst lr;
	_ =	strace $0xD0000000  }
0x3: {  	_ = 	snop  }
0x4: {  	_ = 	snop  }
0x5: {  	_ = 	snop  }
0x6: {  	_ = 	snop  }
0x7: {  	_ = 	snop  }
__scs_overlays_trampoline_lowered:
0x8: {  	[smem:$0x3FAE] =	sst s0  }
0x9: {  	[smem:$0x3FAF] =	sst s1  }
0xa: {  	[smem:$0x3FB0] =	sst s2  }
0xb: {  	[smem:$0x3FB1] =	sst s3  }
0xc: {  	[smem:$0x3FB2] =	sst s4  }
0xd: {  	[smem:$0x3FB3] =	sst s5  }
0xe: {  	[smem:$0x3FB4] =	sst s6  }
0xf: {  	[smem:$0x3FB5] =	sst s7  }
0x10: {  	[smem:$0x3FB6] =	sst s8  }
0x11: {  	[smem:$0x3FB7] =	sst s9;
	s0 =	simm.s32 @!p0 $0x0  }
0x12: {  	s1 =	sld [smem:$0x3F9D];
	s0 =	simm.s32 @p0 $0x1  }
0x13: {  	[smem:$0x3FB8] =	sst s0;
	s0 =	simm.s32 @!p1 $0x0  }
0x14: {  	s2 =	sld [smem:$0x3F9C];
	s0 =	simm.s32 @p1 $0x1  }
0x15: {  	[smem:$0x3FB9] =	sst s0;
	s0 =	simm.s32 @!p2 $0x0  }
0x16: {  	s3 =	sld [smem:$0x3FDB];
	s0 =	simm.s32 @p2 $0x1  }
0x17: {  	s4 =	simm.s32 $0x1BF5;
	[smem:$0x3FBB] =	sst s0  }
0x18: {  	s0 =	sld [smem:$0x3F9E];
	_ =	swait.ge [sflag:s4], $0x0  }
0x19: {  	s7 =	sld [smem:$0x3F9F]  }
0x1a: {  	s8 =	sadd.s32 $0xFFFFE003, lr  }
0x1b: {  	s9 =	sadd.s32 $0xFFFFFEF7, lr;
	s5 =	simm.s32 $0xFFFFFFFF;
	p2 =	slt.u32 s8, $0xFFFFF086  }
0x1c: {  	p1 =	slt.u32 s9, $0xF7A;
	s5 =	simm.s32 @!p2 $0x0  }
0x1d: {  	s5 =	simm.s32 @p1 $0x1;
	p0 =	seq.s32 s7, s2  }
0x1e: {  	s7 =	smul.u32 @!p0 $0xF7A, s2;
	p2 =	seq.s32 @!p0 s5, $0x0  }
0x1f: {  	s9 =	smul.u32 $0xF7A, s1;
	s8 =	simm.s32 @!p0 $0x1BF5;
	p2 =	por !p2, p0  }
0x20: {  	[sflag:s8] =	ssyncset.s32 @!p0 $0xFFFFF086;
	s6 =	sadd.s32 @!p0 s3, s7;
	s7 =	simm.s32 @!p0 $0x108  }
0x21: {  	s3 =	sadd.s32 s3, s9;
	s6 =	sadd.s32 @!p0 $0x88, s6;
	s7 =	simm.s32 @p2 $0x1082  }
0x22: {  	[simem:s7], [sflag:s8] =	dma.local @!p0 [hbm:s6], $0xF7A  }
0x23: {  	s9 =	sor.u32 $0xD0000000, s2;
	s6 =	simm.s32 $0x108;
	_ =	swait.ge @!p0 [sflag:s8], $0x0  }
0x24: {  	s3 =	sadd.s32 $0x88, s3;
	s6 =	simm.s32 @!p1 $0x1082;
	[sflag:s4] =	ssyncset.s32 $0xFFFFF086  }
0x25: {  	[simem:s6], [sflag:s4] =	dma.local [hbm:s3], $0xF7A  }
0x26: {  	[smem:$0x3F9F] =	sst s1;
	(tag) =	ssettag s2;
	_ =	strace s9  }
0x27: {  	s1 =	sld [smem:$0x3FAF]  }
0x28: {  	s2 =	sld [smem:$0x3FB0]  }
0x29: {  	s4 =	sld [smem:$0x3FB2]  }
0x2a: {  	p0 =	seq.s32 s5, $0x0;
	s5 =	sld [smem:$0x3FB3]  }
0x2b: {  	s6 =	sld [smem:$0x3FB4]  }
0x2c: {  	s7 =	sld [smem:$0x3FB5]  }
0x2d: {  	s3 =	simm.s32 $0x108;
	s8 =	sld [smem:$0x3FB6]  }
0x2e: {  	s3 =	simm.s32 @!p0 $0x1082;
	s9 =	sld [smem:$0x3FB7]  }
0x2f: {  	lr =	sadd.s32 s0, s3;
	s0 =	sld [smem:$0x3FAE]  }
0x30: {  	s3 =	sld [smem:$0x3FB1]  }
0x31: {  	[smem:$0x3FBA] =	sst s10  }
0x32: {  	s10 =	sld [smem:$0x3FB8];
	_ =	sdelay $0x3  }
0x33: {  	p0 =	seq.s32 s10, $0x1;
	s10 =	sld [smem:$0x3FBA];
	_ =	sdelay $0x3  }
0x34: {  	[smem:$0x3FBA] =	sst s10  }
0x35: {  	s10 =	sld [smem:$0x3FB9];
	_ =	sdelay $0x3  }
0x36: {  	p1 =	seq.s32 s10, $0x1;
	s10 =	sld [smem:$0x3FBA];
	_ =	sdelay $0x3  }
0x37: {  	[smem:$0x3FBA] =	sst s10  }
0x38: {  	s10 =	sld [smem:$0x3FBB]  }
0x39: {  	_ = 	snop;
	(pc) =	sbr.ind lr, $3  }
0x3a: {  	_ = 	snop  }
0x3b: {  	_ = 	snop  }
0x3c: {  	p2 =	seq.s32 s10, $0x1;
	s10 =	sld [smem:$0x3FBA]  }
0x3d: {  	_ =	shalt  }
0x3e: {  	_ =	shalt  }
0x3f: {  	_ =	shalt  }
0x40: {  	_ =	shalt  }
0x41: {  	_ =	shalt  }
0x42: {  	_ =	shalt  }
0x43: {  	_ =	shalt  }
0x44: {  	_ =	shalt  }
0x45: {  	_ =	shalt  }
0x46: {  	_ =	shalt  }
0x47: {  	_ =	shalt  }
0x48: {  	_ =	shalt  }
0x49: {  	_ =	shalt  }
0x4a: {  	_ =	shalt  }
0x4b: {  	_ =	shalt  }
0x4c: {  	_ =	shalt  }
0x4d: {  	_ =	shalt  }
0x4e: {  	_ =	shalt  }
0x4f: {  	_ =	shalt  }
0x50: {  	_ =	shalt  }
0x51: {  	_ =	shalt  }
0x52: {  	_ =	shalt  }
0x53: {  	_ =	shalt  }
0x54: {  	_ =	shalt  }
0x55: {  	_ =	shalt  }
0x56: {  	_ =	shalt  }
0x57: {  	_ =	shalt  }
0x58: {  	_ =	shalt  }
0x59: {  	_ =	shalt  }
0x5a: {  	_ =	shalt  }
0x5b: {  	_ =	shalt  }
0x5c: {  	_ =	shalt  }
0x5d: {  	_ =	shalt  }
0x5e: {  	_ =	shalt  }
0x5f: {  	_ =	shalt  }
0x60: {  	_ =	shalt  }
0x61: {  	_ =	shalt  }
0x62: {  	_ =	shalt  }
0x63: {  	_ =	shalt  }
0x64: {  	_ =	shalt  }
0x65: {  	_ =	shalt  }
0x66: {  	_ =	shalt  }
0x67: {  	_ =	shalt  }
0x68: {  	_ =	shalt  }
0x69: {  	_ =	shalt  }
0x6a: {  	_ =	shalt  }
0x6b: {  	_ =	shalt  }
0x6c: {  	_ =	shalt  }
0x6d: {  	_ =	shalt  }
0x6e: {  	_ =	shalt  }
0x6f: {  	_ =	shalt  }
0x70: {  	_ =	shalt  }
0x71: {  	_ =	shalt  }
0x72: {  	_ =	shalt  }
0x73: {  	_ =	shalt  }
0x74: {  	_ =	shalt  }
0x75: {  	_ =	shalt  }
0x76: {  	_ =	shalt  }
0x77: {  	_ =	shalt  }
0x78: {  	_ =	shalt  }
0x79: {  	_ =	shalt  }
0x7a: {  	_ =	shalt  }
0x7b: {  	_ =	shalt  }
0x7c: {  	_ =	shalt  }
0x7d: {  	_ =	shalt  }
0x7e: {  	_ =	shalt  }
0x7f: {  	_ =	shalt  }
0x80: {  	_ =	shalt  }
0x81: {  	_ =	shalt  }
0x82: {  	_ =	shalt  }
0x83: {  	_ =	shalt  }
0x84: {  	_ =	shalt  }
0x85: {  	_ =	shalt  }
0x86: {  	_ =	shalt  }
0x87: {  	_ =	shalt  }
.Lfunc_end0:
.L_simem_size_0:
called_computation.1_lowered:
.L_overlay_start_0:
0x88: {  	s2 =	sld [smem:$0x3FD9]  }
0x89: {  	s3 =	sld [smem:$0x3FFE];
	_ =	sdelay $0x1  }
0x8a: {  	s1 =	srdreg.scid  }
0x8b: {  	s0 =	sand.u32 $0x1, s1  }
0x8c: {  	s17 =	sshll.u32 s0, $0xA;
	s2 =	sadd.s32 s3, s2  }
0x8d: {  	s2 =	sadd.s32 s2, s17  }
0x8e: {  	[smem:$0x3FC6] =	sst s2  }
0x8f: {  	_ = 	snop  }
0x90: {  	s2 =	sld [smem:$0x3FC8]  }
0x91: {  	s18 =	sld [smem:$0x3FD0];
	(tm) =	ssettm $0x1  }
0x92: {  	s4 =	sld [smem:$0x3FFB];
	_ =	sdelay $0x3  }
0x93: {  	_ =	strace s4  }
0x94: {  	s4 =	sld [smem:$0x3FFC];
	_ =	sdelay $0x3  }
0x95: {  	_ =	strace s4  }
0x96: {  	s4 =	sld [smem:$0x3FFD];
	_ =	sdelay $0x3  }
0x97: {  	_ =	strace s4  }
0x98: {  	_ =	strace $0x8FFFFFFF  }
0x99: {  	s19 =	sld [smem:$0x3FDB];
	_ =	sdelay $0x1  }
0x9a: {  	s5 =	simm.s32 $_scs_section_size  }
0x9b: {  	s6 =	simm.s32 $_size__tile_overlayer_lowered;
	s7 =	simm.s32 $_tile_overlayer_lowered  }
0x9c: {  	s22 =	simm.s32 $0x1BFF;
	s21 =	sshll.u32 s7, $0x1;
	s4 =	sadd.s32 s5, s19  }
0x9d: {  	s8 =	simm.s32 $0x0;
	s20 =	sshll.u32 s6, $0x1;
	s6 =	sadd.s32 s21, s4  }
0x9e: {  	[timem:s8], [sflag:s22] =	dma.local [hbm:s6], s20  }
0x9f: {  	_ =	swait.ge [sflag:s22], s20  }
0xa0: {  	s5 =	ssub.s32 $0x0, s20;
	[sflag:s22] =	ssyncset.done $0x0  }
0xa1: {  	[sflag:s22] =	ssyncadd.s32 s5;
	_ =	sdelay $0x1  }
0xa2: {  	s23 =	simm.s32 $0x1B8B  }
0xa3: {  	_ =	swait.ge [sflag:s23], $0x1  }
0xa4: {  	[sflag:s23] =	ssyncset.done $0x0  }
0xa5: {  	s25 =	simm.s32 $0x1B8E;
	s24 =	sld [smem:$0x3FFE];
	[sflag:s23] =	ssyncadd.s32 $0xFFFFFFFF  }
0xa6: {  	s26 =	simm.s32 $execute0_lowered;
	[smem:$0x3FD2] =	sst s25  }
0xa7: {  	s6 =	sshll.u32 s26, $0x1;
	_ =	strace $0x80000049;
	[dreg:$0x1] =	wrdreg $0xFFFFFFFF  }
0xa8: {  	s28 =	simm.s32 $_size_execute0_lowered;
	s4 =	sadd.s32 s4, s6;
	[dreg:$0x0] =	wrdreg $0x0  }
0xa9: {  	s6 =	sshll.u32 s28, $0x1;
	[dreg:$0x2] =	wrdreg s4  }
0xaa: {  	[dreg:$0x3] =	wrdreg s6  }
0xab: {  	[dreg:$0x4] =	wrdreg $0xC0  }
0xac: {  	_ =	task [dreg:s8], $0x5FFFF  }
0xad: {  	[dreg:$0x1] =	wrdreg $0xFFFFFFFF  }
0xae: {  	[dreg:$0x0] =	wrdreg $0x60  }
0xaf: {  	[dreg:$0x2] =	wrdreg s24  }
0xb0: {  	[dreg:$0x3] =	wrdreg s2  }
0xb1: {  	[dreg:$0x4] =	wrdreg s18  }
0xb2: {  	[dreg:$0x5] =	wrdreg $0x13D000  }
0xb3: {  	[dreg:$0x6] =	wrdreg $0x9  }
0xb4: {  	_ =	task.clear_ibuf [dreg:s8], $0x7FFFF;
	_ =	strace $0x90000049  }
0xb5: {  	s29 =	simm.s32 $0x9;
	_ =	strace $0x8000004B  }
0xb6: {  	_ =	swait.ge [sflag:s29], $0x1  }
0xb7: {  	[sflag:s29] =	ssyncadd.s32 $0xFFFFFFFF  }
0xb8: {  	_ =	strace $0x9000004B  }
0xb9: {  	_ =	sfence  }
0xba: {  	s30 =	sld [smem:$0x0];
	_ =	sdelay $0x2  }
0xbb: {  	s31 =	sshll.u32 s1, $0xD;
	s1 =	sshrl.u32 s1, $0x2  }
0xbc: {  	s3 =	sand.u32 $0x4000, s31;
	s1 =	sadd.s32 s1, s30  }
0xbd: {  	s0 =	sor.u32 s3, s0;
	s1 =	sshll.u32 s1, $0x11  }
0xbe: {  	s0 =	sor.u32 s1, s0  }
0xbf: {  	s0 =	sadd.s32 $0x8F2B, s0  }
0xc0: {  	[sflag:s0] =	ssyncadd.remote.s32 $0x1  }
0xc1: {  	_ =	sfence.sel $0xFFFF  }
0xc2: {  	[dreg:$0x0] =	wrdreg $0xFFFFFFFF;
	(pc) =	sbr.abs _section_cstart, $3  }
0xc3: {  	[dreg:$0x1] =	wrdreg $0xFFFFFFFF  }
0xc4: {  	_ =	task.clear_ibuf [dreg:s8], $0x2FFFF;
	_ =	strace $0x9FFFFFFF  }
0xc5: {  	(tm) =	ssettm $0x7FFFFFFF  }
tec
execute0_lowered:
.L_overlay_start_1:
0x0: {  	(tag) =	ssettag $0x1  }
0x1: {  	s0 =	rddreg [dreg:$0x0]  }
0x2: {  	s1 =	rddreg [dreg:$0x1]  }
0x3: {  	s2 =	rddreg [dreg:$0x2]  }
0x4: {  	s11 =	rddreg [dreg:$0x3];
	s3 =	srdreg.scid  }
0x5: {  	s5 =	simm.s32 $0x0;
	s7 =	stileid.u32;
	s31 =	simm.s32 $0xC400  }
0x6: {  	s3 =	sand.u32 $0x1, s3;
	[smem:$0x7FF] =	sst s5;
	s4 =	smul.u32 $0xC40, s7  }
0x7: {  	s6 =	sshll.u32 s3, $0x4;
	_ =	strace $0x8000004A;
	s3 =	ssub.s32 $0x2, s3  }
0x8: {  	s6 =	sor.u32 s7, s6;
	s8 =	sshrl.u32 s4, $0x3;
	s7 =	sadd.s32 $0x800, s0  }
0x9: {  	s13 =	sshrl.u32 s3, $0x1;
	s18 =	sadd.s32 s4, s11;
	s4 =	simm.s32 $0xF400  }
0xa: {  	s11 =	simm.s32 $0x1;
	s6 =	smul.u32 $0x186A0, s6;
	s0 =	sadd.s32 s8, s0  }
0xb: {  	s3 =	ssub.s32 s3, s13;
	[dreg:$0xb] =	wrdreg s18;
	s13 =	simm.s32 $0x2  }
0xc: {  	s17 =	sadd.s32 $0x62400, s0;
	s0 =	sadd.s32 $0x63C80, s0;
	s28 =	smax.u32 s3, $0x1  }
0xd: {  	s3 =	simm.s32 $0xD400;
	s9 =	sshrl.u32 s6, $0x3;
	[dreg:$0x9] =	wrdreg s17  }
0xe: {  	s8 =	sadd.s32 $0xFA0, s6;
	[dreg:$0xa] =	wrdreg s0;
	s18 =	sadd.s32 $0x2EE0, s6  }
0xf: {  	s10 =	sadd.s32 s7, s9;
	s14 =	sadd.s32 s1, s9;
	s15 =	sshrl.u32 s8, $0x3  }
0x10: {  	s17 =	sadd.s32 s2, s9;
	s21 =	sshrl.u32 s18, $0x3;
	[dreg:$0x5] =	wrdreg s10  }
0x11: {  	s24 =	sadd.s32 $0x2EE0, s9;
	[dreg:$0x6] =	wrdreg s14;
	s12 =	sadd.s32 s7, s15  }
0x12: {  	s16 =	sadd.s32 s1, s15;
	s22 =	sadd.s32 s2, s15;
	[dreg:$0x7] =	wrdreg s12  }
0x13: {  	s23 =	sadd.s32 s7, s21;
	s25 =	sadd.s32 s7, s24;
	[dreg:$0x8] =	wrdreg s16  }
0x14: {  	s26 =	sadd.s32 s1, s24;
	s29 =	sadd.s32 $0x2AF8, s17;
	[dreg:$0xe] =	wrdreg s22  }
0x15: {  	s30 =	sadd.s32 $0x2CEC, s17;
	s10 =	simm.s32 $0x5;
	[dreg:$0xf] =	wrdreg s23  }
0x16: {  	s14 =	simm.s32 $0x11400;
	s16 =	sadd.s32 $0x1F40, s6;
	[dreg:$0x11] =	wrdreg s25  }
0x17: {  	s15 =	simm.s32 $0x3;
	[dreg:$0x12] =	wrdreg s26;
	s19 =	sshrl.u32 s16, $0x3  }
0x18: {  	s26 =	sadd.s32 s2, s24;
	s23 =	simm.s32 $0x12400;
	s20 =	sadd.s32 s7, s19  }
0x19: {  	s12 =	simm.s32 $0x10400;
	s0 =	sadd.s32 s1, s19;
	[dreg:$0xc] =	wrdreg s20  }
0x1a: {  	s19 =	simm.s32 $0x4;
	[dreg:$0xd] =	wrdreg s0;
	s0 =	sadd.s32 s1, s21  }
0x1b: {  	s20 =	simm.s32 $0x0;
	[dreg:$0x10] =	wrdreg s0;
	s0 =	simm.s32 $0xE400  }
.LBB2_1:
0x1c: {  	s9 =	rddreg [dreg:$0x5]  }
0x1d: {  	[tilespmem:s31], [sflag:$0x1] =	stream.linear.gather [hbm4b:s9+s5], $0xFA0, $0x38;
	[tilespmem:$0x14940] =	vst v63  }
0x1e: {  	s25 =	rddreg [dreg:$0x6]  }
0x1f: {  	[tilespmem:s0], [sflag:$0x1] =	stream.linear.gather [hbm4b:s25+s5], $0xFA0, $0x38;
	[tilespmem:$0x14940] =	vst v63  }
0x20: {  	s21 =	rddreg [dreg:$0x7]  }
0x21: {  	[tilespmem:s3], [sflag:$0x2] =	stream.linear.gather [hbm4b:s21+s5], $0xFA0, $0x38;
	[tilespmem:$0x14940] =	vst v63  }
0x22: {  	s22 =	rddreg [dreg:$0x8]  }
0x23: {  	[tilespmem:s4], [sflag:$0x2] =	stream.linear.gather [hbm4b:s22+s5], $0xFA0, $0x38;
	[tilespmem:$0x14940] =	vst v63  }
0x24: {  	s24 =	rddreg [dreg:$0x9]  }
0x25: {  	[tilespmem:s23], [sflag:$0x5] =	stream.linear.gather [hbm4b:s24+s5], $0xC40, $0x38;
	[tilespmem:$0x14940] =	vst v63  }
0x26: {  	_ =	swait.ge [sflag:s10], $0xC40  }
0x27: {  	[sflag:s10] =	ssyncset.done $0x0  }
0x28: {  	s21 =	simm.s32 $0x13080;
	s25 =	rddreg [dreg:$0xa];
	[sflag:s10] =	ssyncadd.s32 $0xFFFFF3C0  }
0x29: {  	[tilespmem:s21], [sflag:$0x5] =	stream.linear.gather [hbm4b:s25+s5], $0xC40, $0x38;
	[tilespmem:$0x14940] =	vst v63  }
0x2a: {  	_ =	swait.ge [sflag:s10], $0xC40  }
0x2b: {  	[sflag:s10] =	ssyncset.done $0x0  }
0x2c: {  	s9 =	simm.s32 $0x0;
	[sflag:s10] =	ssyncadd.s32 $0xFFFFF3C0  }
0x2d: {  	v1 =	vld [tilespmem:s9+$0x13080]  }
0x2e: {  	v2 =	vld [tilespmem:s9+$0x13090]  }
0x2f: {  	v3 =	vld [tilespmem:s9+$0x130A0]  }
0x30: {  	v0 =	vld [tilespmem:s9+$0x130B0]  }
0x31: {  	v4 =	vld [tilespmem:s9+$0x12400]  }
0x32: {  	v5 =	vld [tilespmem:s9+$0x12410]  }
0x33: {  	s21 =	simm.s32 $0x100;
	v6 =	vld [tilespmem:s9+$0x12420]  }
.LBB2_2:
0x34: {  	p0 =	sne.s32 s21, $0x3000;
	v7 =	vld [tilespmem:s9+$0x12430];
	_ =	sdelay $0x1  }
0x35: {  	v1 =	vadd.f32 v1, v4  }
0x36: {  	v2 =	vadd.f32 v2, v5  }
0x37: {  	v3 =	vadd.f32 v3, v6;
	(erf) = vrcp.f32 v1  }
0x38: {  	v0 =	vadd.f32 v0, v7;
	(erf) = vrcp.f32 v2  }
0x39: {  	(erf) = vrcp.f32 v3  }
0x3a: {  	(erf) = vrcp.f32 v0;
	_ =	sdelay $0x2  }
0x3b: {  	s22 =	sshra.s32 s21, $0x2  }
0x3c: {  	v1 =	vld [tilespmem:s22+$0x13080]  }
0x3d: {  	v2 =	vld [tilespmem:s22+$0x13090]  }
.Ltmp0:
0x3e: {  	v3 =	vld [tilespmem:s22+$0x130A0];
	v4 =	vpop (erf);
	(pc) =	sbr.rel @p0 .LBB2_2-.Ltmp0, $4  }
0x3f: {  	v0 =	vld [tilespmem:s22+$0x130B0];
	[tilespmem:s9+$0x12400] =	vst v4;
	v5 =	vpop (erf)  }
0x40: {  	v4 =	vld [tilespmem:s22+$0x12400];
	[tilespmem:s9+$0x12410] =	vst v5;
	v6 =	vpop (erf)  }
0x41: {  	v5 =	vld [tilespmem:s22+$0x12410];
	[tilespmem:s9+$0x12420] =	vst v6;
	v7 =	vpop (erf)  }
0x42: {  	s21 =	sadd.s32 $0x100, s21;
	v6 =	vld [tilespmem:s22+$0x12420];
	[tilespmem:s9+$0x12430] =	vst v7;
	s9 =	smov.u32 s22  }
0x43: {  	v7 =	vld [tilespmem:s9+$0x12430];
	_ =	sdelay $0x1  }
0x44: {  	v1 =	vadd.f32 v1, v4  }
0x45: {  	v2 =	vadd.f32 v2, v5  }
0x46: {  	v3 =	vadd.f32 v3, v6;
	(erf) = vrcp.f32 v1  }
0x47: {  	v0 =	vadd.f32 v0, v7;
	(erf) = vrcp.f32 v2  }
0x48: {  	(erf) = vrcp.f32 v3  }
0x49: {  	(erf) = vrcp.f32 v0;
	_ =	sdelay $0x5  }
0x4a: {  	v0 =	vpop (erf)  }
0x4b: {  	[tilespmem:s9+$0x12400] =	vst v0;
	v0 =	vpop (erf)  }
0x4c: {  	[tilespmem:s9+$0x12410] =	vst v0;
	v0 =	vpop (erf)  }
0x4d: {  	[tilespmem:s9+$0x12420] =	vst v0;
	v0 =	vpop (erf)  }
0x4e: {  	s22 =	rddreg [dreg:$0xb];
	[tilespmem:s9+$0x12430] =	vst v0  }
0x4f: {  	[spmem:s22] =	stream.linear.scatter [tilespmem:s23], [sflag:$0x5], $0xC40, $0x38;
	[tilespmem:$0x14940] =	vst v63  }
0x50: {  	_ =	swait.ge [sflag:s10], $0xC40  }
0x51: {  	[sflag:s10] =	ssyncset.done $0x0  }
0x52: {  	[sflag:s10] =	ssyncadd.s32 $0xFFFFF3C0  }
0x53: {  	[bflag:$0x0] =	sbarrier.arrive $0xFFFF  }
0x54: {  	s23 =	rddreg [dreg:$0x3]  }
0x55: {  	[tilespmem:s5], [sflag:$0x5] =	stream.linear.gather [spmem:s23], $0xC400, $0x38;
	[tilespmem:$0x14940] =	vst v63  }
0x56: {  	_ =	swait.ge [sflag:s10], $0xC400  }
0x57: {  	[sflag:s10] =	ssyncset.done $0x0  }
0x58: {  	[sflag:s10] =	ssyncadd.s32 $0xFFFF3C00  }
0x59: {  	_ =	swait.ge [sflag:s11], $0xFA0  }
0x5a: {  	[sflag:s11] =	ssyncset.done $0x0  }
0x5b: {  	[sflag:s11] =	ssyncadd.s32 $0xFFFFF060  }
0x5c: {  	_ =	swait.ge [sflag:s11], $0xFA0  }
0x5d: {  	[sflag:s11] =	ssyncset.done $0x0  }
0x5e: {  	s24 =	simm.s32 $0xC420;
	[sflag:s11] =	ssyncadd.s32 $0xFFFFF060  }
0x5f: {  	v0 =	vld [tilespmem:s24+$0x20]  }
0x60: {  	v1 =	vld [tilespmem:s24+$0xFFFFFFF0]  }
0x61: {  	v2 =	vld [tilespmem:s24+$0x0]  }
0x62: {  	v3 =	vld [tilespmem:s24+$0xFFFFFFE0]  }
0x63: {  	s25 =	simm.s32 $0xE420;
	v4 =	vld [tilespmem:s24+$0x10]  }
0x64: {  	v5 =	vld [tilespmem:s25+$0x20]  }
0x65: {  	s21 =	simm.s32 $0xC470;
	v6 =	vld [tilespmem:s25+$0xFFFFFFE0]  }
0x66: {  	v7 =	vld [tilespmem:s21+$0x20]  }
0x67: {  	v8 =	vld [tilespmem:s21+$0xFFFFFFF0]  }
0x68: {  	v9 =	vld [tilespmem:s21+$0x0]  }
0x69: {  	v10 =	vld [tilespmem:s21+$0x10]  }
0x6a: {  	v11 =	vld [tilespmem:s21+$0xFFFFFFE0]  }
0x6b: {  	v12 =	vld [tilespmem:s25+$0xFFFFFFF0]  }
0x6c: {  	v13 =	vld [tilespmem:s25+$0x0]  }
0x6d: {  	v14 =	vld [tilespmem:s25+$0x10]  }
0x6e: {  	v0 =	vld.idx.msk [tilespmem:v0+s5+$0x0], $0xffff  }
0x6f: {  	v3 =	vld.idx.msk [tilespmem:v3+s5+$0x0], $0xffff  }
0x70: {  	v1 =	vld.idx.msk [tilespmem:v1+s5+$0x0], $0xffff  }
0x71: {  	v2 =	vld.idx.msk [tilespmem:v2+s5+$0x0], $0xffff  }
0x72: {  	v4 =	vld.idx.msk [tilespmem:v4+s5+$0x0], $0xffff  }
0x73: {  	s21 =	simm.s32 $0xE470;
	v0 =	vmul.f32 v0, v5;
	v5 =	vld.idx.msk [tilespmem:v7+s5+$0x0], $0xffff  }
0x74: {  	s9 =	simm.s32 $0x10420;
	v3 =	vmul.f32 v3, v6;
	v6 =	vld [tilespmem:s21+$0x20]  }
0x75: {  	v7 =	vmul.f32 v1, v12;
	v1 =	vld.idx.msk [tilespmem:v9+s5+$0x0], $0xffff;
	[tilespmem:s9+$0x20] =	vst v0  }
0x76: {  	v63 =	vmul.f32 v2, v13;
	v2 =	vld.idx.msk [tilespmem:v10+s5+$0x0], $0xffff;
	[tilespmem:s9+$0xFFFFFFE0] =	vst v3  }
0x77: {  	v0 =	vld.idx.msk [tilespmem:v8+s5+$0x0], $0xffff;
	[tilespmem:s9+$0xFFFFFFF0] =	vst v7;
	v7 =	vmul.f32 v4, v14  }
0x78: {  	v3 =	vld.idx.msk [tilespmem:v11+s5+$0x0], $0xffff;
	[tilespmem:s9+$0x0] =	vst v63  }
0x79: {  	s22 =	simm.s32 $0x5;
	s23 =	simm.s32 $0xC4C0;
	v4 =	vld [tilespmem:s21+$0xFFFFFFE0];
	[tilespmem:s9+$0x10] =	vst v7;
	v5 =	vmul.f32 v5, v6  }
.LBB2_4:
0x7a: {  	v6 =	vld [tilespmem:s23+$0x20];
	s22 =	sadd.s32 $0x5, s22;
	s9 =	sadd.s32 $0x50, s9  }
0x7b: {  	v7 =	vld [tilespmem:s23+$0xFFFFFFF0];
	p0 =	slt.u32 s22, $0xF5;
	[tilespmem:s9+$0x20] =	vst v5  }
0x7c: {  	v5 =	vld [tilespmem:s23+$0x0]  }
0x7d: {  	v8 =	vld [tilespmem:s23+$0x10]  }
0x7e: {  	v9 =	vld [tilespmem:s23+$0xFFFFFFE0];
	v3 =	vmul.f32 v3, v4  }
0x7f: {  	v4 =	vld [tilespmem:s21+$0xFFFFFFF0]  }
0x80: {  	[tilespmem:s9+$0xFFFFFFE0] =	vst v3;
	v3 =	vld [tilespmem:s21+$0x0]  }
0x81: {  	v10 =	vld [tilespmem:s21+$0x10]  }
0x82: {  	s21 =	sadd.s32 $0x50, s21;
	v6 =	vld.idx.msk [tilespmem:v6+s5+$0x0], $0xffff  }
0x83: {  	v11 =	vld [tilespmem:s21+$0x20]  }
.Ltmp1:
0x84: {  	v4 =	vmul.f32 v0, v4;
	v0 =	vld.idx.msk [tilespmem:v7+s5+$0x0], $0xffff;
	(pc) =	sbr.rel @p0 .LBB2_4-.Ltmp1, $4  }
0x85: {  	v7 =	vmul.f32 v1, v3;
	v1 =	vld.idx.msk [tilespmem:v5+s5+$0x0], $0xffff  }
0x86: {  	v3 =	vld.idx.msk [tilespmem:v9+s5+$0x0], $0xffff;
	[tilespmem:s9+$0xFFFFFFF0] =	vst v4;
	v9 =	vmul.f32 v2, v10  }
0x87: {  	v2 =	vld.idx.msk [tilespmem:v8+s5+$0x0], $0xffff;
	[tilespmem:s9+$0x0] =	vst v7  }
0x88: {  	s23 =	sadd.s32 $0x50, s23;
	v4 =	vld [tilespmem:s21+$0xFFFFFFE0];
	v5 =	vmul.f32 v6, v11;
	[tilespmem:s9+$0x10] =	vst v9  }
0x89: {  	v6 =	vld [tilespmem:s21+$0xFFFFFFF0]  }
0x8a: {  	v7 =	vld [tilespmem:s21+$0x0]  }
0x8b: {  	v8 =	vld [tilespmem:s21+$0x10];
	_ =	sdelay $0x1  }
0x8c: {  	s9 =	sadd.s32 $0x50, s9;
	v3 =	vmul.f32 v3, v4  }
0x8d: {  	[tilespmem:s9+$0x20] =	vst v5;
	v0 =	vmul.f32 v0, v6  }
0x8e: {  	v1 =	vmul.f32 v1, v7;
	[tilespmem:s9+$0xFFFFFFE0] =	vst v3  }
0x8f: {  	[tilespmem:s9+$0xFFFFFFF0] =	vst v0;
	v0 =	vmul.f32 v2, v8  }
0x90: {  	[tilespmem:s9+$0x0] =	vst v1  }
0x91: {  	[tilespmem:s9+$0x10] =	vst v0  }
0x92: {  	[hbm4b:s17+s5] =	stream.linear.scatter [tilespmem:s12], [sflag:$0x3], $0xFA0, $0x38;
	[tilespmem:$0x14940] =	vst v63  }
0x93: {  	s9 =	rddreg [dreg:$0xc]  }
0x94: {  	[tilespmem:s31], [sflag:$0x1] =	stream.linear.gather [hbm4b:s9+s5], $0xFA0, $0x38;
	[tilespmem:$0x14940] =	vst v63  }
0x95: {  	s22 =	rddreg [dreg:$0xd]  }
0x96: {  	[tilespmem:s0], [sflag:$0x1] =	stream.linear.gather [hbm4b:s22+s5], $0xFA0, $0x38;
	[tilespmem:$0x14940] =	vst v63  }
0x97: {  	_ =	swait.ge [sflag:s13], $0xFA0  }
0x98: {  	[sflag:s13] =	ssyncset.done $0x0  }
0x99: {  	[sflag:s13] =	ssyncadd.s32 $0xFFFFF060  }
0x9a: {  	_ =	swait.ge [sflag:s13], $0xFA0  }
0x9b: {  	[sflag:s13] =	ssyncset.done $0x0  }
0x9c: {  	s23 =	simm.s32 $0xD420;
	[sflag:s13] =	ssyncadd.s32 $0xFFFFF060  }
0x9d: {  	v0 =	vld [tilespmem:s23+$0x20]  }
0x9e: {  	v1 =	vld [tilespmem:s23+$0xFFFFFFF0]  }
0x9f: {  	v2 =	vld [tilespmem:s23+$0x0]  }
0xa0: {  	v3 =	vld [tilespmem:s23+$0xFFFFFFE0]  }
0xa1: {  	s24 =	simm.s32 $0xF420;
	v4 =	vld [tilespmem:s23+$0x10]  }
0xa2: {  	v5 =	vld [tilespmem:s24+$0x20]  }
0xa3: {  	s25 =	simm.s32 $0xD470;
	v6 =	vld [tilespmem:s24+$0xFFFFFFE0]  }
0xa4: {  	v7 =	vld [tilespmem:s25+$0x20]  }
0xa5: {  	v62 =	vld [tilespmem:s25+$0xFFFFFFF0]  }
0xa6: {  	v9 =	vld [tilespmem:s25+$0x0]  }
0xa7: {  	v10 =	vld [tilespmem:s25+$0x10]  }
0xa8: {  	v11 =	vld [tilespmem:s25+$0xFFFFFFE0]  }
0xa9: {  	v12 =	vld [tilespmem:s24+$0xFFFFFFF0]  }
0xaa: {  	v13 =	vld [tilespmem:s24+$0x0]  }
0xab: {  	v14 =	vld [tilespmem:s24+$0x10]  }
0xac: {  	v0 =	vld.idx.msk [tilespmem:v0+s5+$0x0], $0xffff  }
0xad: {  	v3 =	vld.idx.msk [tilespmem:v3+s5+$0x0], $0xffff  }
0xae: {  	v1 =	vld.idx.msk [tilespmem:v1+s5+$0x0], $0xffff  }
0xaf: {  	v2 =	vld.idx.msk [tilespmem:v2+s5+$0x0], $0xffff  }
0xb0: {  	v4 =	vld.idx.msk [tilespmem:v4+s5+$0x0], $0xffff  }
0xb1: {  	s21 =	simm.s32 $0xF470;
	v0 =	vmul.f32 v0, v5;
	v5 =	vld.idx.msk [tilespmem:v7+s5+$0x0], $0xffff  }
0xb2: {  	s9 =	simm.s32 $0x11420;
	v3 =	vmul.f32 v3, v6;
	v6 =	vld [tilespmem:s21+$0x20]  }
0xb3: {  	v7 =	vmul.f32 v1, v12;
	v1 =	vld.idx.msk [tilespmem:v9+s5+$0x0], $0xffff;
	[tilespmem:s9+$0x20] =	vst v0  }
0xb4: {  	v63 =	vmul.f32 v2, v13;
	v2 =	vld.idx.msk [tilespmem:v10+s5+$0x0], $0xffff;
	[tilespmem:s9+$0xFFFFFFE0] =	vst v3  }
0xb5: {  	v0 =	vld.idx.msk [tilespmem:v62+s5+$0x0], $0xffff;
	[tilespmem:s9+$0xFFFFFFF0] =	vst v7;
	v7 =	vmul.f32 v4, v14  }
0xb6: {  	v3 =	vld.idx.msk [tilespmem:v11+s5+$0x0], $0xffff;
	[tilespmem:s9+$0x0] =	vst v63  }
0xb7: {  	s22 =	simm.s32 $0x5;
	s23 =	simm.s32 $0xD4C0;
	v4 =	vld [tilespmem:s21+$0xFFFFFFE0];
	[tilespmem:s9+$0x10] =	vst v7;
	v5 =	vmul.f32 v5, v6  }
.LBB2_6:
0xb8: {  	v6 =	vld [tilespmem:s23+$0x20];
	s22 =	sadd.s32 $0x5, s22;
	s9 =	sadd.s32 $0x50, s9  }
0xb9: {  	v7 =	vld [tilespmem:s23+$0xFFFFFFF0];
	p0 =	slt.u32 s22, $0xF5;
	[tilespmem:s9+$0x20] =	vst v5  }
0xba: {  	v5 =	vld [tilespmem:s23+$0x0]  }
0xbb: {  	v8 =	vld [tilespmem:s23+$0x10]  }
0xbc: {  	v9 =	vld [tilespmem:s23+$0xFFFFFFE0];
	v3 =	vmul.f32 v3, v4  }
0xbd: {  	v4 =	vld [tilespmem:s21+$0xFFFFFFF0]  }
0xbe: {  	[tilespmem:s9+$0xFFFFFFE0] =	vst v3;
	v3 =	vld [tilespmem:s21+$0x0]  }
0xbf: {  	v10 =	vld [tilespmem:s21+$0x10]  }
0xc0: {  	s21 =	sadd.s32 $0x50, s21;
	v6 =	vld.idx.msk [tilespmem:v6+s5+$0x0], $0xffff  }
0xc1: {  	v11 =	vld [tilespmem:s21+$0x20]  }
.Ltmp2:
0xc2: {  	v4 =	vmul.f32 v0, v4;
	v0 =	vld.idx.msk [tilespmem:v7+s5+$0x0], $0xffff;
	(pc) =	sbr.rel @p0 .LBB2_6-.Ltmp2, $4  }
0xc3: {  	v7 =	vmul.f32 v1, v3;
	v1 =	vld.idx.msk [tilespmem:v5+s5+$0x0], $0xffff  }
0xc4: {  	v3 =	vld.idx.msk [tilespmem:v9+s5+$0x0], $0xffff;
	[tilespmem:s9+$0xFFFFFFF0] =	vst v4;
	v9 =	vmul.f32 v2, v10  }
0xc5: {  	v2 =	vld.idx.msk [tilespmem:v8+s5+$0x0], $0xffff;
	[tilespmem:s9+$0x0] =	vst v7  }
0xc6: {  	s23 =	sadd.s32 $0x50, s23;
	v4 =	vld [tilespmem:s21+$0xFFFFFFE0];
	v5 =	vmul.f32 v6, v11;
	[tilespmem:s9+$0x10] =	vst v9  }
0xc7: {  	v6 =	vld [tilespmem:s21+$0xFFFFFFF0]  }
0xc8: {  	v7 =	vld [tilespmem:s21+$0x0]  }
0xc9: {  	v8 =	vld [tilespmem:s21+$0x10];
	_ =	sdelay $0x1  }
0xca: {  	s9 =	sadd.s32 $0x50, s9;
	v3 =	vmul.f32 v3, v4  }
0xcb: {  	[tilespmem:s9+$0x20] =	vst v5;
	v0 =	vmul.f32 v0, v6  }
0xcc: {  	v1 =	vmul.f32 v1, v7;
	[tilespmem:s9+$0xFFFFFFE0] =	vst v3  }
0xcd: {  	v63 =	vmul.f32 v2, v8;
	[tilespmem:s9+$0xFFFFFFF0] =	vst v0  }
0xce: {  	[tilespmem:s9+$0x0] =	vst v1  }
0xcf: {  	[tilespmem:s9+$0x10] =	vst v63  }
0xd0: {  	s9 =	rddreg [dreg:$0xe]  }
0xd1: {  	[hbm4b:s9+s5] =	stream.linear.scatter [tilespmem:s14], [sflag:$0x4], $0xFA0, $0x38;
	[tilespmem:$0x14940] =	vst v63  }
0xd2: {  	s24 =	rddreg [dreg:$0xf]  }
0xd3: {  	[tilespmem:s3], [sflag:$0x2] =	stream.linear.gather [hbm4b:s24+s5], $0xFA0, $0x38;
	[tilespmem:$0x14940] =	vst v63  }
0xd4: {  	s25 =	rddreg [dreg:$0x10];
	s9 =	simm.s32 $0x1  }
0xd5: {  	[tilespmem:s4], [sflag:$0x2] =	stream.linear.gather [hbm4b:s25+s5], $0xFA0, $0x38;
	[tilespmem:$0x14940] =	vst v63  }
.LBB2_8:
0xd6: {  	_ =	swait.ge [sflag:s11], $0xFA0  }
0xd7: {  	[sflag:s11] =	ssyncset.done $0x0  }
0xd8: {  	[sflag:s11] =	ssyncadd.s32 $0xFFFFF060  }
0xd9: {  	_ =	swait.ge [sflag:s11], $0xFA0  }
0xda: {  	[sflag:s11] =	ssyncset.done $0x0  }
0xdb: {  	[sflag:s11] =	ssyncadd.s32 $0xFFFFF060  }
0xdc: {  	_ =	swait.ge [sflag:s15], $0xFA0  }
0xdd: {  	[sflag:s15] =	ssyncset.done $0x0  }
0xde: {  	s21 =	simm.s32 $0xC420;
	[sflag:s15] =	ssyncadd.s32 $0xFFFFF060  }
0xdf: {  	v0 =	vld [tilespmem:s21+$0x20]  }
0xe0: {  	v1 =	vld [tilespmem:s21+$0xFFFFFFF0]  }
0xe1: {  	v2 =	vld [tilespmem:s21+$0x0]  }
0xe2: {  	v3 =	vld [tilespmem:s21+$0xFFFFFFE0]  }
0xe3: {  	s25 =	simm.s32 $0xE420;
	v4 =	vld [tilespmem:s21+$0x10]  }
0xe4: {  	v5 =	vld [tilespmem:s25+$0x20]  }
0xe5: {  	s22 =	simm.s32 $0xC470;
	v6 =	vld [tilespmem:s25+$0xFFFFFFE0]  }
0xe6: {  	v7 =	vld [tilespmem:s22+$0x20]  }
0xe7: {  	v8 =	vld [tilespmem:s22+$0xFFFFFFF0]  }
0xe8: {  	v9 =	vld [tilespmem:s22+$0x0]  }
0xe9: {  	v10 =	vld [tilespmem:s22+$0x10]  }
0xea: {  	v11 =	vld [tilespmem:s22+$0xFFFFFFE0]  }
0xeb: {  	v12 =	vld [tilespmem:s25+$0xFFFFFFF0]  }
0xec: {  	v13 =	vld [tilespmem:s25+$0x0]  }
0xed: {  	v14 =	vld [tilespmem:s25+$0x10]  }
0xee: {  	v0 =	vld.idx.msk [tilespmem:v0+s5+$0x0], $0xffff  }
0xef: {  	v3 =	vld.idx.msk [tilespmem:v3+s5+$0x0], $0xffff  }
0xf0: {  	v1 =	vld.idx.msk [tilespmem:v1+s5+$0x0], $0xffff  }
0xf1: {  	v2 =	vld.idx.msk [tilespmem:v2+s5+$0x0], $0xffff  }
0xf2: {  	v4 =	vld.idx.msk [tilespmem:v4+s5+$0x0], $0xffff  }
0xf3: {  	s22 =	simm.s32 $0xE470;
	v0 =	vmul.f32 v0, v5;
	v5 =	vld.idx.msk [tilespmem:v7+s5+$0x0], $0xffff  }
0xf4: {  	s21 =	simm.s32 $0x10420;
	v3 =	vmul.f32 v3, v6;
	v6 =	vld [tilespmem:s22+$0x20]  }
0xf5: {  	v7 =	vmul.f32 v1, v12;
	v1 =	vld.idx.msk [tilespmem:v8+s5+$0x0], $0xffff;
	[tilespmem:s21+$0x20] =	vst v0  }
0xf6: {  	v63 =	vmul.f32 v2, v13;
	v2 =	vld.idx.msk [tilespmem:v10+s5+$0x0], $0xffff;
	[tilespmem:s21+$0xFFFFFFE0] =	vst v3  }
0xf7: {  	v0 =	vld.idx.msk [tilespmem:v9+s5+$0x0], $0xffff;
	[tilespmem:s21+$0xFFFFFFF0] =	vst v7;
	v7 =	vmul.f32 v4, v14  }
0xf8: {  	v3 =	vld.idx.msk [tilespmem:v11+s5+$0x0], $0xffff;
	[tilespmem:s21+$0x0] =	vst v63  }
0xf9: {  	s23 =	simm.s32 $0x5;
	s24 =	simm.s32 $0xC4C0;
	v4 =	vld [tilespmem:s22+$0xFFFFFFE0];
	[tilespmem:s21+$0x10] =	vst v7;
	v5 =	vmul.f32 v5, v6  }
.LBB2_9:
0xfa: {  	v6 =	vld [tilespmem:s24+$0x20];
	s23 =	sadd.s32 $0x5, s23;
	s21 =	sadd.s32 $0x50, s21  }
0xfb: {  	v7 =	vld [tilespmem:s24+$0xFFFFFFF0];
	p0 =	slt.u32 s23, $0xF5;
	[tilespmem:s21+$0x20] =	vst v5  }
0xfc: {  	v5 =	vld [tilespmem:s24+$0x0]  }
0xfd: {  	v8 =	vld [tilespmem:s24+$0x10]  }
0xfe: {  	v9 =	vld [tilespmem:s24+$0xFFFFFFE0];
	v3 =	vmul.f32 v3, v4  }
0xff: {  	v4 =	vld [tilespmem:s22+$0xFFFFFFF0]  }
0x100: {  	[tilespmem:s21+$0xFFFFFFE0] =	vst v3;
	v3 =	vld [tilespmem:s22+$0x0]  }
0x101: {  	v10 =	vld [tilespmem:s22+$0x10]  }
0x102: {  	s22 =	sadd.s32 $0x50, s22;
	v6 =	vld.idx.msk [tilespmem:v6+s5+$0x0], $0xffff  }
0x103: {  	v11 =	vld [tilespmem:s22+$0x20]  }
.Ltmp3:
0x104: {  	v4 =	vmul.f32 v1, v4;
	v1 =	vld.idx.msk [tilespmem:v7+s5+$0x0], $0xffff;
	(pc) =	sbr.rel @p0 .LBB2_9-.Ltmp3, $4  }
0x105: {  	v7 =	vmul.f32 v0, v3;
	v0 =	vld.idx.msk [tilespmem:v5+s5+$0x0], $0xffff  }
0x106: {  	v3 =	vld.idx.msk [tilespmem:v9+s5+$0x0], $0xffff;
	[tilespmem:s21+$0xFFFFFFF0] =	vst v4;
	v9 =	vmul.f32 v2, v10  }
0x107: {  	v2 =	vld.idx.msk [tilespmem:v8+s5+$0x0], $0xffff;
	[tilespmem:s21+$0x0] =	vst v7  }
0x108: {  	s24 =	sadd.s32 $0x50, s24;
	v4 =	vld [tilespmem:s22+$0xFFFFFFE0];
	v5 =	vmul.f32 v6, v11;
	[tilespmem:s21+$0x10] =	vst v9  }
0x109: {  	v6 =	vld [tilespmem:s22+$0xFFFFFFF0]  }
0x10a: {  	v7 =	vld [tilespmem:s22+$0x0]  }
0x10b: {  	v8 =	vld [tilespmem:s22+$0x10];
	_ =	sdelay $0x1  }
0x10c: {  	s25 =	sadd.s32 $0x50, s21;
	v3 =	vmul.f32 v3, v4  }
0x10d: {  	s21 =	smul.u32 $0x1F40, s9;
	[tilespmem:s25+$0x20] =	vst v5;
	v1 =	vmul.f32 v1, v6  }
0x10e: {  	v0 =	vmul.f32 v0, v7;
	[tilespmem:s25+$0xFFFFFFE0] =	vst v3  }
0x10f: {  	s23 =	sadd.s32 s6, s21;
	[tilespmem:s25+$0xFFFFFFF0] =	vst v1;
	v1 =	vmul.f32 v2, v8  }
0x110: {  	s24 =	sadd.s32 s21, s16;
	s23 =	sshrl.u32 s23, $0x3;
	[tilespmem:s25+$0x0] =	vst v0  }
0x111: {  	s22 =	sshrl.u32 s24, $0x3;
	s23 =	sadd.s32 s2, s23;
	[tilespmem:s25+$0x10] =	vst v1  }
0x112: {  	[hbm4b:s23+s5] =	stream.linear.scatter [tilespmem:s12], [sflag:$0x3], $0xFA0, $0x38;
	[tilespmem:$0x14940] =	vst v63  }
0x113: {  	s25 =	sadd.s32 s7, s22  }
0x114: {  	[tilespmem:s31], [sflag:$0x1] =	stream.linear.gather [hbm4b:s25+s5], $0xFA0, $0x38;
	[tilespmem:$0x14940] =	vst v63  }
0x115: {  	s22 =	sadd.s32 s1, s22  }
0x116: {  	[tilespmem:s0], [sflag:$0x1] =	stream.linear.gather [hbm4b:s22+s5], $0xFA0, $0x38;
	[tilespmem:$0x14940] =	vst v63  }
0x117: {  	_ =	swait.ge [sflag:s13], $0xFA0  }
0x118: {  	[sflag:s13] =	ssyncset.done $0x0  }
0x119: {  	[sflag:s13] =	ssyncadd.s32 $0xFFFFF060  }
0x11a: {  	_ =	swait.ge [sflag:s13], $0xFA0  }
0x11b: {  	[sflag:s13] =	ssyncset.done $0x0  }
0x11c: {  	[sflag:s13] =	ssyncadd.s32 $0xFFFFF060  }
0x11d: {  	_ =	swait.ge [sflag:s19], $0xFA0  }
0x11e: {  	[sflag:s19] =	ssyncset.done $0x0  }
0x11f: {  	s23 =	simm.s32 $0xD420;
	[sflag:s19] =	ssyncadd.s32 $0xFFFFF060  }
0x120: {  	v0 =	vld [tilespmem:s23+$0x20]  }
0x121: {  	v1 =	vld [tilespmem:s23+$0xFFFFFFF0]  }
0x122: {  	v2 =	vld [tilespmem:s23+$0x0]  }
0x123: {  	v3 =	vld [tilespmem:s23+$0xFFFFFFE0]  }
0x124: {  	s24 =	simm.s32 $0xF420;
	v4 =	vld [tilespmem:s23+$0x10]  }
0x125: {  	v5 =	vld [tilespmem:s24+$0x20]  }
0x126: {  	s25 =	simm.s32 $0xD470;
	v6 =	vld [tilespmem:s24+$0xFFFFFFE0]  }
0x127: {  	v7 =	vld [tilespmem:s25+$0x20]  }
0x128: {  	v62 =	vld [tilespmem:s25+$0xFFFFFFF0]  }
0x129: {  	v9 =	vld [tilespmem:s25+$0x0]  }
0x12a: {  	v10 =	vld [tilespmem:s25+$0x10]  }
0x12b: {  	v11 =	vld [tilespmem:s25+$0xFFFFFFE0]  }
0x12c: {  	v12 =	vld [tilespmem:s24+$0xFFFFFFF0]  }
0x12d: {  	v13 =	vld [tilespmem:s24+$0x0]  }
0x12e: {  	v14 =	vld [tilespmem:s24+$0x10]  }
0x12f: {  	v0 =	vld.idx.msk [tilespmem:v0+s5+$0x0], $0xffff  }
0x130: {  	v3 =	vld.idx.msk [tilespmem:v3+s5+$0x0], $0xffff  }
0x131: {  	v1 =	vld.idx.msk [tilespmem:v1+s5+$0x0], $0xffff  }
0x132: {  	v2 =	vld.idx.msk [tilespmem:v2+s5+$0x0], $0xffff  }
0x133: {  	v4 =	vld.idx.msk [tilespmem:v4+s5+$0x0], $0xffff  }
0x134: {  	s23 =	simm.s32 $0xF470;
	v0 =	vmul.f32 v0, v5;
	v5 =	vld.idx.msk [tilespmem:v7+s5+$0x0], $0xffff  }
0x135: {  	s22 =	simm.s32 $0x11420;
	v3 =	vmul.f32 v3, v6;
	v6 =	vld [tilespmem:s23+$0x20]  }
0x136: {  	v7 =	vmul.f32 v1, v12;
	v1 =	vld.idx.msk [tilespmem:v9+s5+$0x0], $0xffff;
	[tilespmem:s22+$0x20] =	vst v0  }
0x137: {  	v63 =	vmul.f32 v2, v13;
	v2 =	vld.idx.msk [tilespmem:v10+s5+$0x0], $0xffff;
	[tilespmem:s22+$0xFFFFFFE0] =	vst v3  }
0x138: {  	v0 =	vld.idx.msk [tilespmem:v62+s5+$0x0], $0xffff;
	[tilespmem:s22+$0xFFFFFFF0] =	vst v7;
	v7 =	vmul.f32 v4, v14  }
0x139: {  	v3 =	vld.idx.msk [tilespmem:v11+s5+$0x0], $0xffff;
	[tilespmem:s22+$0x0] =	vst v63  }
0x13a: {  	s24 =	simm.s32 $0x5;
	s25 =	simm.s32 $0xD4C0;
	v4 =	vld [tilespmem:s23+$0xFFFFFFE0];
	[tilespmem:s22+$0x10] =	vst v7;
	v5 =	vmul.f32 v5, v6  }
.LBB2_11:
0x13b: {  	v6 =	vld [tilespmem:s25+$0x20];
	s24 =	sadd.s32 $0x5, s24;
	s22 =	sadd.s32 $0x50, s22  }
0x13c: {  	v7 =	vld [tilespmem:s25+$0xFFFFFFF0];
	p0 =	slt.u32 s24, $0xF5;
	[tilespmem:s22+$0x20] =	vst v5  }
0x13d: {  	v5 =	vld [tilespmem:s25+$0x0]  }
0x13e: {  	v8 =	vld [tilespmem:s25+$0x10]  }
0x13f: {  	v9 =	vld [tilespmem:s25+$0xFFFFFFE0];
	v3 =	vmul.f32 v3, v4  }
0x140: {  	v4 =	vld [tilespmem:s23+$0xFFFFFFF0]  }
0x141: {  	[tilespmem:s22+$0xFFFFFFE0] =	vst v3;
	v3 =	vld [tilespmem:s23+$0x0]  }
0x142: {  	v10 =	vld [tilespmem:s23+$0x10]  }
0x143: {  	s23 =	sadd.s32 $0x50, s23;
	v6 =	vld.idx.msk [tilespmem:v6+s5+$0x0], $0xffff  }
0x144: {  	v11 =	vld [tilespmem:s23+$0x20]  }
.Ltmp4:
0x145: {  	v4 =	vmul.f32 v0, v4;
	v0 =	vld.idx.msk [tilespmem:v7+s5+$0x0], $0xffff;
	(pc) =	sbr.rel @p0 .LBB2_11-.Ltmp4, $4  }
0x146: {  	v7 =	vmul.f32 v1, v3;
	v1 =	vld.idx.msk [tilespmem:v5+s5+$0x0], $0xffff  }
0x147: {  	v3 =	vld.idx.msk [tilespmem:v9+s5+$0x0], $0xffff;
	[tilespmem:s22+$0xFFFFFFF0] =	vst v4;
	v9 =	vmul.f32 v2, v10  }
0x148: {  	v2 =	vld.idx.msk [tilespmem:v8+s5+$0x0], $0xffff;
	[tilespmem:s22+$0x0] =	vst v7  }
0x149: {  	s25 =	sadd.s32 $0x50, s25;
	v4 =	vld [tilespmem:s23+$0xFFFFFFE0];
	v5 =	vmul.f32 v6, v11;
	[tilespmem:s22+$0x10] =	vst v9  }
0x14a: {  	v6 =	vld [tilespmem:s23+$0xFFFFFFF0]  }
0x14b: {  	v7 =	vld [tilespmem:s23+$0x0]  }
0x14c: {  	v8 =	vld [tilespmem:s23+$0x10];
	_ =	sdelay $0x1  }
0x14d: {  	s22 =	sadd.s32 $0x50, s22;
	v3 =	vmul.f32 v3, v4  }
0x14e: {  	[tilespmem:s22+$0x20] =	vst v5;
	v0 =	vmul.f32 v0, v6  }
0x14f: {  	v1 =	vmul.f32 v1, v7;
	[tilespmem:s22+$0xFFFFFFE0] =	vst v3  }
0x150: {  	s25 =	sadd.s32 s21, s8;
	v63 =	vmul.f32 v2, v8;
	[tilespmem:s22+$0xFFFFFFF0] =	vst v0  }
0x151: {  	s9 =	sadd.s32 $0x1, s9;
	s23 =	sshrl.u32 s25, $0x3;
	[tilespmem:s22+$0x0] =	vst v1  }
0x152: {  	s24 =	sadd.s32 s21, s18;
	p0 =	sne.s32 s9, $0xB;
	s23 =	sadd.s32 s2, s23;
	[tilespmem:s22+$0x10] =	vst v63  }
0x153: {  	[hbm4b:s23+s5] =	stream.linear.scatter [tilespmem:s14], [sflag:$0x4], $0xFA0, $0x38;
	[tilespmem:$0x14940] =	vst v63  }
.Ltmp5:
0x154: {  	s21 =	sshrl.u32 s24, $0x3;
	(pc) =	sbr.rel @p0 .LBB2_8-.Ltmp5, $4  }
0x155: {  	s25 =	sadd.s32 s7, s21  }
0x156: {  	[tilespmem:s3], [sflag:$0x2] =	stream.linear.gather [hbm4b:s25+s5], $0xFA0, $0x38;
	[tilespmem:$0x14940] =	vst v63  }
0x157: {  	s21 =	sadd.s32 s1, s21  }
0x158: {  	[tilespmem:s4], [sflag:$0x2] =	stream.linear.gather [hbm4b:s21+s5], $0xFA0, $0x38;
	[tilespmem:$0x14940] =	vst v63  }
0x159: {  	_ =	swait.ge [sflag:s11], $0xFA0  }
0x15a: {  	[sflag:s11] =	ssyncset.done $0x0  }
0x15b: {  	[sflag:s11] =	ssyncadd.s32 $0xFFFFF060  }
0x15c: {  	_ =	swait.ge [sflag:s11], $0xFA0  }
0x15d: {  	[sflag:s11] =	ssyncset.done $0x0  }
0x15e: {  	[sflag:s11] =	ssyncadd.s32 $0xFFFFF060  }
0x15f: {  	_ =	swait.ge [sflag:s15], $0xFA0  }
0x160: {  	[sflag:s15] =	ssyncset.done $0x0  }
0x161: {  	s9 =	simm.s32 $0xC420;
	[sflag:s15] =	ssyncadd.s32 $0xFFFFF060  }
0x162: {  	v0 =	vld [tilespmem:s9+$0x20]  }
0x163: {  	v1 =	vld [tilespmem:s9+$0xFFFFFFF0]  }
0x164: {  	v2 =	vld [tilespmem:s9+$0x0]  }
0x165: {  	v3 =	vld [tilespmem:s9+$0xFFFFFFE0]  }
0x166: {  	s25 =	simm.s32 $0xE420;
	v4 =	vld [tilespmem:s9+$0x10]  }
0x167: {  	v5 =	vld [tilespmem:s25+$0x20]  }
0x168: {  	s21 =	simm.s32 $0xC470;
	v6 =	vld [tilespmem:s25+$0xFFFFFFE0]  }
0x169: {  	v7 =	vld [tilespmem:s21+$0x20]  }
0x16a: {  	v8 =	vld [tilespmem:s21+$0xFFFFFFF0]  }
0x16b: {  	v9 =	vld [tilespmem:s21+$0x0]  }
0x16c: {  	v10 =	vld [tilespmem:s21+$0x10]  }
0x16d: {  	v11 =	vld [tilespmem:s21+$0xFFFFFFE0]  }
0x16e: {  	v12 =	vld [tilespmem:s25+$0xFFFFFFF0]  }
0x16f: {  	v13 =	vld [tilespmem:s25+$0x0]  }
0x170: {  	v14 =	vld [tilespmem:s25+$0x10]  }
0x171: {  	v0 =	vld.idx.msk [tilespmem:v0+s5+$0x0], $0xffff  }
0x172: {  	v3 =	vld.idx.msk [tilespmem:v3+s5+$0x0], $0xffff  }
0x173: {  	v1 =	vld.idx.msk [tilespmem:v1+s5+$0x0], $0xffff  }
0x174: {  	v2 =	vld.idx.msk [tilespmem:v2+s5+$0x0], $0xffff  }
0x175: {  	v4 =	vld.idx.msk [tilespmem:v4+s5+$0x0], $0xffff  }
0x176: {  	s21 =	simm.s32 $0xE470;
	v0 =	vmul.f32 v0, v5;
	v5 =	vld.idx.msk [tilespmem:v7+s5+$0x0], $0xffff  }
0x177: {  	s9 =	simm.s32 $0x10420;
	v3 =	vmul.f32 v3, v6;
	v6 =	vld [tilespmem:s21+$0x20]  }
0x178: {  	v7 =	vmul.f32 v1, v12;
	v1 =	vld.idx.msk [tilespmem:v9+s5+$0x0], $0xffff;
	[tilespmem:s9+$0x20] =	vst v0  }
0x179: {  	v63 =	vmul.f32 v2, v13;
	v2 =	vld.idx.msk [tilespmem:v10+s5+$0x0], $0xffff;
	[tilespmem:s9+$0xFFFFFFE0] =	vst v3  }
0x17a: {  	v0 =	vld.idx.msk [tilespmem:v8+s5+$0x0], $0xffff;
	[tilespmem:s9+$0xFFFFFFF0] =	vst v7;
	v7 =	vmul.f32 v4, v14  }
0x17b: {  	v3 =	vld.idx.msk [tilespmem:v11+s5+$0x0], $0xffff;
	[tilespmem:s9+$0x0] =	vst v63  }
0x17c: {  	s22 =	simm.s32 $0x5;
	s23 =	simm.s32 $0xC4C0;
	v4 =	vld [tilespmem:s21+$0xFFFFFFE0];
	[tilespmem:s9+$0x10] =	vst v7;
	v5 =	vmul.f32 v5, v6  }
.LBB2_14:
0x17d: {  	v6 =	vld [tilespmem:s23+$0x20];
	s22 =	sadd.s32 $0x5, s22;
	s9 =	sadd.s32 $0x50, s9  }
0x17e: {  	v7 =	vld [tilespmem:s23+$0xFFFFFFF0];
	p0 =	slt.u32 s22, $0xF5;
	[tilespmem:s9+$0x20] =	vst v5  }
0x17f: {  	v5 =	vld [tilespmem:s23+$0x0]  }
0x180: {  	v8 =	vld [tilespmem:s23+$0x10]  }
0x181: {  	v9 =	vld [tilespmem:s23+$0xFFFFFFE0];
	v3 =	vmul.f32 v3, v4  }
0x182: {  	v4 =	vld [tilespmem:s21+$0xFFFFFFF0]  }
0x183: {  	[tilespmem:s9+$0xFFFFFFE0] =	vst v3;
	v3 =	vld [tilespmem:s21+$0x0]  }
0x184: {  	v10 =	vld [tilespmem:s21+$0x10]  }
0x185: {  	s21 =	sadd.s32 $0x50, s21;
	v6 =	vld.idx.msk [tilespmem:v6+s5+$0x0], $0xffff  }
0x186: {  	v11 =	vld [tilespmem:s21+$0x20]  }
.Ltmp6:
0x187: {  	v4 =	vmul.f32 v0, v4;
	v0 =	vld.idx.msk [tilespmem:v7+s5+$0x0], $0xffff;
	(pc) =	sbr.rel @p0 .LBB2_14-.Ltmp6, $4  }
0x188: {  	v7 =	vmul.f32 v1, v3;
	v1 =	vld.idx.msk [tilespmem:v5+s5+$0x0], $0xffff  }
0x189: {  	v3 =	vld.idx.msk [tilespmem:v9+s5+$0x0], $0xffff;
	[tilespmem:s9+$0xFFFFFFF0] =	vst v4;
	v9 =	vmul.f32 v2, v10  }
0x18a: {  	v2 =	vld.idx.msk [tilespmem:v8+s5+$0x0], $0xffff;
	[tilespmem:s9+$0x0] =	vst v7  }
0x18b: {  	s23 =	sadd.s32 $0x50, s23;
	v4 =	vld [tilespmem:s21+$0xFFFFFFE0];
	v5 =	vmul.f32 v6, v11;
	[tilespmem:s9+$0x10] =	vst v9  }
0x18c: {  	v6 =	vld [tilespmem:s21+$0xFFFFFFF0]  }
0x18d: {  	v7 =	vld [tilespmem:s21+$0x0]  }
0x18e: {  	v8 =	vld [tilespmem:s21+$0x10];
	_ =	sdelay $0x1  }
0x18f: {  	s9 =	sadd.s32 $0x50, s9;
	v3 =	vmul.f32 v3, v4  }
0x190: {  	[tilespmem:s9+$0x20] =	vst v5;
	v0 =	vmul.f32 v0, v6  }
0x191: {  	v1 =	vmul.f32 v1, v7;
	[tilespmem:s9+$0xFFFFFFE0] =	vst v3  }
0x192: {  	[tilespmem:s9+$0xFFFFFFF0] =	vst v0;
	v0 =	vmul.f32 v2, v8  }
0x193: {  	[tilespmem:s9+$0x0] =	vst v1  }
0x194: {  	[tilespmem:s9+$0x10] =	vst v0  }
0x195: {  	[hbm4b:s29+s5] =	stream.linear.scatter [tilespmem:s12], [sflag:$0x3], $0xFA0, $0x38;
	[tilespmem:$0x14940] =	vst v63  }
0x196: {  	s9 =	rddreg [dreg:$0x11]  }
0x197: {  	[tilespmem:s31], [sflag:$0x1] =	stream.linear.gather [hbm4b:s9+s5], $0xFA0, $0x38;
	[tilespmem:$0x14940] =	vst v63  }
0x198: {  	s22 =	rddreg [dreg:$0x12]  }
0x199: {  	[tilespmem:s0], [sflag:$0x1] =	stream.linear.gather [hbm4b:s22+s5], $0xFA0, $0x38;
	[tilespmem:$0x14940] =	vst v63  }
0x19a: {  	_ =	swait.ge [sflag:s13], $0xFA0  }
0x19b: {  	[sflag:s13] =	ssyncset.done $0x0  }
0x19c: {  	[sflag:s13] =	ssyncadd.s32 $0xFFFFF060  }
0x19d: {  	_ =	swait.ge [sflag:s13], $0xFA0  }
0x19e: {  	[sflag:s13] =	ssyncset.done $0x0  }
0x19f: {  	[sflag:s13] =	ssyncadd.s32 $0xFFFFF060  }
0x1a0: {  	_ =	swait.ge [sflag:s19], $0xFA0  }
0x1a1: {  	[sflag:s19] =	ssyncset.done $0x0  }
0x1a2: {  	s23 =	simm.s32 $0xD420;
	[sflag:s19] =	ssyncadd.s32 $0xFFFFF060  }
0x1a3: {  	v0 =	vld [tilespmem:s23+$0x20]  }
0x1a4: {  	v1 =	vld [tilespmem:s23+$0xFFFFFFF0]  }
0x1a5: {  	v2 =	vld [tilespmem:s23+$0x0]  }
0x1a6: {  	v3 =	vld [tilespmem:s23+$0xFFFFFFE0]  }
0x1a7: {  	s24 =	simm.s32 $0xF420;
	v4 =	vld [tilespmem:s23+$0x10]  }
0x1a8: {  	v5 =	vld [tilespmem:s24+$0x20]  }
0x1a9: {  	s25 =	simm.s32 $0xD470;
	v6 =	vld [tilespmem:s24+$0xFFFFFFE0]  }
0x1aa: {  	v7 =	vld [tilespmem:s25+$0x20]  }
0x1ab: {  	v62 =	vld [tilespmem:s25+$0xFFFFFFF0]  }
0x1ac: {  	v9 =	vld [tilespmem:s25+$0x0]  }
0x1ad: {  	v10 =	vld [tilespmem:s25+$0x10]  }
0x1ae: {  	v11 =	vld [tilespmem:s25+$0xFFFFFFE0]  }
0x1af: {  	v12 =	vld [tilespmem:s24+$0xFFFFFFF0]  }
0x1b0: {  	v13 =	vld [tilespmem:s24+$0x0]  }
0x1b1: {  	v14 =	vld [tilespmem:s24+$0x10]  }
0x1b2: {  	v0 =	vld.idx.msk [tilespmem:v0+s5+$0x0], $0xffff  }
0x1b3: {  	v3 =	vld.idx.msk [tilespmem:v3+s5+$0x0], $0xffff  }
0x1b4: {  	v1 =	vld.idx.msk [tilespmem:v1+s5+$0x0], $0xffff  }
0x1b5: {  	v2 =	vld.idx.msk [tilespmem:v2+s5+$0x0], $0xffff  }
0x1b6: {  	v4 =	vld.idx.msk [tilespmem:v4+s5+$0x0], $0xffff  }
0x1b7: {  	s21 =	simm.s32 $0xF470;
	v0 =	vmul.f32 v0, v5;
	v5 =	vld.idx.msk [tilespmem:v7+s5+$0x0], $0xffff  }
0x1b8: {  	s9 =	simm.s32 $0x11420;
	v3 =	vmul.f32 v3, v6;
	v6 =	vld [tilespmem:s21+$0x20]  }
0x1b9: {  	v7 =	vmul.f32 v1, v12;
	v1 =	vld.idx.msk [tilespmem:v9+s5+$0x0], $0xffff;
	[tilespmem:s9+$0x20] =	vst v0  }
0x1ba: {  	v63 =	vmul.f32 v2, v13;
	v2 =	vld.idx.msk [tilespmem:v10+s5+$0x0], $0xffff;
	[tilespmem:s9+$0xFFFFFFE0] =	vst v3  }
0x1bb: {  	v0 =	vld.idx.msk [tilespmem:v62+s5+$0x0], $0xffff;
	[tilespmem:s9+$0xFFFFFFF0] =	vst v7;
	v7 =	vmul.f32 v4, v14  }
0x1bc: {  	v3 =	vld.idx.msk [tilespmem:v11+s5+$0x0], $0xffff;
	[tilespmem:s9+$0x0] =	vst v63  }
0x1bd: {  	s22 =	simm.s32 $0x5;
	s23 =	simm.s32 $0xD4C0;
	v4 =	vld [tilespmem:s21+$0xFFFFFFE0];
	[tilespmem:s9+$0x10] =	vst v7;
	v5 =	vmul.f32 v5, v6  }
.LBB2_16:
0x1be: {  	v6 =	vld [tilespmem:s23+$0x20];
	s22 =	sadd.s32 $0x5, s22;
	s9 =	sadd.s32 $0x50, s9  }
0x1bf: {  	v7 =	vld [tilespmem:s23+$0xFFFFFFF0];
	p0 =	slt.u32 s22, $0xF5;
	[tilespmem:s9+$0x20] =	vst v5  }
0x1c0: {  	v5 =	vld [tilespmem:s23+$0x0]  }
0x1c1: {  	v8 =	vld [tilespmem:s23+$0x10]  }
0x1c2: {  	v9 =	vld [tilespmem:s23+$0xFFFFFFE0];
	v3 =	vmul.f32 v3, v4  }
0x1c3: {  	v4 =	vld [tilespmem:s21+$0xFFFFFFF0]  }
0x1c4: {  	[tilespmem:s9+$0xFFFFFFE0] =	vst v3;
	v3 =	vld [tilespmem:s21+$0x0]  }
0x1c5: {  	v10 =	vld [tilespmem:s21+$0x10]  }
0x1c6: {  	s21 =	sadd.s32 $0x50, s21;
	v6 =	vld.idx.msk [tilespmem:v6+s5+$0x0], $0xffff  }
0x1c7: {  	v11 =	vld [tilespmem:s21+$0x20]  }
.Ltmp7:
0x1c8: {  	v4 =	vmul.f32 v0, v4;
	v0 =	vld.idx.msk [tilespmem:v7+s5+$0x0], $0xffff;
	(pc) =	sbr.rel @p0 .LBB2_16-.Ltmp7, $4  }
0x1c9: {  	v7 =	vmul.f32 v1, v3;
	v1 =	vld.idx.msk [tilespmem:v5+s5+$0x0], $0xffff  }
0x1ca: {  	v3 =	vld.idx.msk [tilespmem:v9+s5+$0x0], $0xffff;
	[tilespmem:s9+$0xFFFFFFF0] =	vst v4;
	v9 =	vmul.f32 v2, v10  }
0x1cb: {  	v2 =	vld.idx.msk [tilespmem:v8+s5+$0x0], $0xffff;
	[tilespmem:s9+$0x0] =	vst v7  }
0x1cc: {  	s23 =	sadd.s32 $0x50, s23;
	v4 =	vld [tilespmem:s21+$0xFFFFFFE0];
	v5 =	vmul.f32 v6, v11;
	[tilespmem:s9+$0x10] =	vst v9  }
0x1cd: {  	v6 =	vld [tilespmem:s21+$0xFFFFFFF0]  }
0x1ce: {  	v7 =	vld [tilespmem:s21+$0x0]  }
0x1cf: {  	v8 =	vld [tilespmem:s21+$0x10];
	_ =	sdelay $0x1  }
0x1d0: {  	s9 =	sadd.s32 $0x50, s9;
	v3 =	vmul.f32 v3, v4  }
0x1d1: {  	[tilespmem:s9+$0x20] =	vst v5;
	v0 =	vmul.f32 v0, v6  }
0x1d2: {  	v1 =	vmul.f32 v1, v7;
	[tilespmem:s9+$0xFFFFFFE0] =	vst v3  }
0x1d3: {  	[tilespmem:s9+$0xFFFFFFF0] =	vst v0;
	v0 =	vmul.f32 v2, v8  }
0x1d4: {  	[tilespmem:s9+$0x0] =	vst v1  }
0x1d5: {  	[tilespmem:s9+$0x10] =	vst v0  }
0x1d6: {  	[hbm4b:s30+s5] =	stream.linear.scatter [tilespmem:s14], [sflag:$0x4], $0xFA0, $0x38;
	[tilespmem:$0x14940] =	vst v63  }
0x1d7: {  	_ =	swait.ge [sflag:s11], $0xFA0  }
0x1d8: {  	[sflag:s11] =	ssyncset.done $0x0  }
0x1d9: {  	[sflag:s11] =	ssyncadd.s32 $0xFFFFF060  }
0x1da: {  	_ =	swait.ge [sflag:s11], $0xFA0  }
0x1db: {  	[sflag:s11] =	ssyncset.done $0x0  }
0x1dc: {  	[sflag:s11] =	ssyncadd.s32 $0xFFFFF060  }
0x1dd: {  	_ =	swait.ge [sflag:s15], $0xFA0  }
0x1de: {  	[sflag:s15] =	ssyncset.done $0x0  }
0x1df: {  	s23 =	simm.s32 $0xC420;
	[sflag:s15] =	ssyncadd.s32 $0xFFFFF060  }
0x1e0: {  	v0 =	vld [tilespmem:s23+$0x20]  }
0x1e1: {  	v1 =	vld [tilespmem:s23+$0xFFFFFFF0]  }
0x1e2: {  	v2 =	vld [tilespmem:s23+$0x0]  }
0x1e3: {  	v3 =	vld [tilespmem:s23+$0xFFFFFFE0]  }
0x1e4: {  	s24 =	simm.s32 $0xE420;
	v4 =	vld [tilespmem:s23+$0x10]  }
0x1e5: {  	v5 =	vld [tilespmem:s24+$0x20]  }
0x1e6: {  	s25 =	simm.s32 $0xC470;
	v6 =	vld [tilespmem:s24+$0xFFFFFFE0]  }
0x1e7: {  	v7 =	vld [tilespmem:s25+$0x20]  }
0x1e8: {  	v62 =	vld [tilespmem:s25+$0xFFFFFFF0]  }
0x1e9: {  	v9 =	vld [tilespmem:s25+$0x0]  }
0x1ea: {  	v10 =	vld [tilespmem:s25+$0x10]  }
0x1eb: {  	v11 =	vld [tilespmem:s25+$0xFFFFFFE0]  }
0x1ec: {  	v12 =	vld [tilespmem:s24+$0xFFFFFFF0]  }
0x1ed: {  	v13 =	vld [tilespmem:s24+$0x0]  }
0x1ee: {  	v14 =	vld [tilespmem:s24+$0x10]  }
0x1ef: {  	v0 =	vld.idx.msk [tilespmem:v0+s5+$0x0], $0xffff  }
0x1f0: {  	v3 =	vld.idx.msk [tilespmem:v3+s5+$0x0], $0xffff  }
0x1f1: {  	v1 =	vld.idx.msk [tilespmem:v1+s5+$0x0], $0xffff  }
0x1f2: {  	v2 =	vld.idx.msk [tilespmem:v2+s5+$0x0], $0xffff  }
0x1f3: {  	v4 =	vld.idx.msk [tilespmem:v4+s5+$0x0], $0xffff  }
0x1f4: {  	s21 =	simm.s32 $0xE470;
	v0 =	vmul.f32 v0, v5;
	v5 =	vld.idx.msk [tilespmem:v7+s5+$0x0], $0xffff  }
0x1f5: {  	s9 =	simm.s32 $0x10420;
	v3 =	vmul.f32 v3, v6;
	v6 =	vld [tilespmem:s21+$0x20]  }
0x1f6: {  	v7 =	vmul.f32 v1, v12;
	v1 =	vld.idx.msk [tilespmem:v9+s5+$0x0], $0xffff;
	[tilespmem:s9+$0x20] =	vst v0  }
0x1f7: {  	v63 =	vmul.f32 v2, v13;
	v2 =	vld.idx.msk [tilespmem:v10+s5+$0x0], $0xffff;
	[tilespmem:s9+$0xFFFFFFE0] =	vst v3  }
0x1f8: {  	v0 =	vld.idx.msk [tilespmem:v62+s5+$0x0], $0xffff;
	[tilespmem:s9+$0xFFFFFFF0] =	vst v7;
	v7 =	vmul.f32 v4, v14  }
0x1f9: {  	v3 =	vld.idx.msk [tilespmem:v11+s5+$0x0], $0xffff;
	[tilespmem:s9+$0x0] =	vst v63  }
0x1fa: {  	s22 =	simm.s32 $0x5;
	s23 =	simm.s32 $0xC4C0;
	v4 =	vld [tilespmem:s21+$0xFFFFFFE0];
	[tilespmem:s9+$0x10] =	vst v7;
	v5 =	vmul.f32 v5, v6  }
.LBB2_18:
0x1fb: {  	v6 =	vld [tilespmem:s23+$0x20];
	s22 =	sadd.s32 $0x5, s22;
	s9 =	sadd.s32 $0x50, s9  }
0x1fc: {  	v7 =	vld [tilespmem:s23+$0xFFFFFFF0];
	p0 =	slt.u32 s22, $0xF5;
	[tilespmem:s9+$0x20] =	vst v5  }
0x1fd: {  	v5 =	vld [tilespmem:s23+$0x0]  }
0x1fe: {  	v8 =	vld [tilespmem:s23+$0x10]  }
0x1ff: {  	v9 =	vld [tilespmem:s23+$0xFFFFFFE0];
	v3 =	vmul.f32 v3, v4  }
0x200: {  	v4 =	vld [tilespmem:s21+$0xFFFFFFF0]  }
0x201: {  	[tilespmem:s9+$0xFFFFFFE0] =	vst v3;
	v3 =	vld [tilespmem:s21+$0x0]  }
0x202: {  	v10 =	vld [tilespmem:s21+$0x10]  }
0x203: {  	s21 =	sadd.s32 $0x50, s21;
	v6 =	vld.idx.msk [tilespmem:v6+s5+$0x0], $0xffff  }
0x204: {  	v11 =	vld [tilespmem:s21+$0x20]  }
.Ltmp8:
0x205: {  	v4 =	vmul.f32 v0, v4;
	v0 =	vld.idx.msk [tilespmem:v7+s5+$0x0], $0xffff;
	(pc) =	sbr.rel @p0 .LBB2_18-.Ltmp8, $4  }
0x206: {  	v7 =	vmul.f32 v1, v3;
	v1 =	vld.idx.msk [tilespmem:v5+s5+$0x0], $0xffff  }
0x207: {  	v3 =	vld.idx.msk [tilespmem:v9+s5+$0x0], $0xffff;
	[tilespmem:s9+$0xFFFFFFF0] =	vst v4;
	v9 =	vmul.f32 v2, v10  }
0x208: {  	v2 =	vld.idx.msk [tilespmem:v8+s5+$0x0], $0xffff;
	[tilespmem:s9+$0x0] =	vst v7  }
0x209: {  	s23 =	sadd.s32 $0x50, s23;
	v4 =	vld [tilespmem:s21+$0xFFFFFFE0];
	v5 =	vmul.f32 v6, v11;
	[tilespmem:s9+$0x10] =	vst v9  }
0x20a: {  	v6 =	vld [tilespmem:s21+$0xFFFFFFF0]  }
0x20b: {  	v7 =	vld [tilespmem:s21+$0x0]  }
0x20c: {  	v8 =	vld [tilespmem:s21+$0x10];
	_ =	sdelay $0x1  }
0x20d: {  	s9 =	sadd.s32 $0x50, s9;
	v3 =	vmul.f32 v3, v4  }
0x20e: {  	[tilespmem:s9+$0x20] =	vst v5;
	v0 =	vmul.f32 v0, v6  }
0x20f: {  	v1 =	vmul.f32 v1, v7;
	[tilespmem:s9+$0xFFFFFFE0] =	vst v3  }
0x210: {  	v63 =	vmul.f32 v2, v8;
	[tilespmem:s9+$0xFFFFFFF0] =	vst v0  }
0x211: {  	[tilespmem:s9+$0x0] =	vst v1  }
0x212: {  	s20 =	sadd.s32 $0x1, s20;
	[tilespmem:s9+$0x10] =	vst v63  }
0x213: {  	[hbm4b:s26+s5] =	stream.linear.scatter [tilespmem:s12], [sflag:$0x3], $0xFA0, $0x38;
	[tilespmem:$0x14940] =	vst v63  }
0x214: {  	p0 =	sne.s32 s20, s28;
	_ =	swait.ge [sflag:s15], $0xFA0  }
.Ltmp9:
0x215: {  	[sflag:s15] =	ssyncset.done $0x0;
	(pc) =	sbr.rel @p0 .LBB2_1-.Ltmp9, $4  }
0x216: {  	[sflag:s15] =	ssyncadd.s32 $0xFFFFF060  }
0x217: {  	_ =	swait.ge [sflag:s19], $0xFA0  }
0x218: {  	[sflag:s19] =	ssyncset.done $0x0  }
0x219: {  	s23 =	simm.s32 $0x12400;
	[sflag:s19] =	ssyncadd.s32 $0xFFFFF060  }
0x21a: {  	_ =	sfence.sel $0x180000  }
0x21b: {  	[bflag:$0x0] =	sbarrier.arrive $0xFFFF  }
0x21c: {  	_ =	strace $0x9000004A  }
0x21d: {  	s0 =	stileid.u32;
	[bflag:$0x2] =	sbarrier.arrive $0xFFFF  }
0x21e: {  	p0 =	sne.s32 s0, $0x0;
	s0 =	rddreg [dreg:$0x4]  }
0x21f: {  	s0 =	sadd.s32 @!p0 $0x100000, s0  }
0x220: {  	[sflag:s0] =	ssyncadd.tile.s32 @!p0 $0x1;
	_ =	shalt  }
.Lfunc_end2:
_tile_overlayer_lowered:
.L_overlay_start_2:
0x221: {  	(tag) =	ssettag $0x2  }
0x222: {  	s0 =	rddreg [dreg:$0x0];
	s2 =	stileid.u32  }
0x223: {  	s1 =	rddreg [dreg:$0x1];
	p0 =	sne.s32 s2, $0x0  }
0x224: {  	s3 =	rddreg [dreg:$0x2];
	[bflag:$0x3] =	sbarrier.arrive $0xFFFF;
	s2 =	simm.s32 @!p0 $0x1C05  }
0x225: {  	[timem:s3], [sflag:s2] =	dma.local @!p0 [hbm:s0], s1  }
0x226: {  	s0 =	simm.s32 @!p0 $0x5  }
0x227: {  	_ =	swait.ge @!p0 [sflag:s0], s1  }
0x228: {  	s1 =	ssub.s32 @!p0 $0x0, s1;
	[sflag:s0] =	ssyncset.done @!p0 $0x0  }
0x229: {  	[sflag:s0] =	ssyncadd.s32 @!p0 s1  }
0x22a: {  	[bflag:$0x3] =	sbarrier.arrive $0xFFFF  }
0x22b: {  	_ =	shalt  }

</sc_bundles>
